<compile_context>
chip_gen: v7x
topology: tpu7x:2x2x1
jax: 0.10.2.dev20260603
libtpu: 0.0.44.dev20260713+nightly
codegen_flags: <defaults>
</compile_context>

<pallas_src>
import functools

import jax
import jax.numpy as jnp
from jax import lax
from jax.experimental import pallas as pl
from jax.experimental.pallas import tpu as pltpu
from jax.experimental.pallas import tpu_sc as plsc

B, C, H, W = 32, 192, 56, 56
G = C // 2
ROWS = B * H
NW = 32
RPW = ROWS // NW
NL = 16
NV = C // NL


def kernel(x1, x2):
    xt1 = jnp.transpose(x1, (0, 2, 3, 1)).reshape(ROWS, W, C)
    xt2 = jnp.transpose(x2, (0, 2, 3, 1)).reshape(ROWS, W, C)

    mesh = plsc.VectorSubcoreMesh(core_axis_name="c", subcore_axis_name="s")

    @functools.partial(
        pl.kernel,
        out_type=[
            jax.ShapeDtypeStruct((ROWS, W, C), jnp.float32),
            jax.ShapeDtypeStruct((ROWS, W, C), jnp.float32),
        ],
        mesh=mesh,
        scratch_types=[
            pltpu.VMEM((2, 2, W, C), jnp.float32),
            pltpu.VMEM((2, 2, W, C), jnp.float32),
            pltpu.SemaphoreType.DMA,
            pltpu.SemaphoreType.DMA,
            pltpu.SemaphoreType.DMA,
            pltpu.SemaphoreType.DMA,
        ],
        compiler_params=pltpu.CompilerParams(
            use_tc_tiling_on_sc=True, needs_layout_passes=False),
    )
    def shuffle(x1_hbm, x2_hbm, o1_hbm, o2_hbm, ibuf, obuf,
                in0, in1, out0, out1):
        wid = lax.axis_index("s") * 2 + lax.axis_index("c")
        base = wid * RPW
        in_sems = (in0, in1)
        out_sems = (out0, out1)

        lane = lax.iota(jnp.int32, NL)
        two = jnp.full((NL,), 2, jnp.int32)
        alt = lax.rem(lane, two)
        flr = lax.div(lane, two)
        cidx = [[lax.add(flr, jnp.full((NL,), G * o + (NL // 2) * v,
                                       jnp.int32))
                 for v in range(NV)]
                for o in range(2)]

        def fire_in(t, p):
            r = base + t
            pltpu.async_copy(x1_hbm.at[r], ibuf.at[p, 0], in_sems[p])
            pltpu.async_copy(x2_hbm.at[r], ibuf.at[p, 1], in_sems[p])

        def wait_in(t, p):
            r = base + t
            pltpu.make_async_copy(
                x1_hbm.at[r], ibuf.at[p, 0], in_sems[p]).wait()
            pltpu.make_async_copy(
                x2_hbm.at[r], ibuf.at[p, 1], in_sems[p]).wait()

        def fire_out(t, p, o):
            r = base + t
            dst = o1_hbm if o == 0 else o2_hbm
            pltpu.async_copy(obuf.at[p, o], dst.at[r], out_sems[p])

        def wait_out(t, p):
            r = base + t
            pltpu.make_async_copy(
                obuf.at[p, 0], o1_hbm.at[r], out_sems[p]).wait()
            pltpu.make_async_copy(
                obuf.at[p, 1], o2_hbm.at[r], out_sems[p]).wait()

        def compute(p, o):
            src = ibuf.at[p]

            @plsc.parallel_loop(0, W, 1, unroll=4)
            def wbody(w):
                wv = jnp.full((NL,), w, jnp.int32)
                vals = [plsc.load_gather(src, [alt, wv, cidx[o][v]])
                        for v in range(NV)]
                for v in range(NV):
                    obuf[p, o, w, pl.ds(NL * v, NL)] = vals[v]

        fire_in(0, 0)
        fire_in(1, 1)

        def body(t2, carry):
            for p in (0, 1):
                t = 2 * t2 + p
                wait_in(t, p)

                @pl.when(t2 > 0)
                def _():
                    wait_out(t - 2, p)

                compute(p, 0)
                fire_out(t, p, 0)
                compute(p, 1)
                fire_out(t, p, 1)

                @pl.when(t2 < RPW // 2 - 1)
                def _():
                    fire_in(t + 2, p)
            return carry

        lax.fori_loop(0, RPW // 2, body, 0)
        wait_out(RPW - 2, 0)
        wait_out(RPW - 1, 1)

    o1, o2 = shuffle(xt1, xt2)
    o1 = jnp.transpose(o1.reshape(B, H, W, C), (0, 3, 1, 2))
    o2 = jnp.transpose(o2.reshape(B, H, W, C), (0, 3, 1, 2))
    return o1, o2

# --- scband reference (transcript-rebuilt; emitter-appended) ---
"""Pipeline reference for scband-channel-shuffle-4329327034544 (READ-ONLY COPY).

The authoritative reference and input builder live on the scoring server;
editing this copy changes nothing except your own understanding.
"""

import jax, jax.numpy as jnp
import numpy as np

IN_CHANNELS = 384
GROUPS = 2
GROUP_LEN = IN_CHANNELS // GROUPS


def _fp_indices():
    out_channels = np.arange(IN_CHANNELS).reshape(GROUPS, GROUP_LEN).transpose(1, 0).flatten()
    fp_index1 = jnp.asarray(out_channels[:GROUP_LEN], dtype=jnp.int32)
    fp_index2 = jnp.asarray(out_channels[GROUP_LEN:], dtype=jnp.int32)
    return fp_index1, fp_index2


def setup_inputs(seed: int = 0) -> dict:
    key = jax.random.key(seed)
    k1, k2 = jax.random.split(key)
    x1 = jax.random.normal(k1, (32, 192, 56, 56), dtype=jnp.float32)
    x2 = jax.random.normal(k2, (32, 192, 56, 56), dtype=jnp.float32)
    return {"x1": x1, "x2": x2}


def reference(x1, x2):
    # ChannelShuffle with groups=2, split_shuffle=True (eval path):
    # concat along channels, then gather interleaved channel indices and split in two.
    fp_index1, fp_index2 = _fp_indices()
    x = jnp.concatenate([x1, x2], axis=1)
    y1 = jnp.take(x, fp_index1, axis=1)
    y2 = jnp.take(x, fp_index2, axis=1)
    return (y1, y2)

if __name__ == "__main__":
    import jax
    _d = setup_inputs()
    print(jax.jit(kernel)(*tuple(_d.values())))

</pallas_src>

<mosaic_0001>
#map = affine_map<(d0, d1) -> (0, 0, 0)>
module attributes {stable_mosaic.version = 14 : i64} {
  func.func @shuffle(%arg0: i32, %arg1: i32, %arg2: memref<1792x56x192xf32, #tpu.memory_space<hbm>>, %arg3: memref<1792x56x192xf32, #tpu.memory_space<hbm>>, %arg4: memref<1792x56x192xf32, #tpu.memory_space<hbm>>, %arg5: memref<1792x56x192xf32, #tpu.memory_space<hbm>>, %arg6: memref<2x2x56x192xf32, #tpu.memory_space<vmem>>, %arg7: memref<2x2x56x192xf32, #tpu.memory_space<vmem>>, %arg8: memref<!tpu.dma_semaphore, #tpu.memory_space<semaphore_mem>>, %arg9: memref<!tpu.dma_semaphore, #tpu.memory_space<semaphore_mem>>, %arg10: memref<!tpu.dma_semaphore, #tpu.memory_space<semaphore_mem>>, %arg11: memref<!tpu.dma_semaphore, #tpu.memory_space<semaphore_mem>>) attributes {dimension_semantics = [#tpu.dimension_semantics<core_parallel>, #tpu.dimension_semantics<subcore_parallel>], iteration_bounds = array<i64: 2, 16>, scalar_prefetch = 0 : i64, scratch_operands = 6 : i64, tpu.core_type = #tpu.core_type<sc_vector_subcore>, window_params = [{transform_indices = #map}, {transform_indices = #map}, {transform_indices = #map}, {transform_indices = #map}]} {
    %mul3A = arith.constant 2 : i32
    %mul3A_0 = arith.muli %arg1, %mul3A : i32
    %add3A = arith.addi %mul3A_0, %arg0 : i32
    %mul3A_1 = arith.constant 56 : i32
    %mul3A_2 = arith.muli %add3A, %mul3A_1 : i32
    %iota3A = tpu.iota {dimensions = array<i32: 0>} : vector<16xi32>
    %broadcast_in_dim3A = arith.constant 2 : i32
    %broadcast_in_dim3A_3 = vector.broadcast %broadcast_in_dim3A : i32 to vector<16xi32>
    %rem3A = arith.remsi %iota3A, %broadcast_in_dim3A_3 : vector<16xi32>
    %div3A = arith.divsi %iota3A, %broadcast_in_dim3A_3 : vector<16xi32>
    %broadcast_in_dim3A_4 = arith.constant 0 : i32
    %broadcast_in_dim3A_5 = vector.broadcast %broadcast_in_dim3A_4 : i32 to vector<16xi32>
    %add3A_6 = arith.addi %div3A, %broadcast_in_dim3A_5 : vector<16xi32>
    %broadcast_in_dim3A_7 = arith.constant 8 : i32
    %broadcast_in_dim3A_8 = vector.broadcast %broadcast_in_dim3A_7 : i32 to vector<16xi32>
    %add3A_9 = arith.addi %div3A, %broadcast_in_dim3A_8 : vector<16xi32>
    %broadcast_in_dim3A_10 = arith.constant 16 : i32
    %broadcast_in_dim3A_11 = vector.broadcast %broadcast_in_dim3A_10 : i32 to vector<16xi32>
    %add3A_12 = arith.addi %div3A, %broadcast_in_dim3A_11 : vector<16xi32>
    %broadcast_in_dim3A_13 = arith.constant 24 : i32
    %broadcast_in_dim3A_14 = vector.broadcast %broadcast_in_dim3A_13 : i32 to vector<16xi32>
    %add3A_15 = arith.addi %div3A, %broadcast_in_dim3A_14 : vector<16xi32>
    %broadcast_in_dim3A_16 = arith.constant 32 : i32
    %broadcast_in_dim3A_17 = vector.broadcast %broadcast_in_dim3A_16 : i32 to vector<16xi32>
    %add3A_18 = arith.addi %div3A, %broadcast_in_dim3A_17 : vector<16xi32>
    %broadcast_in_dim3A_19 = arith.constant 40 : i32
    %broadcast_in_dim3A_20 = vector.broadcast %broadcast_in_dim3A_19 : i32 to vector<16xi32>
    %add3A_21 = arith.addi %div3A, %broadcast_in_dim3A_20 : vector<16xi32>
    %broadcast_in_dim3A_22 = arith.constant 48 : i32
    %broadcast_in_dim3A_23 = vector.broadcast %broadcast_in_dim3A_22 : i32 to vector<16xi32>
    %add3A_24 = arith.addi %div3A, %broadcast_in_dim3A_23 : vector<16xi32>
    %broadcast_in_dim3A_25 = arith.constant 56 : i32
    %broadcast_in_dim3A_26 = vector.broadcast %broadcast_in_dim3A_25 : i32 to vector<16xi32>
    %add3A_27 = arith.addi %div3A, %broadcast_in_dim3A_26 : vector<16xi32>
    %broadcast_in_dim3A_28 = arith.constant 64 : i32
    %broadcast_in_dim3A_29 = vector.broadcast %broadcast_in_dim3A_28 : i32 to vector<16xi32>
    %add3A_30 = arith.addi %div3A, %broadcast_in_dim3A_29 : vector<16xi32>
    %broadcast_in_dim3A_31 = arith.constant 72 : i32
    %broadcast_in_dim3A_32 = vector.broadcast %broadcast_in_dim3A_31 : i32 to vector<16xi32>
    %add3A_33 = arith.addi %div3A, %broadcast_in_dim3A_32 : vector<16xi32>
    %broadcast_in_dim3A_34 = arith.constant 80 : i32
    %broadcast_in_dim3A_35 = vector.broadcast %broadcast_in_dim3A_34 : i32 to vector<16xi32>
    %add3A_36 = arith.addi %div3A, %broadcast_in_dim3A_35 : vector<16xi32>
    %broadcast_in_dim3A_37 = arith.constant 88 : i32
    %broadcast_in_dim3A_38 = vector.broadcast %broadcast_in_dim3A_37 : i32 to vector<16xi32>
    %add3A_39 = arith.addi %div3A, %broadcast_in_dim3A_38 : vector<16xi32>
    %broadcast_in_dim3A_40 = arith.constant 96 : i32
    %broadcast_in_dim3A_41 = vector.broadcast %broadcast_in_dim3A_40 : i32 to vector<16xi32>
    %add3A_42 = arith.addi %div3A, %broadcast_in_dim3A_41 : vector<16xi32>
    %broadcast_in_dim3A_43 = arith.constant 104 : i32
    %broadcast_in_dim3A_44 = vector.broadcast %broadcast_in_dim3A_43 : i32 to vector<16xi32>
    %add3A_45 = arith.addi %div3A, %broadcast_in_dim3A_44 : vector<16xi32>
    %broadcast_in_dim3A_46 = arith.constant 112 : i32
    %broadcast_in_dim3A_47 = vector.broadcast %broadcast_in_dim3A_46 : i32 to vector<16xi32>
    %add3A_48 = arith.addi %div3A, %broadcast_in_dim3A_47 : vector<16xi32>
    %broadcast_in_dim3A_49 = arith.constant 120 : i32
    %broadcast_in_dim3A_50 = vector.broadcast %broadcast_in_dim3A_49 : i32 to vector<16xi32>
    %add3A_51 = arith.addi %div3A, %broadcast_in_dim3A_50 : vector<16xi32>
    %broadcast_in_dim3A_52 = arith.constant 128 : i32
    %broadcast_in_dim3A_53 = vector.broadcast %broadcast_in_dim3A_52 : i32 to vector<16xi32>
    %add3A_54 = arith.addi %div3A, %broadcast_in_dim3A_53 : vector<16xi32>
    %broadcast_in_dim3A_55 = arith.constant 136 : i32
    %broadcast_in_dim3A_56 = vector.broadcast %broadcast_in_dim3A_55 : i32 to vector<16xi32>
    %add3A_57 = arith.addi %div3A, %broadcast_in_dim3A_56 : vector<16xi32>
    %broadcast_in_dim3A_58 = arith.constant 144 : i32
    %broadcast_in_dim3A_59 = vector.broadcast %broadcast_in_dim3A_58 : i32 to vector<16xi32>
    %add3A_60 = arith.addi %div3A, %broadcast_in_dim3A_59 : vector<16xi32>
    %broadcast_in_dim3A_61 = arith.constant 152 : i32
    %broadcast_in_dim3A_62 = vector.broadcast %broadcast_in_dim3A_61 : i32 to vector<16xi32>
    %add3A_63 = arith.addi %div3A, %broadcast_in_dim3A_62 : vector<16xi32>
    %broadcast_in_dim3A_64 = arith.constant 160 : i32
    %broadcast_in_dim3A_65 = vector.broadcast %broadcast_in_dim3A_64 : i32 to vector<16xi32>
    %add3A_66 = arith.addi %div3A, %broadcast_in_dim3A_65 : vector<16xi32>
    %broadcast_in_dim3A_67 = arith.constant 168 : i32
    %broadcast_in_dim3A_68 = vector.broadcast %broadcast_in_dim3A_67 : i32 to vector<16xi32>
    %add3A_69 = arith.addi %div3A, %broadcast_in_dim3A_68 : vector<16xi32>
    %broadcast_in_dim3A_70 = arith.constant 176 : i32
    %broadcast_in_dim3A_71 = vector.broadcast %broadcast_in_dim3A_70 : i32 to vector<16xi32>
    %add3A_72 = arith.addi %div3A, %broadcast_in_dim3A_71 : vector<16xi32>
    %broadcast_in_dim3A_73 = arith.constant 184 : i32
    %broadcast_in_dim3A_74 = vector.broadcast %broadcast_in_dim3A_73 : i32 to vector<16xi32>
    %add3A_75 = arith.addi %div3A, %broadcast_in_dim3A_74 : vector<16xi32>
    %add3A_76 = arith.constant 0 : i32
    %add3A_77 = arith.addi %mul3A_2, %add3A_76 : i32
    %dma_start3A = arith.constant 0 : i32
    %dma_start3A_78 = arith.constant 0 : i32
    %dma_start3A_79 = arith.constant 0 : i32
    %dma_start3A_80 = arith.constant 0 : i32
    %dma_start3A_81 = tpu.memref_slice %arg6[%dma_start3A, %dma_start3A_78, %dma_start3A_79, %dma_start3A_80] : memref<2x2x56x192xf32, #tpu.memory_space<vmem>> -> memref<1x1x56x192xf32, #tpu.memory_space<vmem>>
    %dma_start3A_82 = tpu.memref_squeeze %dma_start3A_81 : memref<1x1x56x192xf32, #tpu.memory_space<vmem>> -> memref<56x192xf32, #tpu.memory_space<vmem>>
    %dma_start3A_83 = arith.constant 0 : i32
    %dma_start3A_84 = arith.constant 0 : i32
    %dma_start3A_85 = tpu.memref_slice %arg2[%add3A_77, %dma_start3A_83, %dma_start3A_84] : memref<1792x56x192xf32, #tpu.memory_space<hbm>> -> memref<1x56x192xf32, #tpu.memory_space<hbm>>
    %dma_start3A_86 = tpu.memref_squeeze %dma_start3A_85 : memref<1x56x192xf32, #tpu.memory_space<hbm>> -> memref<56x192xf32, #tpu.memory_space<hbm>>
    %dma_start3A_87 = arith.constant 0 : i32
    %dma_start3A_88 = arith.constant 0 : i32
    %dma_start3A_89 = tpu.memref_slice %arg6[%dma_start3A, %dma_start3A_78, %dma_start3A_87, %dma_start3A_88] : memref<2x2x56x192xf32, #tpu.memory_space<vmem>> -> memref<1x1x56x192xf32, #tpu.memory_space<vmem>>
    %dma_start3A_90 = tpu.memref_squeeze %dma_start3A_89 : memref<1x1x56x192xf32, #tpu.memory_space<vmem>> -> memref<56x192xf32, #tpu.memory_space<vmem>>
    %dma_start3A_91 = arith.constant 0 : i32
    %dma_start3A_92 = arith.constant 0 : i32
    %dma_start3A_93 = tpu.memref_slice %arg2[%add3A_77, %dma_start3A_91, %dma_start3A_92] : memref<1792x56x192xf32, #tpu.memory_space<hbm>> -> memref<1x56x192xf32, #tpu.memory_space<hbm>>
    %dma_start3A_94 = tpu.memref_squeeze %dma_start3A_93 : memref<1x56x192xf32, #tpu.memory_space<hbm>> -> memref<56x192xf32, #tpu.memory_space<hbm>>
    tpu.enqueue_dma source(%dma_start3A_94 : memref<56x192xf32, #tpu.memory_space<hbm>>) target(%dma_start3A_90 : memref<56x192xf32, #tpu.memory_space<vmem>>) target_semaphore(%arg8 : memref<!tpu.dma_semaphore, #tpu.memory_space<semaphore_mem>>)
    %dma_start3A_95 = arith.constant 0 : i32
    %dma_start3A_96 = arith.constant 1 : i32
    %dma_start3A_97 = arith.constant 0 : i32
    %dma_start3A_98 = arith.constant 0 : i32
    %dma_start3A_99 = tpu.memref_slice %arg6[%dma_start3A_95, %dma_start3A_96, %dma_start3A_97, %dma_start3A_98] : memref<2x2x56x192xf32, #tpu.memory_space<vmem>> -> memref<1x1x56x192xf32, #tpu.memory_space<vmem>>
    %dma_start3A_100 = tpu.memref_squeeze %dma_start3A_99 : memref<1x1x56x192xf32, #tpu.memory_space<vmem>> -> memref<56x192xf32, #tpu.memory_space<vmem>>
    %dma_start3A_101 = arith.constant 0 : i32
    %dma_start3A_102 = arith.constant 0 : i32
    %dma_start3A_103 = tpu.memref_slice %arg3[%add3A_77, %dma_start3A_101, %dma_start3A_102] : memref<1792x56x192xf32, #tpu.memory_space<hbm>> -> memref<1x56x192xf32, #tpu.memory_space<hbm>>
    %dma_start3A_104 = tpu.memref_squeeze %dma_start3A_103 : memref<1x56x192xf32, #tpu.memory_space<hbm>> -> memref<56x192xf32, #tpu.memory_space<hbm>>
    %dma_start3A_105 = arith.constant 0 : i32
    %dma_start3A_106 = arith.constant 0 : i32
    %dma_start3A_107 = tpu.memref_slice %arg6[%dma_start3A_95, %dma_start3A_96, %dma_start3A_105, %dma_start3A_106] : memref<2x2x56x192xf32, #tpu.memory_space<vmem>> -> memref<1x1x56x192xf32, #tpu.memory_space<vmem>>
    %dma_start3A_108 = tpu.memref_squeeze %dma_start3A_107 : memref<1x1x56x192xf32, #tpu.memory_space<vmem>> -> memref<56x192xf32, #tpu.memory_space<vmem>>
    %dma_start3A_109 = arith.constant 0 : i32
    %dma_start3A_110 = arith.constant 0 : i32
    %dma_start3A_111 = tpu.memref_slice %arg3[%add3A_77, %dma_start3A_109, %dma_start3A_110] : memref<1792x56x192xf32, #tpu.memory_space<hbm>> -> memref<1x56x192xf32, #tpu.memory_space<hbm>>
    %dma_start3A_112 = tpu.memref_squeeze %dma_start3A_111 : memref<1x56x192xf32, #tpu.memory_space<hbm>> -> memref<56x192xf32, #tpu.memory_space<hbm>>
    tpu.enqueue_dma source(%dma_start3A_112 : memref<56x192xf32, #tpu.memory_space<hbm>>) target(%dma_start3A_108 : memref<56x192xf32, #tpu.memory_space<vmem>>) target_semaphore(%arg8 : memref<!tpu.dma_semaphore, #tpu.memory_space<semaphore_mem>>)
    %add3A_113 = arith.constant 1 : i32
    %add3A_114 = arith.addi %mul3A_2, %add3A_113 : i32
    %dma_start3A_115 = arith.constant 1 : i32
    %dma_start3A_116 = arith.constant 0 : i32
    %dma_start3A_117 = arith.constant 0 : i32
    %dma_start3A_118 = arith.constant 0 : i32
    %dma_start3A_119 = tpu.memref_slice %arg6[%dma_start3A_115, %dma_start3A_116, %dma_start3A_117, %dma_start3A_118] : memref<2x2x56x192xf32, #tpu.memory_space<vmem>> -> memref<1x1x56x192xf32, #tpu.memory_space<vmem>>
    %dma_start3A_120 = tpu.memref_squeeze %dma_start3A_119 : memref<1x1x56x192xf32, #tpu.memory_space<vmem>> -> memref<56x192xf32, #tpu.memory_space<vmem>>
    %dma_start3A_121 = arith.constant 0 : i32
    %dma_start3A_122 = arith.constant 0 : i32
    %dma_start3A_123 = tpu.memref_slice %arg2[%add3A_114, %dma_start3A_121, %dma_start3A_122] : memref<1792x56x192xf32, #tpu.memory_space<hbm>> -> memref<1x56x192xf32, #tpu.memory_space<hbm>>
    %dma_start3A_124 = tpu.memref_squeeze %dma_start3A_123 : memref<1x56x192xf32, #tpu.memory_space<hbm>> -> memref<56x192xf32, #tpu.memory_space<hbm>>
    %dma_start3A_125 = arith.constant 0 : i32
    %dma_start3A_126 = arith.constant 0 : i32
    %dma_start3A_127 = tpu.memref_slice %arg6[%dma_start3A_115, %dma_start3A_116, %dma_start3A_125, %dma_start3A_126] : memref<2x2x56x192xf32, #tpu.memory_space<vmem>> -> memref<1x1x56x192xf32, #tpu.memory_space<vmem>>
    %dma_start3A_128 = tpu.memref_squeeze %dma_start3A_127 : memref<1x1x56x192xf32, #tpu.memory_space<vmem>> -> memref<56x192xf32, #tpu.memory_space<vmem>>
    %dma_start3A_129 = arith.constant 0 : i32
    %dma_start3A_130 = arith.constant 0 : i32
    %dma_start3A_131 = tpu.memref_slice %arg2[%add3A_114, %dma_start3A_129, %dma_start3A_130] : memref<1792x56x192xf32, #tpu.memory_space<hbm>> -> memref<1x56x192xf32, #tpu.memory_space<hbm>>
    %dma_start3A_132 = tpu.memref_squeeze %dma_start3A_131 : memref<1x56x192xf32, #tpu.memory_space<hbm>> -> memref<56x192xf32, #tpu.memory_space<hbm>>
    tpu.enqueue_dma source(%dma_start3A_132 : memref<56x192xf32, #tpu.memory_space<hbm>>) target(%dma_start3A_128 : memref<56x192xf32, #tpu.memory_space<vmem>>) target_semaphore(%arg9 : memref<!tpu.dma_semaphore, #tpu.memory_space<semaphore_mem>>)
    %dma_start3A_133 = arith.constant 1 : i32
    %dma_start3A_134 = arith.constant 1 : i32
    %dma_start3A_135 = arith.constant 0 : i32
    %dma_start3A_136 = arith.constant 0 : i32
    %dma_start3A_137 = tpu.memref_slice %arg6[%dma_start3A_133, %dma_start3A_134, %dma_start3A_135, %dma_start3A_136] : memref<2x2x56x192xf32, #tpu.memory_space<vmem>> -> memref<1x1x56x192xf32, #tpu.memory_space<vmem>>
    %dma_start3A_138 = tpu.memref_squeeze %dma_start3A_137 : memref<1x1x56x192xf32, #tpu.memory_space<vmem>> -> memref<56x192xf32, #tpu.memory_space<vmem>>
    %dma_start3A_139 = arith.constant 0 : i32
    %dma_start3A_140 = arith.constant 0 : i32
    %dma_start3A_141 = tpu.memref_slice %arg3[%add3A_114, %dma_start3A_139, %dma_start3A_140] : memref<1792x56x192xf32, #tpu.memory_space<hbm>> -> memref<1x56x192xf32, #tpu.memory_space<hbm>>
    %dma_start3A_142 = tpu.memref_squeeze %dma_start3A_141 : memref<1x56x192xf32, #tpu.memory_space<hbm>> -> memref<56x192xf32, #tpu.memory_space<hbm>>
    %dma_start3A_143 = arith.constant 0 : i32
    %dma_start3A_144 = arith.constant 0 : i32
    %dma_start3A_145 = tpu.memref_slice %arg6[%dma_start3A_133, %dma_start3A_134, %dma_start3A_143, %dma_start3A_144] : memref<2x2x56x192xf32, #tpu.memory_space<vmem>> -> memref<1x1x56x192xf32, #tpu.memory_space<vmem>>
    %dma_start3A_146 = tpu.memref_squeeze %dma_start3A_145 : memref<1x1x56x192xf32, #tpu.memory_space<vmem>> -> memref<56x192xf32, #tpu.memory_space<vmem>>
    %dma_start3A_147 = arith.constant 0 : i32
    %dma_start3A_148 = arith.constant 0 : i32
    %dma_start3A_149 = tpu.memref_slice %arg3[%add3A_114, %dma_start3A_147, %dma_start3A_148] : memref<1792x56x192xf32, #tpu.memory_space<hbm>> -> memref<1x56x192xf32, #tpu.memory_space<hbm>>
    %dma_start3A_150 = tpu.memref_squeeze %dma_start3A_149 : memref<1x56x192xf32, #tpu.memory_space<hbm>> -> memref<56x192xf32, #tpu.memory_space<hbm>>
    tpu.enqueue_dma source(%dma_start3A_150 : memref<56x192xf32, #tpu.memory_space<hbm>>) target(%dma_start3A_146 : memref<56x192xf32, #tpu.memory_space<vmem>>) target_semaphore(%arg9 : memref<!tpu.dma_semaphore, #tpu.memory_space<semaphore_mem>>)
    %scan3A = arith.constant 0 : i32
    %scan3A_151 = arith.constant 0 : i32
    %scan3A_152 = arith.constant 28 : i32
    %scan3A_153 = arith.addi %scan3A_151, %scan3A_152 : i32
    %scan3A_154 = arith.constant 1 : i32
    scf.for %scan3A_231 = %scan3A_151 to %scan3A_153 step %scan3A_154  : i32 {
      %mul3A_232 = arith.constant 2 : i32
      %mul3A_233 = arith.muli %mul3A_232, %scan3A_231 : i32
      %add3A_234 = arith.constant 0 : i32
      %add3A_235 = arith.addi %mul3A_233, %add3A_234 : i32
      %add3A_236 = arith.addi %mul3A_2, %add3A_235 : i32
      %dma_wait3A_237 = arith.constant 0 : i32
      %dma_wait3A_238 = arith.constant 0 : i32
      %dma_wait3A_239 = arith.constant 0 : i32
      %dma_wait3A_240 = arith.constant 0 : i32
      %dma_wait3A_241 = tpu.memref_slice %arg6[%dma_wait3A_237, %dma_wait3A_238, %dma_wait3A_239, %dma_wait3A_240] : memref<2x2x56x192xf32, #tpu.memory_space<vmem>> -> memref<1x1x56x192xf32, #tpu.memory_space<vmem>>
      %dma_wait3A_242 = tpu.memref_squeeze %dma_wait3A_241 : memref<1x1x56x192xf32, #tpu.memory_space<vmem>> -> memref<56x192xf32, #tpu.memory_space<vmem>>
      %dma_wait3A_243 = arith.constant 0 : i32
      %dma_wait3A_244 = arith.constant 0 : i32
      %dma_wait3A_245 = tpu.memref_slice %arg2[%add3A_236, %dma_wait3A_243, %dma_wait3A_244] : memref<1792x56x192xf32, #tpu.memory_space<hbm>> -> memref<1x56x192xf32, #tpu.memory_space<hbm>>
      %dma_wait3A_246 = tpu.memref_squeeze %dma_wait3A_245 : memref<1x56x192xf32, #tpu.memory_space<hbm>> -> memref<56x192xf32, #tpu.memory_space<hbm>>
      %dma_wait3A_247 = arith.constant 0 : i32
      %dma_wait3A_248 = arith.constant 0 : i32
      %dma_wait3A_249 = tpu.memref_slice %arg6[%dma_wait3A_237, %dma_wait3A_238, %dma_wait3A_247, %dma_wait3A_248] : memref<2x2x56x192xf32, #tpu.memory_space<vmem>> -> memref<1x1x56x192xf32, #tpu.memory_space<vmem>>
      %dma_wait3A_250 = tpu.memref_squeeze %dma_wait3A_249 : memref<1x1x56x192xf32, #tpu.memory_space<vmem>> -> memref<56x192xf32, #tpu.memory_space<vmem>>
      %dma_wait3A_251 = arith.constant 0 : i32
      %dma_wait3A_252 = arith.constant 0 : i32
      %dma_wait3A_253 = tpu.memref_slice %arg2[%add3A_236, %dma_wait3A_251, %dma_wait3A_252] : memref<1792x56x192xf32, #tpu.memory_space<hbm>> -> memref<1x56x192xf32, #tpu.memory_space<hbm>>
      %dma_wait3A_254 = tpu.memref_squeeze %dma_wait3A_253 : memref<1x56x192xf32, #tpu.memory_space<hbm>> -> memref<56x192xf32, #tpu.memory_space<hbm>>
      tpu.wait_dma2 semaphore(%arg8 : memref<!tpu.dma_semaphore, #tpu.memory_space<semaphore_mem>>) src(%dma_wait3A_254 : memref<56x192xf32, #tpu.memory_space<hbm>>) dst(%dma_wait3A_250 : memref<56x192xf32, #tpu.memory_space<vmem>>)
      %dma_wait3A_255 = arith.constant 0 : i32
      %dma_wait3A_256 = arith.constant 1 : i32
      %dma_wait3A_257 = arith.constant 0 : i32
      %dma_wait3A_258 = arith.constant 0 : i32
      %dma_wait3A_259 = tpu.memref_slice %arg6[%dma_wait3A_255, %dma_wait3A_256, %dma_wait3A_257, %dma_wait3A_258] : memref<2x2x56x192xf32, #tpu.memory_space<vmem>> -> memref<1x1x56x192xf32, #tpu.memory_space<vmem>>
      %dma_wait3A_260 = tpu.memref_squeeze %dma_wait3A_259 : memref<1x1x56x192xf32, #tpu.memory_space<vmem>> -> memref<56x192xf32, #tpu.memory_space<vmem>>
      %dma_wait3A_261 = arith.constant 0 : i32
      %dma_wait3A_262 = arith.constant 0 : i32
      %dma_wait3A_263 = tpu.memref_slice %arg3[%add3A_236, %dma_wait3A_261, %dma_wait3A_262] : memref<1792x56x192xf32, #tpu.memory_space<hbm>> -> memref<1x56x192xf32, #tpu.memory_space<hbm>>
      %dma_wait3A_264 = tpu.memref_squeeze %dma_wait3A_263 : memref<1x56x192xf32, #tpu.memory_space<hbm>> -> memref<56x192xf32, #tpu.memory_space<hbm>>
      %dma_wait3A_265 = arith.constant 0 : i32
      %dma_wait3A_266 = arith.constant 0 : i32
      %dma_wait3A_267 = tpu.memref_slice %arg6[%dma_wait3A_255, %dma_wait3A_256, %dma_wait3A_265, %dma_wait3A_266] : memref<2x2x56x192xf32, #tpu.memory_space<vmem>> -> memref<1x1x56x192xf32, #tpu.memory_space<vmem>>
      %dma_wait3A_268 = tpu.memref_squeeze %dma_wait3A_267 : memref<1x1x56x192xf32, #tpu.memory_space<vmem>> -> memref<56x192xf32, #tpu.memory_space<vmem>>
      %dma_wait3A_269 = arith.constant 0 : i32
      %dma_wait3A_270 = arith.constant 0 : i32
      %dma_wait3A_271 = tpu.memref_slice %arg3[%add3A_236, %dma_wait3A_269, %dma_wait3A_270] : memref<1792x56x192xf32, #tpu.memory_space<hbm>> -> memref<1x56x192xf32, #tpu.memory_space<hbm>>
      %dma_wait3A_272 = tpu.memref_squeeze %dma_wait3A_271 : memref<1x56x192xf32, #tpu.memory_space<hbm>> -> memref<56x192xf32, #tpu.memory_space<hbm>>
      tpu.wait_dma2 semaphore(%arg8 : memref<!tpu.dma_semaphore, #tpu.memory_space<semaphore_mem>>) src(%dma_wait3A_272 : memref<56x192xf32, #tpu.memory_space<hbm>>) dst(%dma_wait3A_268 : memref<56x192xf32, #tpu.memory_space<vmem>>)
      %gt3A = arith.constant 0 : i32
      %gt3A_273 = arith.cmpi sgt, %scan3A_231, %gt3A : i32
      %convert_element_type3A = arith.extui %gt3A_273 : i1 to i32
      %cond3A = arith.constant 0 : i32
      %cond3A_274 = arith.cmpi ne, %convert_element_type3A, %cond3A : i32
      scf.if %cond3A_274 {
        %sub3A = arith.constant 2 : i32
        %sub3A_421 = arith.subi %add3A_235, %sub3A : i32
        %add3A_422 = arith.addi %mul3A_2, %sub3A_421 : i32
        %dma_wait3A_423 = arith.constant 0 : i32
        %dma_wait3A_424 = arith.constant 0 : i32
        %dma_wait3A_425 = arith.constant 0 : i32
        %dma_wait3A_426 = arith.constant 0 : i32
        %dma_wait3A_427 = tpu.memref_slice %arg7[%dma_wait3A_423, %dma_wait3A_424, %dma_wait3A_425, %dma_wait3A_426] : memref<2x2x56x192xf32, #tpu.memory_space<vmem>> -> memref<1x1x56x192xf32, #tpu.memory_space<vmem>>
        %dma_wait3A_428 = tpu.memref_squeeze %dma_wait3A_427 : memref<1x1x56x192xf32, #tpu.memory_space<vmem>> -> memref<56x192xf32, #tpu.memory_space<vmem>>
        %dma_wait3A_429 = arith.constant 0 : i32
        %dma_wait3A_430 = arith.constant 0 : i32
        %dma_wait3A_431 = tpu.memref_slice %arg4[%add3A_422, %dma_wait3A_429, %dma_wait3A_430] : memref<1792x56x192xf32, #tpu.memory_space<hbm>> -> memref<1x56x192xf32, #tpu.memory_space<hbm>>
        %dma_wait3A_432 = tpu.memref_squeeze %dma_wait3A_431 : memref<1x56x192xf32, #tpu.memory_space<hbm>> -> memref<56x192xf32, #tpu.memory_space<hbm>>
        %dma_wait3A_433 = arith.constant 0 : i32
        %dma_wait3A_434 = arith.constant 0 : i32
        %dma_wait3A_435 = tpu.memref_slice %arg4[%add3A_422, %dma_wait3A_433, %dma_wait3A_434] : memref<1792x56x192xf32, #tpu.memory_space<hbm>> -> memref<1x56x192xf32, #tpu.memory_space<hbm>>
        %dma_wait3A_436 = tpu.memref_squeeze %dma_wait3A_435 : memref<1x56x192xf32, #tpu.memory_space<hbm>> -> memref<56x192xf32, #tpu.memory_space<hbm>>
        %dma_wait3A_437 = arith.constant 0 : i32
        %dma_wait3A_438 = arith.constant 0 : i32
        %dma_wait3A_439 = tpu.memref_slice %arg7[%dma_wait3A_423, %dma_wait3A_424, %dma_wait3A_437, %dma_wait3A_438] : memref<2x2x56x192xf32, #tpu.memory_space<vmem>> -> memref<1x1x56x192xf32, #tpu.memory_space<vmem>>
        %dma_wait3A_440 = tpu.memref_squeeze %dma_wait3A_439 : memref<1x1x56x192xf32, #tpu.memory_space<vmem>> -> memref<56x192xf32, #tpu.memory_space<vmem>>
        tpu.wait_dma2 semaphore(%arg10 : memref<!tpu.dma_semaphore, #tpu.memory_space<semaphore_mem>>) src(%dma_wait3A_440 : memref<56x192xf32, #tpu.memory_space<vmem>>) dst(%dma_wait3A_436 : memref<56x192xf32, #tpu.memory_space<hbm>>)
        %dma_wait3A_441 = arith.constant 0 : i32
        %dma_wait3A_442 = arith.constant 1 : i32
        %dma_wait3A_443 = arith.constant 0 : i32
        %dma_wait3A_444 = arith.constant 0 : i32
        %dma_wait3A_445 = tpu.memref_slice %arg7[%dma_wait3A_441, %dma_wait3A_442, %dma_wait3A_443, %dma_wait3A_444] : memref<2x2x56x192xf32, #tpu.memory_space<vmem>> -> memref<1x1x56x192xf32, #tpu.memory_space<vmem>>
        %dma_wait3A_446 = tpu.memref_squeeze %dma_wait3A_445 : memref<1x1x56x192xf32, #tpu.memory_space<vmem>> -> memref<56x192xf32, #tpu.memory_space<vmem>>
        %dma_wait3A_447 = arith.constant 0 : i32
        %dma_wait3A_448 = arith.constant 0 : i32
        %dma_wait3A_449 = tpu.memref_slice %arg5[%add3A_422, %dma_wait3A_447, %dma_wait3A_448] : memref<1792x56x192xf32, #tpu.memory_space<hbm>> -> memref<1x56x192xf32, #tpu.memory_space<hbm>>
        %dma_wait3A_450 = tpu.memref_squeeze %dma_wait3A_449 : memref<1x56x192xf32, #tpu.memory_space<hbm>> -> memref<56x192xf32, #tpu.memory_space<hbm>>
        %dma_wait3A_451 = arith.constant 0 : i32
        %dma_wait3A_452 = arith.constant 0 : i32
        %dma_wait3A_453 = tpu.memref_slice %arg5[%add3A_422, %dma_wait3A_451, %dma_wait3A_452] : memref<1792x56x192xf32, #tpu.memory_space<hbm>> -> memref<1x56x192xf32, #tpu.memory_space<hbm>>
        %dma_wait3A_454 = tpu.memref_squeeze %dma_wait3A_453 : memref<1x56x192xf32, #tpu.memory_space<hbm>> -> memref<56x192xf32, #tpu.memory_space<hbm>>
        %dma_wait3A_455 = arith.constant 0 : i32
        %dma_wait3A_456 = arith.constant 0 : i32
        %dma_wait3A_457 = tpu.memref_slice %arg7[%dma_wait3A_441, %dma_wait3A_442, %dma_wait3A_455, %dma_wait3A_456] : memref<2x2x56x192xf32, #tpu.memory_space<vmem>> -> memref<1x1x56x192xf32, #tpu.memory_space<vmem>>
        %dma_wait3A_458 = tpu.memref_squeeze %dma_wait3A_457 : memref<1x1x56x192xf32, #tpu.memory_space<vmem>> -> memref<56x192xf32, #tpu.memory_space<vmem>>
        tpu.wait_dma2 semaphore(%arg10 : memref<!tpu.dma_semaphore, #tpu.memory_space<semaphore_mem>>) src(%dma_wait3A_458 : memref<56x192xf32, #tpu.memory_space<vmem>>) dst(%dma_wait3A_454 : memref<56x192xf32, #tpu.memory_space<hbm>>)
      } else {
      }
      %parallel_loop3A = arith.constant 0 : i32
      %parallel_loop3A_275 = arith.constant 56 : i32
      %parallel_loop3A_276 = arith.constant 1 : i32
      %parallel_loop3A_277 = arith.constant 0 : i32
      scf.for %parallel_loop3A_421 = %parallel_loop3A to %parallel_loop3A_275 step %parallel_loop3A_276  : i32 {
        %parallel_loop3A_422 = vector.broadcast %parallel_loop3A_421 : i32 to vector<16xi32>
        %parallel_loop3A_423 = arith.constant 0 : i32
        %parallel_loop3A_424 = arith.constant 0 : i32
        %parallel_loop3A_425 = arith.constant 0 : i32
        %parallel_loop3A_426 = tpu.memref_slice %arg6[%parallel_loop3A_277, %parallel_loop3A_423, %parallel_loop3A_424, %parallel_loop3A_425] : memref<2x2x56x192xf32, #tpu.memory_space<vmem>> -> memref<1x2x56x192xf32, #tpu.memory_space<vmem>>
        %parallel_loop3A_427 = tpu.memref_squeeze %parallel_loop3A_426 : memref<1x2x56x192xf32, #tpu.memory_space<vmem>> -> memref<2x56x192xf32, #tpu.memory_space<vmem>>
        %parallel_loop3A_428 = tpu.vector_load_idx %parallel_loop3A_427[%rem3A, %parallel_loop3A_422, %add3A_6] : memref<2x56x192xf32, #tpu.memory_space<vmem>>[vector<16xi32>, vector<16xi32>, vector<16xi32>], vector<16xf32>,
        %parallel_loop3A_429 = arith.constant 0 : i32
        %parallel_loop3A_430 = arith.constant 0 : i32
        %parallel_loop3A_431 = arith.constant 0 : i32
        %parallel_loop3A_432 = tpu.memref_slice %arg6[%parallel_loop3A_277, %parallel_loop3A_429, %parallel_loop3A_430, %parallel_loop3A_431] : memref<2x2x56x192xf32, #tpu.memory_space<vmem>> -> memref<1x2x56x192xf32, #tpu.memory_space<vmem>>
        %parallel_loop3A_433 = tpu.memref_squeeze %parallel_loop3A_432 : memref<1x2x56x192xf32, #tpu.memory_space<vmem>> -> memref<2x56x192xf32, #tpu.memory_space<vmem>>
        %parallel_loop3A_434 = tpu.vector_load_idx %parallel_loop3A_433[%rem3A, %parallel_loop3A_422, %add3A_9] : memref<2x56x192xf32, #tpu.memory_space<vmem>>[vector<16xi32>, vector<16xi32>, vector<16xi32>], vector<16xf32>,
        %parallel_loop3A_435 = arith.constant 0 : i32
        %parallel_loop3A_436 = arith.constant 0 : i32
        %parallel_loop3A_437 = arith.constant 0 : i32
        %parallel_loop3A_438 = tpu.memref_slice %arg6[%parallel_loop3A_277, %parallel_loop3A_435, %parallel_loop3A_436, %parallel_loop3A_437] : memref<2x2x56x192xf32, #tpu.memory_space<vmem>> -> memref<1x2x56x192xf32, #tpu.memory_space<vmem>>
        %parallel_loop3A_439 = tpu.memref_squeeze %parallel_loop3A_438 : memref<1x2x56x192xf32, #tpu.memory_space<vmem>> -> memref<2x56x192xf32, #tpu.memory_space<vmem>>
        %parallel_loop3A_440 = tpu.vector_load_idx %parallel_loop3A_439[%rem3A, %parallel_loop3A_422, %add3A_12] : memref<2x56x192xf32, #tpu.memory_space<vmem>>[vector<16xi32>, vector<16xi32>, vector<16xi32>], vector<16xf32>,
        %parallel_loop3A_441 = arith.constant 0 : i32
        %parallel_loop3A_442 = arith.constant 0 : i32
        %parallel_loop3A_443 = arith.constant 0 : i32
        %parallel_loop3A_444 = tpu.memref_slice %arg6[%parallel_loop3A_277, %parallel_loop3A_441, %parallel_loop3A_442, %parallel_loop3A_443] : memref<2x2x56x192xf32, #tpu.memory_space<vmem>> -> memref<1x2x56x192xf32, #tpu.memory_space<vmem>>
        %parallel_loop3A_445 = tpu.memref_squeeze %parallel_loop3A_444 : memref<1x2x56x192xf32, #tpu.memory_space<vmem>> -> memref<2x56x192xf32, #tpu.memory_space<vmem>>
        %parallel_loop3A_446 = tpu.vector_load_idx %parallel_loop3A_445[%rem3A, %parallel_loop3A_422, %add3A_15] : memref<2x56x192xf32, #tpu.memory_space<vmem>>[vector<16xi32>, vector<16xi32>, vector<16xi32>], vector<16xf32>,
        %parallel_loop3A_447 = arith.constant 0 : i32
        %parallel_loop3A_448 = arith.constant 0 : i32
        %parallel_loop3A_449 = arith.constant 0 : i32
        %parallel_loop3A_450 = tpu.memref_slice %arg6[%parallel_loop3A_277, %parallel_loop3A_447, %parallel_loop3A_448, %parallel_loop3A_449] : memref<2x2x56x192xf32, #tpu.memory_space<vmem>> -> memref<1x2x56x192xf32, #tpu.memory_space<vmem>>
        %parallel_loop3A_451 = tpu.memref_squeeze %parallel_loop3A_450 : memref<1x2x56x192xf32, #tpu.memory_space<vmem>> -> memref<2x56x192xf32, #tpu.memory_space<vmem>>
        %parallel_loop3A_452 = tpu.vector_load_idx %parallel_loop3A_451[%rem3A, %parallel_loop3A_422, %add3A_18] : memref<2x56x192xf32, #tpu.memory_space<vmem>>[vector<16xi32>, vector<16xi32>, vector<16xi32>], vector<16xf32>,
        %parallel_loop3A_453 = arith.constant 0 : i32
        %parallel_loop3A_454 = arith.constant 0 : i32
        %parallel_loop3A_455 = arith.constant 0 : i32
        %parallel_loop3A_456 = tpu.memref_slice %arg6[%parallel_loop3A_277, %parallel_loop3A_453, %parallel_loop3A_454, %parallel_loop3A_455] : memref<2x2x56x192xf32, #tpu.memory_space<vmem>> -> memref<1x2x56x192xf32, #tpu.memory_space<vmem>>
        %parallel_loop3A_457 = tpu.memref_squeeze %parallel_loop3A_456 : memref<1x2x56x192xf32, #tpu.memory_space<vmem>> -> memref<2x56x192xf32, #tpu.memory_space<vmem>>
        %parallel_loop3A_458 = tpu.vector_load_idx %parallel_loop3A_457[%rem3A, %parallel_loop3A_422, %add3A_21] : memref<2x56x192xf32, #tpu.memory_space<vmem>>[vector<16xi32>, vector<16xi32>, vector<16xi32>], vector<16xf32>,
        %parallel_loop3A_459 = arith.constant 0 : i32
        %parallel_loop3A_460 = arith.constant 0 : i32
        %parallel_loop3A_461 = arith.constant 0 : i32
        %parallel_loop3A_462 = tpu.memref_slice %arg6[%parallel_loop3A_277, %parallel_loop3A_459, %parallel_loop3A_460, %parallel_loop3A_461] : memref<2x2x56x192xf32, #tpu.memory_space<vmem>> -> memref<1x2x56x192xf32, #tpu.memory_space<vmem>>
        %parallel_loop3A_463 = tpu.memref_squeeze %parallel_loop3A_462 : memref<1x2x56x192xf32, #tpu.memory_space<vmem>> -> memref<2x56x192xf32, #tpu.memory_space<vmem>>
        %parallel_loop3A_464 = tpu.vector_load_idx %parallel_loop3A_463[%rem3A, %parallel_loop3A_422, %add3A_24] : memref<2x56x192xf32, #tpu.memory_space<vmem>>[vector<16xi32>, vector<16xi32>, vector<16xi32>], vector<16xf32>,
        %parallel_loop3A_465 = arith.constant 0 : i32
        %parallel_loop3A_466 = arith.constant 0 : i32
        %parallel_loop3A_467 = arith.constant 0 : i32
        %parallel_loop3A_468 = tpu.memref_slice %arg6[%parallel_loop3A_277, %parallel_loop3A_465, %parallel_loop3A_466, %parallel_loop3A_467] : memref<2x2x56x192xf32, #tpu.memory_space<vmem>> -> memref<1x2x56x192xf32, #tpu.memory_space<vmem>>
        %parallel_loop3A_469 = tpu.memref_squeeze %parallel_loop3A_468 : memref<1x2x56x192xf32, #tpu.memory_space<vmem>> -> memref<2x56x192xf32, #tpu.memory_space<vmem>>
        %parallel_loop3A_470 = tpu.vector_load_idx %parallel_loop3A_469[%rem3A, %parallel_loop3A_422, %add3A_27] : memref<2x56x192xf32, #tpu.memory_space<vmem>>[vector<16xi32>, vector<16xi32>, vector<16xi32>], vector<16xf32>,
        %parallel_loop3A_471 = arith.constant 0 : i32
        %parallel_loop3A_472 = arith.constant 0 : i32
        %parallel_loop3A_473 = arith.constant 0 : i32
        %parallel_loop3A_474 = tpu.memref_slice %arg6[%parallel_loop3A_277, %parallel_loop3A_471, %parallel_loop3A_472, %parallel_loop3A_473] : memref<2x2x56x192xf32, #tpu.memory_space<vmem>> -> memref<1x2x56x192xf32, #tpu.memory_space<vmem>>
        %parallel_loop3A_475 = tpu.memref_squeeze %parallel_loop3A_474 : memref<1x2x56x192xf32, #tpu.memory_space<vmem>> -> memref<2x56x192xf32, #tpu.memory_space<vmem>>
        %parallel_loop3A_476 = tpu.vector_load_idx %parallel_loop3A_475[%rem3A, %parallel_loop3A_422, %add3A_30] : memref<2x56x192xf32, #tpu.memory_space<vmem>>[vector<16xi32>, vector<16xi32>, vector<16xi32>], vector<16xf32>,
        %parallel_loop3A_477 = arith.constant 0 : i32
        %parallel_loop3A_478 = arith.constant 0 : i32
        %parallel_loop3A_479 = arith.constant 0 : i32
        %parallel_loop3A_480 = tpu.memref_slice %arg6[%parallel_loop3A_277, %parallel_loop3A_477, %parallel_loop3A_478, %parallel_loop3A_479] : memref<2x2x56x192xf32, #tpu.memory_space<vmem>> -> memref<1x2x56x192xf32, #tpu.memory_space<vmem>>
        %parallel_loop3A_481 = tpu.memref_squeeze %parallel_loop3A_480 : memref<1x2x56x192xf32, #tpu.memory_space<vmem>> -> memref<2x56x192xf32, #tpu.memory_space<vmem>>
        %parallel_loop3A_482 = tpu.vector_load_idx %parallel_loop3A_481[%rem3A, %parallel_loop3A_422, %add3A_33] : memref<2x56x192xf32, #tpu.memory_space<vmem>>[vector<16xi32>, vector<16xi32>, vector<16xi32>], vector<16xf32>,
        %parallel_loop3A_483 = arith.constant 0 : i32
        %parallel_loop3A_484 = arith.constant 0 : i32
        %parallel_loop3A_485 = arith.constant 0 : i32
        %parallel_loop3A_486 = tpu.memref_slice %arg6[%parallel_loop3A_277, %parallel_loop3A_483, %parallel_loop3A_484, %parallel_loop3A_485] : memref<2x2x56x192xf32, #tpu.memory_space<vmem>> -> memref<1x2x56x192xf32, #tpu.memory_space<vmem>>
        %parallel_loop3A_487 = tpu.memref_squeeze %parallel_loop3A_486 : memref<1x2x56x192xf32, #tpu.memory_space<vmem>> -> memref<2x56x192xf32, #tpu.memory_space<vmem>>
        %parallel_loop3A_488 = tpu.vector_load_idx %parallel_loop3A_487[%rem3A, %parallel_loop3A_422, %add3A_36] : memref<2x56x192xf32, #tpu.memory_space<vmem>>[vector<16xi32>, vector<16xi32>, vector<16xi32>], vector<16xf32>,
        %parallel_loop3A_489 = arith.constant 0 : i32
        %parallel_loop3A_490 = arith.constant 0 : i32
        %parallel_loop3A_491 = arith.constant 0 : i32
        %parallel_loop3A_492 = tpu.memref_slice %arg6[%parallel_loop3A_277, %parallel_loop3A_489, %parallel_loop3A_490, %parallel_loop3A_491] : memref<2x2x56x192xf32, #tpu.memory_space<vmem>> -> memref<1x2x56x192xf32, #tpu.memory_space<vmem>>
        %parallel_loop3A_493 = tpu.memref_squeeze %parallel_loop3A_492 : memref<1x2x56x192xf32, #tpu.memory_space<vmem>> -> memref<2x56x192xf32, #tpu.memory_space<vmem>>
        %parallel_loop3A_494 = tpu.vector_load_idx %parallel_loop3A_493[%rem3A, %parallel_loop3A_422, %add3A_39] : memref<2x56x192xf32, #tpu.memory_space<vmem>>[vector<16xi32>, vector<16xi32>, vector<16xi32>], vector<16xf32>,
        %parallel_loop3A_495 = arith.constant 0 : i32
        %parallel_loop3A_496 = arith.constant 0 : i32
        %parallel_loop3A_497 = arith.index_cast %parallel_loop3A_495 : i32 to index
        %parallel_loop3A_498 = arith.index_cast %parallel_loop3A_496 : i32 to index
        %parallel_loop3A_499 = arith.index_cast %parallel_loop3A_421 : i32 to index
        %parallel_loop3A_500 = arith.constant 0 : index
        %parallel_loop3A_501 = tpu.vector_load %arg7[%parallel_loop3A_497, %parallel_loop3A_498, %parallel_loop3A_499, %parallel_loop3A_500] {strides = array<i32>} : memref<2x2x56x192xf32, #tpu.memory_space<vmem>>, vector<16xf32>,
        tpu.vector_store %arg7[%parallel_loop3A_497, %parallel_loop3A_498, %parallel_loop3A_499, %parallel_loop3A_500], %parallel_loop3A_428 {strides = array<i32>} : memref<2x2x56x192xf32, #tpu.memory_space<vmem>>, vector<16xf32>,
        %parallel_loop3A_502 = arith.constant 0 : i32
        %parallel_loop3A_503 = arith.constant 0 : i32
        %parallel_loop3A_504 = arith.index_cast %parallel_loop3A_502 : i32 to index
        %parallel_loop3A_505 = arith.index_cast %parallel_loop3A_503 : i32 to index
        %parallel_loop3A_506 = arith.index_cast %parallel_loop3A_421 : i32 to index
        %parallel_loop3A_507 = arith.constant 16 : index
        %parallel_loop3A_508 = tpu.vector_load %arg7[%parallel_loop3A_504, %parallel_loop3A_505, %parallel_loop3A_506, %parallel_loop3A_507] {strides = array<i32>} : memref<2x2x56x192xf32, #tpu.memory_space<vmem>>, vector<16xf32>,
        tpu.vector_store %arg7[%parallel_loop3A_504, %parallel_loop3A_505, %parallel_loop3A_506, %parallel_loop3A_507], %parallel_loop3A_434 {strides = array<i32>} : memref<2x2x56x192xf32, #tpu.memory_space<vmem>>, vector<16xf32>,
        %parallel_loop3A_509 = arith.constant 0 : i32
        %parallel_loop3A_510 = arith.constant 0 : i32
        %parallel_loop3A_511 = arith.index_cast %parallel_loop3A_509 : i32 to index
        %parallel_loop3A_512 = arith.index_cast %parallel_loop3A_510 : i32 to index
        %parallel_loop3A_513 = arith.index_cast %parallel_loop3A_421 : i32 to index
        %parallel_loop3A_514 = arith.constant 32 : index
        %parallel_loop3A_515 = tpu.vector_load %arg7[%parallel_loop3A_511, %parallel_loop3A_512, %parallel_loop3A_513, %parallel_loop3A_514] {strides = array<i32>} : memref<2x2x56x192xf32, #tpu.memory_space<vmem>>, vector<16xf32>,
        tpu.vector_store %arg7[%parallel_loop3A_511, %parallel_loop3A_512, %parallel_loop3A_513, %parallel_loop3A_514], %parallel_loop3A_440 {strides = array<i32>} : memref<2x2x56x192xf32, #tpu.memory_space<vmem>>, vector<16xf32>,
        %parallel_loop3A_516 = arith.constant 0 : i32
        %parallel_loop3A_517 = arith.constant 0 : i32
        %parallel_loop3A_518 = arith.index_cast %parallel_loop3A_516 : i32 to index
        %parallel_loop3A_519 = arith.index_cast %parallel_loop3A_517 : i32 to index
        %parallel_loop3A_520 = arith.index_cast %parallel_loop3A_421 : i32 to index
        %parallel_loop3A_521 = arith.constant 48 : index
        %parallel_loop3A_522 = tpu.vector_load %arg7[%parallel_loop3A_518, %parallel_loop3A_519, %parallel_loop3A_520, %parallel_loop3A_521] {strides = array<i32>} : memref<2x2x56x192xf32, #tpu.memory_space<vmem>>, vector<16xf32>,
        tpu.vector_store %arg7[%parallel_loop3A_518, %parallel_loop3A_519, %parallel_loop3A_520, %parallel_loop3A_521], %parallel_loop3A_446 {strides = array<i32>} : memref<2x2x56x192xf32, #tpu.memory_space<vmem>>, vector<16xf32>,
        %parallel_loop3A_523 = arith.constant 0 : i32
        %parallel_loop3A_524 = arith.constant 0 : i32
        %parallel_loop3A_525 = arith.index_cast %parallel_loop3A_523 : i32 to index
        %parallel_loop3A_526 = arith.index_cast %parallel_loop3A_524 : i32 to index
        %parallel_loop3A_527 = arith.index_cast %parallel_loop3A_421 : i32 to index
        %parallel_loop3A_528 = arith.constant 64 : index
        %parallel_loop3A_529 = tpu.vector_load %arg7[%parallel_loop3A_525, %parallel_loop3A_526, %parallel_loop3A_527, %parallel_loop3A_528] {strides = array<i32>} : memref<2x2x56x192xf32, #tpu.memory_space<vmem>>, vector<16xf32>,
        tpu.vector_store %arg7[%parallel_loop3A_525, %parallel_loop3A_526, %parallel_loop3A_527, %parallel_loop3A_528], %parallel_loop3A_452 {strides = array<i32>} : memref<2x2x56x192xf32, #tpu.memory_space<vmem>>, vector<16xf32>,
        %parallel_loop3A_530 = arith.constant 0 : i32
        %parallel_loop3A_531 = arith.constant 0 : i32
        %parallel_loop3A_532 = arith.index_cast %parallel_loop3A_530 : i32 to index
        %parallel_loop3A_533 = arith.index_cast %parallel_loop3A_531 : i32 to index
        %parallel_loop3A_534 = arith.index_cast %parallel_loop3A_421 : i32 to index
        %parallel_loop3A_535 = arith.constant 80 : index
        %parallel_loop3A_536 = tpu.vector_load %arg7[%parallel_loop3A_532, %parallel_loop3A_533, %parallel_loop3A_534, %parallel_loop3A_535] {strides = array<i32>} : memref<2x2x56x192xf32, #tpu.memory_space<vmem>>, vector<16xf32>,
        tpu.vector_store %arg7[%parallel_loop3A_532, %parallel_loop3A_533, %parallel_loop3A_534, %parallel_loop3A_535], %parallel_loop3A_458 {strides = array<i32>} : memref<2x2x56x192xf32, #tpu.memory_space<vmem>>, vector<16xf32>,
        %parallel_loop3A_537 = arith.constant 0 : i32
        %parallel_loop3A_538 = arith.constant 0 : i32
        %parallel_loop3A_539 = arith.index_cast %parallel_loop3A_537 : i32 to index
        %parallel_loop3A_540 = arith.index_cast %parallel_loop3A_538 : i32 to index
        %parallel_loop3A_541 = arith.index_cast %parallel_loop3A_421 : i32 to index
        %parallel_loop3A_542 = arith.constant 96 : index
        %parallel_loop3A_543 = tpu.vector_load %arg7[%parallel_loop3A_539, %parallel_loop3A_540, %parallel_loop3A_541, %parallel_loop3A_542] {strides = array<i32>} : memref<2x2x56x192xf32, #tpu.memory_space<vmem>>, vector<16xf32>,
        tpu.vector_store %arg7[%parallel_loop3A_539, %parallel_loop3A_540, %parallel_loop3A_541, %parallel_loop3A_542], %parallel_loop3A_464 {strides = array<i32>} : memref<2x2x56x192xf32, #tpu.memory_space<vmem>>, vector<16xf32>,
        %parallel_loop3A_544 = arith.constant 0 : i32
        %parallel_loop3A_545 = arith.constant 0 : i32
        %parallel_loop3A_546 = arith.index_cast %parallel_loop3A_544 : i32 to index
        %parallel_loop3A_547 = arith.index_cast %parallel_loop3A_545 : i32 to index
        %parallel_loop3A_548 = arith.index_cast %parallel_loop3A_421 : i32 to index
        %parallel_loop3A_549 = arith.constant 112 : index
        %parallel_loop3A_550 = tpu.vector_load %arg7[%parallel_loop3A_546, %parallel_loop3A_547, %parallel_loop3A_548, %parallel_loop3A_549] {strides = array<i32>} : memref<2x2x56x192xf32, #tpu.memory_space<vmem>>, vector<16xf32>,
        tpu.vector_store %arg7[%parallel_loop3A_546, %parallel_loop3A_547, %parallel_loop3A_548, %parallel_loop3A_549], %parallel_loop3A_470 {strides = array<i32>} : memref<2x2x56x192xf32, #tpu.memory_space<vmem>>, vector<16xf32>,
        %parallel_loop3A_551 = arith.constant 0 : i32
        %parallel_loop3A_552 = arith.constant 0 : i32
        %parallel_loop3A_553 = arith.index_cast %parallel_loop3A_551 : i32 to index
        %parallel_loop3A_554 = arith.index_cast %parallel_loop3A_552 : i32 to index
        %parallel_loop3A_555 = arith.index_cast %parallel_loop3A_421 : i32 to index
        %parallel_loop3A_556 = arith.constant 128 : index
        %parallel_loop3A_557 = tpu.vector_load %arg7[%parallel_loop3A_553, %parallel_loop3A_554, %parallel_loop3A_555, %parallel_loop3A_556] {strides = array<i32>} : memref<2x2x56x192xf32, #tpu.memory_space<vmem>>, vector<16xf32>,
        tpu.vector_store %arg7[%parallel_loop3A_553, %parallel_loop3A_554, %parallel_loop3A_555, %parallel_loop3A_556], %parallel_loop3A_476 {strides = array<i32>} : memref<2x2x56x192xf32, #tpu.memory_space<vmem>>, vector<16xf32>,
        %parallel_loop3A_558 = arith.constant 0 : i32
        %parallel_loop3A_559 = arith.constant 0 : i32
        %parallel_loop3A_560 = arith.index_cast %parallel_loop3A_558 : i32 to index
        %parallel_loop3A_561 = arith.index_cast %parallel_loop3A_559 : i32 to index
        %parallel_loop3A_562 = arith.index_cast %parallel_loop3A_421 : i32 to index
        %parallel_loop3A_563 = arith.constant 144 : index
        %parallel_loop3A_564 = tpu.vector_load %arg7[%parallel_loop3A_560, %parallel_loop3A_561, %parallel_loop3A_562, %parallel_loop3A_563] {strides = array<i32>} : memref<2x2x56x192xf32, #tpu.memory_space<vmem>>, vector<16xf32>,
        tpu.vector_store %arg7[%parallel_loop3A_560, %parallel_loop3A_561, %parallel_loop3A_562, %parallel_loop3A_563], %parallel_loop3A_482 {strides = array<i32>} : memref<2x2x56x192xf32, #tpu.memory_space<vmem>>, vector<16xf32>,
        %parallel_loop3A_565 = arith.constant 0 : i32
        %parallel_loop3A_566 = arith.constant 0 : i32
        %parallel_loop3A_567 = arith.index_cast %parallel_loop3A_565 : i32 to index
        %parallel_loop3A_568 = arith.index_cast %parallel_loop3A_566 : i32 to index
        %parallel_loop3A_569 = arith.index_cast %parallel_loop3A_421 : i32 to index
        %parallel_loop3A_570 = arith.constant 160 : index
        %parallel_loop3A_571 = tpu.vector_load %arg7[%parallel_loop3A_567, %parallel_loop3A_568, %parallel_loop3A_569, %parallel_loop3A_570] {strides = array<i32>} : memref<2x2x56x192xf32, #tpu.memory_space<vmem>>, vector<16xf32>,
        tpu.vector_store %arg7[%parallel_loop3A_567, %parallel_loop3A_568, %parallel_loop3A_569, %parallel_loop3A_570], %parallel_loop3A_488 {strides = array<i32>} : memref<2x2x56x192xf32, #tpu.memory_space<vmem>>, vector<16xf32>,
        %parallel_loop3A_572 = arith.constant 0 : i32
        %parallel_loop3A_573 = arith.constant 0 : i32
        %parallel_loop3A_574 = arith.index_cast %parallel_loop3A_572 : i32 to index
        %parallel_loop3A_575 = arith.index_cast %parallel_loop3A_573 : i32 to index
        %parallel_loop3A_576 = arith.index_cast %parallel_loop3A_421 : i32 to index
        %parallel_loop3A_577 = arith.constant 176 : index
        %parallel_loop3A_578 = tpu.vector_load %arg7[%parallel_loop3A_574, %parallel_loop3A_575, %parallel_loop3A_576, %parallel_loop3A_577] {strides = array<i32>} : memref<2x2x56x192xf32, #tpu.memory_space<vmem>>, vector<16xf32>,
        tpu.vector_store %arg7[%parallel_loop3A_574, %parallel_loop3A_575, %parallel_loop3A_576, %parallel_loop3A_577], %parallel_loop3A_494 {strides = array<i32>} : memref<2x2x56x192xf32, #tpu.memory_space<vmem>>, vector<16xf32>,
      } {sc.loop_unroll_factor = 4 : i64, sc.parallel_access}
      %add3A_278 = arith.addi %mul3A_2, %add3A_235 : i32
      %dma_start3A_279 = arith.constant 0 : i32
      %dma_start3A_280 = arith.constant 0 : i32
      %dma_start3A_281 = arith.constant 0 : i32
      %dma_start3A_282 = arith.constant 0 : i32
      %dma_start3A_283 = tpu.memref_slice %arg7[%dma_start3A_279, %dma_start3A_280, %dma_start3A_281, %dma_start3A_282] : memref<2x2x56x192xf32, #tpu.memory_space<vmem>> -> memref<1x1x56x192xf32, #tpu.memory_space<vmem>>
      %dma_start3A_284 = tpu.memref_squeeze %dma_start3A_283 : memref<1x1x56x192xf32, #tpu.memory_space<vmem>> -> memref<56x192xf32, #tpu.memory_space<vmem>>
      %dma_start3A_285 = arith.constant 0 : i32
      %dma_start3A_286 = arith.constant 0 : i32
      %dma_start3A_287 = tpu.memref_slice %arg4[%add3A_278, %dma_start3A_285, %dma_start3A_286] : memref<1792x56x192xf32, #tpu.memory_space<hbm>> -> memref<1x56x192xf32, #tpu.memory_space<hbm>>
      %dma_start3A_288 = tpu.memref_squeeze %dma_start3A_287 : memref<1x56x192xf32, #tpu.memory_space<hbm>> -> memref<56x192xf32, #tpu.memory_space<hbm>>
      %dma_start3A_289 = arith.constant 0 : i32
      %dma_start3A_290 = arith.constant 0 : i32
      %dma_start3A_291 = tpu.memref_slice %arg4[%add3A_278, %dma_start3A_289, %dma_start3A_290] : memref<1792x56x192xf32, #tpu.memory_space<hbm>> -> memref<1x56x192xf32, #tpu.memory_space<hbm>>
      %dma_start3A_292 = tpu.memref_squeeze %dma_start3A_291 : memref<1x56x192xf32, #tpu.memory_space<hbm>> -> memref<56x192xf32, #tpu.memory_space<hbm>>
      %dma_start3A_293 = arith.constant 0 : i32
      %dma_start3A_294 = arith.constant 0 : i32
      %dma_start3A_295 = tpu.memref_slice %arg7[%dma_start3A_279, %dma_start3A_280, %dma_start3A_293, %dma_start3A_294] : memref<2x2x56x192xf32, #tpu.memory_space<vmem>> -> memref<1x1x56x192xf32, #tpu.memory_space<vmem>>
      %dma_start3A_296 = tpu.memref_squeeze %dma_start3A_295 : memref<1x1x56x192xf32, #tpu.memory_space<vmem>> -> memref<56x192xf32, #tpu.memory_space<vmem>>
      tpu.enqueue_dma source(%dma_start3A_296 : memref<56x192xf32, #tpu.memory_space<vmem>>) target(%dma_start3A_292 : memref<56x192xf32, #tpu.memory_space<hbm>>) target_semaphore(%arg10 : memref<!tpu.dma_semaphore, #tpu.memory_space<semaphore_mem>>)
      %parallel_loop3A_297 = arith.constant 0 : i32
      %parallel_loop3A_298 = arith.constant 56 : i32
      %parallel_loop3A_299 = arith.constant 1 : i32
      %parallel_loop3A_300 = arith.constant 0 : i32
      scf.for %parallel_loop3A_421 = %parallel_loop3A_297 to %parallel_loop3A_298 step %parallel_loop3A_299  : i32 {
        %parallel_loop3A_422 = vector.broadcast %parallel_loop3A_421 : i32 to vector<16xi32>
        %parallel_loop3A_423 = arith.constant 0 : i32
        %parallel_loop3A_424 = arith.constant 0 : i32
        %parallel_loop3A_425 = arith.constant 0 : i32
        %parallel_loop3A_426 = tpu.memref_slice %arg6[%parallel_loop3A_300, %parallel_loop3A_423, %parallel_loop3A_424, %parallel_loop3A_425] : memref<2x2x56x192xf32, #tpu.memory_space<vmem>> -> memref<1x2x56x192xf32, #tpu.memory_space<vmem>>
        %parallel_loop3A_427 = tpu.memref_squeeze %parallel_loop3A_426 : memref<1x2x56x192xf32, #tpu.memory_space<vmem>> -> memref<2x56x192xf32, #tpu.memory_space<vmem>>
        %parallel_loop3A_428 = tpu.vector_load_idx %parallel_loop3A_427[%rem3A, %parallel_loop3A_422, %add3A_42] : memref<2x56x192xf32, #tpu.memory_space<vmem>>[vector<16xi32>, vector<16xi32>, vector<16xi32>], vector<16xf32>,
        %parallel_loop3A_429 = arith.constant 0 : i32
        %parallel_loop3A_430 = arith.constant 0 : i32
        %parallel_loop3A_431 = arith.constant 0 : i32
        %parallel_loop3A_432 = tpu.memref_slice %arg6[%parallel_loop3A_300, %parallel_loop3A_429, %parallel_loop3A_430, %parallel_loop3A_431] : memref<2x2x56x192xf32, #tpu.memory_space<vmem>> -> memref<1x2x56x192xf32, #tpu.memory_space<vmem>>
        %parallel_loop3A_433 = tpu.memref_squeeze %parallel_loop3A_432 : memref<1x2x56x192xf32, #tpu.memory_space<vmem>> -> memref<2x56x192xf32, #tpu.memory_space<vmem>>
        %parallel_loop3A_434 = tpu.vector_load_idx %parallel_loop3A_433[%rem3A, %parallel_loop3A_422, %add3A_45] : memref<2x56x192xf32, #tpu.memory_space<vmem>>[vector<16xi32>, vector<16xi32>, vector<16xi32>], vector<16xf32>,
        %parallel_loop3A_435 = arith.constant 0 : i32
        %parallel_loop3A_436 = arith.constant 0 : i32
        %parallel_loop3A_437 = arith.constant 0 : i32
        %parallel_loop3A_438 = tpu.memref_slice %arg6[%parallel_loop3A_300, %parallel_loop3A_435, %parallel_loop3A_436, %parallel_loop3A_437] : memref<2x2x56x192xf32, #tpu.memory_space<vmem>> -> memref<1x2x56x192xf32, #tpu.memory_space<vmem>>
        %parallel_loop3A_439 = tpu.memref_squeeze %parallel_loop3A_438 : memref<1x2x56x192xf32, #tpu.memory_space<vmem>> -> memref<2x56x192xf32, #tpu.memory_space<vmem>>
        %parallel_loop3A_440 = tpu.vector_load_idx %parallel_loop3A_439[%rem3A, %parallel_loop3A_422, %add3A_48] : memref<2x56x192xf32, #tpu.memory_space<vmem>>[vector<16xi32>, vector<16xi32>, vector<16xi32>], vector<16xf32>,
        %parallel_loop3A_441 = arith.constant 0 : i32
        %parallel_loop3A_442 = arith.constant 0 : i32
        %parallel_loop3A_443 = arith.constant 0 : i32
        %parallel_loop3A_444 = tpu.memref_slice %arg6[%parallel_loop3A_300, %parallel_loop3A_441, %parallel_loop3A_442, %parallel_loop3A_443] : memref<2x2x56x192xf32, #tpu.memory_space<vmem>> -> memref<1x2x56x192xf32, #tpu.memory_space<vmem>>
        %parallel_loop3A_445 = tpu.memref_squeeze %parallel_loop3A_444 : memref<1x2x56x192xf32, #tpu.memory_space<vmem>> -> memref<2x56x192xf32, #tpu.memory_space<vmem>>
        %parallel_loop3A_446 = tpu.vector_load_idx %parallel_loop3A_445[%rem3A, %parallel_loop3A_422, %add3A_51] : memref<2x56x192xf32, #tpu.memory_space<vmem>>[vector<16xi32>, vector<16xi32>, vector<16xi32>], vector<16xf32>,
        %parallel_loop3A_447 = arith.constant 0 : i32
        %parallel_loop3A_448 = arith.constant 0 : i32
        %parallel_loop3A_449 = arith.constant 0 : i32
        %parallel_loop3A_450 = tpu.memref_slice %arg6[%parallel_loop3A_300, %parallel_loop3A_447, %parallel_loop3A_448, %parallel_loop3A_449] : memref<2x2x56x192xf32, #tpu.memory_space<vmem>> -> memref<1x2x56x192xf32, #tpu.memory_space<vmem>>
        %parallel_loop3A_451 = tpu.memref_squeeze %parallel_loop3A_450 : memref<1x2x56x192xf32, #tpu.memory_space<vmem>> -> memref<2x56x192xf32, #tpu.memory_space<vmem>>
        %parallel_loop3A_452 = tpu.vector_load_idx %parallel_loop3A_451[%rem3A, %parallel_loop3A_422, %add3A_54] : memref<2x56x192xf32, #tpu.memory_space<vmem>>[vector<16xi32>, vector<16xi32>, vector<16xi32>], vector<16xf32>,
        %parallel_loop3A_453 = arith.constant 0 : i32
        %parallel_loop3A_454 = arith.constant 0 : i32
        %parallel_loop3A_455 = arith.constant 0 : i32
        %parallel_loop3A_456 = tpu.memref_slice %arg6[%parallel_loop3A_300, %parallel_loop3A_453, %parallel_loop3A_454, %parallel_loop3A_455] : memref<2x2x56x192xf32, #tpu.memory_space<vmem>> -> memref<1x2x56x192xf32, #tpu.memory_space<vmem>>
        %parallel_loop3A_457 = tpu.memref_squeeze %parallel_loop3A_456 : memref<1x2x56x192xf32, #tpu.memory_space<vmem>> -> memref<2x56x192xf32, #tpu.memory_space<vmem>>
        %parallel_loop3A_458 = tpu.vector_load_idx %parallel_loop3A_457[%rem3A, %parallel_loop3A_422, %add3A_57] : memref<2x56x192xf32, #tpu.memory_space<vmem>>[vector<16xi32>, vector<16xi32>, vector<16xi32>], vector<16xf32>,
        %parallel_loop3A_459 = arith.constant 0 : i32
        %parallel_loop3A_460 = arith.constant 0 : i32
        %parallel_loop3A_461 = arith.constant 0 : i32
        %parallel_loop3A_462 = tpu.memref_slice %arg6[%parallel_loop3A_300, %parallel_loop3A_459, %parallel_loop3A_460, %parallel_loop3A_461] : memref<2x2x56x192xf32, #tpu.memory_space<vmem>> -> memref<1x2x56x192xf32, #tpu.memory_space<vmem>>
        %parallel_loop3A_463 = tpu.memref_squeeze %parallel_loop3A_462 : memref<1x2x56x192xf32, #tpu.memory_space<vmem>> -> memref<2x56x192xf32, #tpu.memory_space<vmem>>
        %parallel_loop3A_464 = tpu.vector_load_idx %parallel_loop3A_463[%rem3A, %parallel_loop3A_422, %add3A_60] : memref<2x56x192xf32, #tpu.memory_space<vmem>>[vector<16xi32>, vector<16xi32>, vector<16xi32>], vector<16xf32>,
        %parallel_loop3A_465 = arith.constant 0 : i32
        %parallel_loop3A_466 = arith.constant 0 : i32
        %parallel_loop3A_467 = arith.constant 0 : i32
        %parallel_loop3A_468 = tpu.memref_slice %arg6[%parallel_loop3A_300, %parallel_loop3A_465, %parallel_loop3A_466, %parallel_loop3A_467] : memref<2x2x56x192xf32, #tpu.memory_space<vmem>> -> memref<1x2x56x192xf32, #tpu.memory_space<vmem>>
        %parallel_loop3A_469 = tpu.memref_squeeze %parallel_loop3A_468 : memref<1x2x56x192xf32, #tpu.memory_space<vmem>> -> memref<2x56x192xf32, #tpu.memory_space<vmem>>
        %parallel_loop3A_470 = tpu.vector_load_idx %parallel_loop3A_469[%rem3A, %parallel_loop3A_422, %add3A_63] : memref<2x56x192xf32, #tpu.memory_space<vmem>>[vector<16xi32>, vector<16xi32>, vector<16xi32>], vector<16xf32>,
        %parallel_loop3A_471 = arith.constant 0 : i32
        %parallel_loop3A_472 = arith.constant 0 : i32
        %parallel_loop3A_473 = arith.constant 0 : i32
        %parallel_loop3A_474 = tpu.memref_slice %arg6[%parallel_loop3A_300, %parallel_loop3A_471, %parallel_loop3A_472, %parallel_loop3A_473] : memref<2x2x56x192xf32, #tpu.memory_space<vmem>> -> memref<1x2x56x192xf32, #tpu.memory_space<vmem>>
        %parallel_loop3A_475 = tpu.memref_squeeze %parallel_loop3A_474 : memref<1x2x56x192xf32, #tpu.memory_space<vmem>> -> memref<2x56x192xf32, #tpu.memory_space<vmem>>
        %parallel_loop3A_476 = tpu.vector_load_idx %parallel_loop3A_475[%rem3A, %parallel_loop3A_422, %add3A_66] : memref<2x56x192xf32, #tpu.memory_space<vmem>>[vector<16xi32>, vector<16xi32>, vector<16xi32>], vector<16xf32>,
        %parallel_loop3A_477 = arith.constant 0 : i32
        %parallel_loop3A_478 = arith.constant 0 : i32
        %parallel_loop3A_479 = arith.constant 0 : i32
        %parallel_loop3A_480 = tpu.memref_slice %arg6[%parallel_loop3A_300, %parallel_loop3A_477, %parallel_loop3A_478, %parallel_loop3A_479] : memref<2x2x56x192xf32, #tpu.memory_space<vmem>> -> memref<1x2x56x192xf32, #tpu.memory_space<vmem>>
        %parallel_loop3A_481 = tpu.memref_squeeze %parallel_loop3A_480 : memref<1x2x56x192xf32, #tpu.memory_space<vmem>> -> memref<2x56x192xf32, #tpu.memory_space<vmem>>
        %parallel_loop3A_482 = tpu.vector_load_idx %parallel_loop3A_481[%rem3A, %parallel_loop3A_422, %add3A_69] : memref<2x56x192xf32, #tpu.memory_space<vmem>>[vector<16xi32>, vector<16xi32>, vector<16xi32>], vector<16xf32>,
        %parallel_loop3A_483 = arith.constant 0 : i32
        %parallel_loop3A_484 = arith.constant 0 : i32
        %parallel_loop3A_485 = arith.constant 0 : i32
        %parallel_loop3A_486 = tpu.memref_slice %arg6[%parallel_loop3A_300, %parallel_loop3A_483, %parallel_loop3A_484, %parallel_loop3A_485] : memref<2x2x56x192xf32, #tpu.memory_space<vmem>> -> memref<1x2x56x192xf32, #tpu.memory_space<vmem>>
        %parallel_loop3A_487 = tpu.memref_squeeze %parallel_loop3A_486 : memref<1x2x56x192xf32, #tpu.memory_space<vmem>> -> memref<2x56x192xf32, #tpu.memory_space<vmem>>
        %parallel_loop3A_488 = tpu.vector_load_idx %parallel_loop3A_487[%rem3A, %parallel_loop3A_422, %add3A_72] : memref<2x56x192xf32, #tpu.memory_space<vmem>>[vector<16xi32>, vector<16xi32>, vector<16xi32>], vector<16xf32>,
        %parallel_loop3A_489 = arith.constant 0 : i32
        %parallel_loop3A_490 = arith.constant 0 : i32
        %parallel_loop3A_491 = arith.constant 0 : i32
        %parallel_loop3A_492 = tpu.memref_slice %arg6[%parallel_loop3A_300, %parallel_loop3A_489, %parallel_loop3A_490, %parallel_loop3A_491] : memref<2x2x56x192xf32, #tpu.memory_space<vmem>> -> memref<1x2x56x192xf32, #tpu.memory_space<vmem>>
        %parallel_loop3A_493 = tpu.memref_squeeze %parallel_loop3A_492 : memref<1x2x56x192xf32, #tpu.memory_space<vmem>> -> memref<2x56x192xf32, #tpu.memory_space<vmem>>
        %parallel_loop3A_494 = tpu.vector_load_idx %parallel_loop3A_493[%rem3A, %parallel_loop3A_422, %add3A_75] : memref<2x56x192xf32, #tpu.memory_space<vmem>>[vector<16xi32>, vector<16xi32>, vector<16xi32>], vector<16xf32>,
        %parallel_loop3A_495 = arith.constant 0 : i32
        %parallel_loop3A_496 = arith.constant 1 : i32
        %parallel_loop3A_497 = arith.index_cast %parallel_loop3A_495 : i32 to index
        %parallel_loop3A_498 = arith.index_cast %parallel_loop3A_496 : i32 to index
        %parallel_loop3A_499 = arith.index_cast %parallel_loop3A_421 : i32 to index
        %parallel_loop3A_500 = arith.constant 0 : index
        %parallel_loop3A_501 = tpu.vector_load %arg7[%parallel_loop3A_497, %parallel_loop3A_498, %parallel_loop3A_499, %parallel_loop3A_500] {strides = array<i32>} : memref<2x2x56x192xf32, #tpu.memory_space<vmem>>, vector<16xf32>,
        tpu.vector_store %arg7[%parallel_loop3A_497, %parallel_loop3A_498, %parallel_loop3A_499, %parallel_loop3A_500], %parallel_loop3A_428 {strides = array<i32>} : memref<2x2x56x192xf32, #tpu.memory_space<vmem>>, vector<16xf32>,
        %parallel_loop3A_502 = arith.constant 0 : i32
        %parallel_loop3A_503 = arith.constant 1 : i32
        %parallel_loop3A_504 = arith.index_cast %parallel_loop3A_502 : i32 to index
        %parallel_loop3A_505 = arith.index_cast %parallel_loop3A_503 : i32 to index
        %parallel_loop3A_506 = arith.index_cast %parallel_loop3A_421 : i32 to index
        %parallel_loop3A_507 = arith.constant 16 : index
        %parallel_loop3A_508 = tpu.vector_load %arg7[%parallel_loop3A_504, %parallel_loop3A_505, %parallel_loop3A_506, %parallel_loop3A_507] {strides = array<i32>} : memref<2x2x56x192xf32, #tpu.memory_space<vmem>>, vector<16xf32>,
        tpu.vector_store %arg7[%parallel_loop3A_504, %parallel_loop3A_505, %parallel_loop3A_506, %parallel_loop3A_507], %parallel_loop3A_434 {strides = array<i32>} : memref<2x2x56x192xf32, #tpu.memory_space<vmem>>, vector<16xf32>,
        %parallel_loop3A_509 = arith.constant 0 : i32
        %parallel_loop3A_510 = arith.constant 1 : i32
        %parallel_loop3A_511 = arith.index_cast %parallel_loop3A_509 : i32 to index
        %parallel_loop3A_512 = arith.index_cast %parallel_loop3A_510 : i32 to index
        %parallel_loop3A_513 = arith.index_cast %parallel_loop3A_421 : i32 to index
        %parallel_loop3A_514 = arith.constant 32 : index
        %parallel_loop3A_515 = tpu.vector_load %arg7[%parallel_loop3A_511, %parallel_loop3A_512, %parallel_loop3A_513, %parallel_loop3A_514] {strides = array<i32>} : memref<2x2x56x192xf32, #tpu.memory_space<vmem>>, vector<16xf32>,
        tpu.vector_store %arg7[%parallel_loop3A_511, %parallel_loop3A_512, %parallel_loop3A_513, %parallel_loop3A_514], %parallel_loop3A_440 {strides = array<i32>} : memref<2x2x56x192xf32, #tpu.memory_space<vmem>>, vector<16xf32>,
        %parallel_loop3A_516 = arith.constant 0 : i32
        %parallel_loop3A_517 = arith.constant 1 : i32
        %parallel_loop3A_518 = arith.index_cast %parallel_loop3A_516 : i32 to index
        %parallel_loop3A_519 = arith.index_cast %parallel_loop3A_517 : i32 to index
        %parallel_loop3A_520 = arith.index_cast %parallel_loop3A_421 : i32 to index
        %parallel_loop3A_521 = arith.constant 48 : index
        %parallel_loop3A_522 = tpu.vector_load %arg7[%parallel_loop3A_518, %parallel_loop3A_519, %parallel_loop3A_520, %parallel_loop3A_521] {strides = array<i32>} : memref<2x2x56x192xf32, #tpu.memory_space<vmem>>, vector<16xf32>,
        tpu.vector_store %arg7[%parallel_loop3A_518, %parallel_loop3A_519, %parallel_loop3A_520, %parallel_loop3A_521], %parallel_loop3A_446 {strides = array<i32>} : memref<2x2x56x192xf32, #tpu.memory_space<vmem>>, vector<16xf32>,
        %parallel_loop3A_523 = arith.constant 0 : i32
        %parallel_loop3A_524 = arith.constant 1 : i32
        %parallel_loop3A_525 = arith.index_cast %parallel_loop3A_523 : i32 to index
        %parallel_loop3A_526 = arith.index_cast %parallel_loop3A_524 : i32 to index
        %parallel_loop3A_527 = arith.index_cast %parallel_loop3A_421 : i32 to index
        %parallel_loop3A_528 = arith.constant 64 : index
        %parallel_loop3A_529 = tpu.vector_load %arg7[%parallel_loop3A_525, %parallel_loop3A_526, %parallel_loop3A_527, %parallel_loop3A_528] {strides = array<i32>} : memref<2x2x56x192xf32, #tpu.memory_space<vmem>>, vector<16xf32>,
        tpu.vector_store %arg7[%parallel_loop3A_525, %parallel_loop3A_526, %parallel_loop3A_527, %parallel_loop3A_528], %parallel_loop3A_452 {strides = array<i32>} : memref<2x2x56x192xf32, #tpu.memory_space<vmem>>, vector<16xf32>,
        %parallel_loop3A_530 = arith.constant 0 : i32
        %parallel_loop3A_531 = arith.constant 1 : i32
        %parallel_loop3A_532 = arith.index_cast %parallel_loop3A_530 : i32 to index
        %parallel_loop3A_533 = arith.index_cast %parallel_loop3A_531 : i32 to index
        %parallel_loop3A_534 = arith.index_cast %parallel_loop3A_421 : i32 to index
        %parallel_loop3A_535 = arith.constant 80 : index
        %parallel_loop3A_536 = tpu.vector_load %arg7[%parallel_loop3A_532, %parallel_loop3A_533, %parallel_loop3A_534, %parallel_loop3A_535] {strides = array<i32>} : memref<2x2x56x192xf32, #tpu.memory_space<vmem>>, vector<16xf32>,
        tpu.vector_store %arg7[%parallel_loop3A_532, %parallel_loop3A_533, %parallel_loop3A_534, %parallel_loop3A_535], %parallel_loop3A_458 {strides = array<i32>} : memref<2x2x56x192xf32, #tpu.memory_space<vmem>>, vector<16xf32>,
        %parallel_loop3A_537 = arith.constant 0 : i32
        %parallel_loop3A_538 = arith.constant 1 : i32
        %parallel_loop3A_539 = arith.index_cast %parallel_loop3A_537 : i32 to index
        %parallel_loop3A_540 = arith.index_cast %parallel_loop3A_538 : i32 to index
        %parallel_loop3A_541 = arith.index_cast %parallel_loop3A_421 : i32 to index
        %parallel_loop3A_542 = arith.constant 96 : index
        %parallel_loop3A_543 = tpu.vector_load %arg7[%parallel_loop3A_539, %parallel_loop3A_540, %parallel_loop3A_541, %parallel_loop3A_542] {strides = array<i32>} : memref<2x2x56x192xf32, #tpu.memory_space<vmem>>, vector<16xf32>,
        tpu.vector_store %arg7[%parallel_loop3A_539, %parallel_loop3A_540, %parallel_loop3A_541, %parallel_loop3A_542], %parallel_loop3A_464 {strides = array<i32>} : memref<2x2x56x192xf32, #tpu.memory_space<vmem>>, vector<16xf32>,
        %parallel_loop3A_544 = arith.constant 0 : i32
        %parallel_loop3A_545 = arith.constant 1 : i32
        %parallel_loop3A_546 = arith.index_cast %parallel_loop3A_544 : i32 to index
        %parallel_loop3A_547 = arith.index_cast %parallel_loop3A_545 : i32 to index
        %parallel_loop3A_548 = arith.index_cast %parallel_loop3A_421 : i32 to index
        %parallel_loop3A_549 = arith.constant 112 : index
        %parallel_loop3A_550 = tpu.vector_load %arg7[%parallel_loop3A_546, %parallel_loop3A_547, %parallel_loop3A_548, %parallel_loop3A_549] {strides = array<i32>} : memref<2x2x56x192xf32, #tpu.memory_space<vmem>>, vector<16xf32>,
        tpu.vector_store %arg7[%parallel_loop3A_546, %parallel_loop3A_547, %parallel_loop3A_548, %parallel_loop3A_549], %parallel_loop3A_470 {strides = array<i32>} : memref<2x2x56x192xf32, #tpu.memory_space<vmem>>, vector<16xf32>,
        %parallel_loop3A_551 = arith.constant 0 : i32
        %parallel_loop3A_552 = arith.constant 1 : i32
        %parallel_loop3A_553 = arith.index_cast %parallel_loop3A_551 : i32 to index
        %parallel_loop3A_554 = arith.index_cast %parallel_loop3A_552 : i32 to index
        %parallel_loop3A_555 = arith.index_cast %parallel_loop3A_421 : i32 to index
        %parallel_loop3A_556 = arith.constant 128 : index
        %parallel_loop3A_557 = tpu.vector_load %arg7[%parallel_loop3A_553, %parallel_loop3A_554, %parallel_loop3A_555, %parallel_loop3A_556] {strides = array<i32>} : memref<2x2x56x192xf32, #tpu.memory_space<vmem>>, vector<16xf32>,
        tpu.vector_store %arg7[%parallel_loop3A_553, %parallel_loop3A_554, %parallel_loop3A_555, %parallel_loop3A_556], %parallel_loop3A_476 {strides = array<i32>} : memref<2x2x56x192xf32, #tpu.memory_space<vmem>>, vector<16xf32>,
        %parallel_loop3A_558 = arith.constant 0 : i32
        %parallel_loop3A_559 = arith.constant 1 : i32
        %parallel_loop3A_560 = arith.index_cast %parallel_loop3A_558 : i32 to index
        %parallel_loop3A_561 = arith.index_cast %parallel_loop3A_559 : i32 to index
        %parallel_loop3A_562 = arith.index_cast %parallel_loop3A_421 : i32 to index
        %parallel_loop3A_563 = arith.constant 144 : index
        %parallel_loop3A_564 = tpu.vector_load %arg7[%parallel_loop3A_560, %parallel_loop3A_561, %parallel_loop3A_562, %parallel_loop3A_563] {strides = array<i32>} : memref<2x2x56x192xf32, #tpu.memory_space<vmem>>, vector<16xf32>,
        tpu.vector_store %arg7[%parallel_loop3A_560, %parallel_loop3A_561, %parallel_loop3A_562, %parallel_loop3A_563], %parallel_loop3A_482 {strides = array<i32>} : memref<2x2x56x192xf32, #tpu.memory_space<vmem>>, vector<16xf32>,
        %parallel_loop3A_565 = arith.constant 0 : i32
        %parallel_loop3A_566 = arith.constant 1 : i32
        %parallel_loop3A_567 = arith.index_cast %parallel_loop3A_565 : i32 to index
        %parallel_loop3A_568 = arith.index_cast %parallel_loop3A_566 : i32 to index
        %parallel_loop3A_569 = arith.index_cast %parallel_loop3A_421 : i32 to index
        %parallel_loop3A_570 = arith.constant 160 : index
        %parallel_loop3A_571 = tpu.vector_load %arg7[%parallel_loop3A_567, %parallel_loop3A_568, %parallel_loop3A_569, %parallel_loop3A_570] {strides = array<i32>} : memref<2x2x56x192xf32, #tpu.memory_space<vmem>>, vector<16xf32>,
        tpu.vector_store %arg7[%parallel_loop3A_567, %parallel_loop3A_568, %parallel_loop3A_569, %parallel_loop3A_570], %parallel_loop3A_488 {strides = array<i32>} : memref<2x2x56x192xf32, #tpu.memory_space<vmem>>, vector<16xf32>,
        %parallel_loop3A_572 = arith.constant 0 : i32
        %parallel_loop3A_573 = arith.constant 1 : i32
        %parallel_loop3A_574 = arith.index_cast %parallel_loop3A_572 : i32 to index
        %parallel_loop3A_575 = arith.index_cast %parallel_loop3A_573 : i32 to index
        %parallel_loop3A_576 = arith.index_cast %parallel_loop3A_421 : i32 to index
        %parallel_loop3A_577 = arith.constant 176 : index
        %parallel_loop3A_578 = tpu.vector_load %arg7[%parallel_loop3A_574, %parallel_loop3A_575, %parallel_loop3A_576, %parallel_loop3A_577] {strides = array<i32>} : memref<2x2x56x192xf32, #tpu.memory_space<vmem>>, vector<16xf32>,
        tpu.vector_store %arg7[%parallel_loop3A_574, %parallel_loop3A_575, %parallel_loop3A_576, %parallel_loop3A_577], %parallel_loop3A_494 {strides = array<i32>} : memref<2x2x56x192xf32, #tpu.memory_space<vmem>>, vector<16xf32>,
      } {sc.loop_unroll_factor = 4 : i64, sc.parallel_access}
      %add3A_301 = arith.addi %mul3A_2, %add3A_235 : i32
      %dma_start3A_302 = arith.constant 0 : i32
      %dma_start3A_303 = arith.constant 1 : i32
      %dma_start3A_304 = arith.constant 0 : i32
      %dma_start3A_305 = arith.constant 0 : i32
      %dma_start3A_306 = tpu.memref_slice %arg7[%dma_start3A_302, %dma_start3A_303, %dma_start3A_304, %dma_start3A_305] : memref<2x2x56x192xf32, #tpu.memory_space<vmem>> -> memref<1x1x56x192xf32, #tpu.memory_space<vmem>>
      %dma_start3A_307 = tpu.memref_squeeze %dma_start3A_306 : memref<1x1x56x192xf32, #tpu.memory_space<vmem>> -> memref<56x192xf32, #tpu.memory_space<vmem>>
      %dma_start3A_308 = arith.constant 0 : i32
      %dma_start3A_309 = arith.constant 0 : i32
      %dma_start3A_310 = tpu.memref_slice %arg5[%add3A_301, %dma_start3A_308, %dma_start3A_309] : memref<1792x56x192xf32, #tpu.memory_space<hbm>> -> memref<1x56x192xf32, #tpu.memory_space<hbm>>
      %dma_start3A_311 = tpu.memref_squeeze %dma_start3A_310 : memref<1x56x192xf32, #tpu.memory_space<hbm>> -> memref<56x192xf32, #tpu.memory_space<hbm>>
      %dma_start3A_312 = arith.constant 0 : i32
      %dma_start3A_313 = arith.constant 0 : i32
      %dma_start3A_314 = tpu.memref_slice %arg5[%add3A_301, %dma_start3A_312, %dma_start3A_313] : memref<1792x56x192xf32, #tpu.memory_space<hbm>> -> memref<1x56x192xf32, #tpu.memory_space<hbm>>
      %dma_start3A_315 = tpu.memref_squeeze %dma_start3A_314 : memref<1x56x192xf32, #tpu.memory_space<hbm>> -> memref<56x192xf32, #tpu.memory_space<hbm>>
      %dma_start3A_316 = arith.constant 0 : i32
      %dma_start3A_317 = arith.constant 0 : i32
      %dma_start3A_318 = tpu.memref_slice %arg7[%dma_start3A_302, %dma_start3A_303, %dma_start3A_316, %dma_start3A_317] : memref<2x2x56x192xf32, #tpu.memory_space<vmem>> -> memref<1x1x56x192xf32, #tpu.memory_space<vmem>>
      %dma_start3A_319 = tpu.memref_squeeze %dma_start3A_318 : memref<1x1x56x192xf32, #tpu.memory_space<vmem>> -> memref<56x192xf32, #tpu.memory_space<vmem>>
      tpu.enqueue_dma source(%dma_start3A_319 : memref<56x192xf32, #tpu.memory_space<vmem>>) target(%dma_start3A_315 : memref<56x192xf32, #tpu.memory_space<hbm>>) target_semaphore(%arg10 : memref<!tpu.dma_semaphore, #tpu.memory_space<semaphore_mem>>)
      %lt3A = arith.constant 27 : i32
      %lt3A_320 = arith.cmpi slt, %scan3A_231, %lt3A : i32
      %convert_element_type3A_321 = arith.extui %lt3A_320 : i1 to i32
      %cond3A_322 = arith.constant 0 : i32
      %cond3A_323 = arith.cmpi ne, %convert_element_type3A_321, %cond3A_322 : i32
      scf.if %cond3A_323 {
        %add3A_421 = arith.constant 2 : i32
        %add3A_422 = arith.addi %add3A_235, %add3A_421 : i32
        %add3A_423 = arith.addi %mul3A_2, %add3A_422 : i32
        %dma_start3A_424 = arith.constant 0 : i32
        %dma_start3A_425 = arith.constant 0 : i32
        %dma_start3A_426 = arith.constant 0 : i32
        %dma_start3A_427 = arith.constant 0 : i32
        %dma_start3A_428 = tpu.memref_slice %arg6[%dma_start3A_424, %dma_start3A_425, %dma_start3A_426, %dma_start3A_427] : memref<2x2x56x192xf32, #tpu.memory_space<vmem>> -> memref<1x1x56x192xf32, #tpu.memory_space<vmem>>
        %dma_start3A_429 = tpu.memref_squeeze %dma_start3A_428 : memref<1x1x56x192xf32, #tpu.memory_space<vmem>> -> memref<56x192xf32, #tpu.memory_space<vmem>>
        %dma_start3A_430 = arith.constant 0 : i32
        %dma_start3A_431 = arith.constant 0 : i32
        %dma_start3A_432 = tpu.memref_slice %arg2[%add3A_423, %dma_start3A_430, %dma_start3A_431] : memref<1792x56x192xf32, #tpu.memory_space<hbm>> -> memref<1x56x192xf32, #tpu.memory_space<hbm>>
        %dma_start3A_433 = tpu.memref_squeeze %dma_start3A_432 : memref<1x56x192xf32, #tpu.memory_space<hbm>> -> memref<56x192xf32, #tpu.memory_space<hbm>>
        %dma_start3A_434 = arith.constant 0 : i32
        %dma_start3A_435 = arith.constant 0 : i32
        %dma_start3A_436 = tpu.memref_slice %arg6[%dma_start3A_424, %dma_start3A_425, %dma_start3A_434, %dma_start3A_435] : memref<2x2x56x192xf32, #tpu.memory_space<vmem>> -> memref<1x1x56x192xf32, #tpu.memory_space<vmem>>
        %dma_start3A_437 = tpu.memref_squeeze %dma_start3A_436 : memref<1x1x56x192xf32, #tpu.memory_space<vmem>> -> memref<56x192xf32, #tpu.memory_space<vmem>>
        %dma_start3A_438 = arith.constant 0 : i32
        %dma_start3A_439 = arith.constant 0 : i32
        %dma_start3A_440 = tpu.memref_slice %arg2[%add3A_423, %dma_start3A_438, %dma_start3A_439] : memref<1792x56x192xf32, #tpu.memory_space<hbm>> -> memref<1x56x192xf32, #tpu.memory_space<hbm>>
        %dma_start3A_441 = tpu.memref_squeeze %dma_start3A_440 : memref<1x56x192xf32, #tpu.memory_space<hbm>> -> memref<56x192xf32, #tpu.memory_space<hbm>>
        tpu.enqueue_dma source(%dma_start3A_441 : memref<56x192xf32, #tpu.memory_space<hbm>>) target(%dma_start3A_437 : memref<56x192xf32, #tpu.memory_space<vmem>>) target_semaphore(%arg8 : memref<!tpu.dma_semaphore, #tpu.memory_space<semaphore_mem>>)
        %dma_start3A_442 = arith.constant 0 : i32
        %dma_start3A_443 = arith.constant 1 : i32
        %dma_start3A_444 = arith.constant 0 : i32
        %dma_start3A_445 = arith.constant 0 : i32
        %dma_start3A_446 = tpu.memref_slice %arg6[%dma_start3A_442, %dma_start3A_443, %dma_start3A_444, %dma_start3A_445] : memref<2x2x56x192xf32, #tpu.memory_space<vmem>> -> memref<1x1x56x192xf32, #tpu.memory_space<vmem>>
        %dma_start3A_447 = tpu.memref_squeeze %dma_start3A_446 : memref<1x1x56x192xf32, #tpu.memory_space<vmem>> -> memref<56x192xf32, #tpu.memory_space<vmem>>
        %dma_start3A_448 = arith.constant 0 : i32
        %dma_start3A_449 = arith.constant 0 : i32
        %dma_start3A_450 = tpu.memref_slice %arg3[%add3A_423, %dma_start3A_448, %dma_start3A_449] : memref<1792x56x192xf32, #tpu.memory_space<hbm>> -> memref<1x56x192xf32, #tpu.memory_space<hbm>>
        %dma_start3A_451 = tpu.memref_squeeze %dma_start3A_450 : memref<1x56x192xf32, #tpu.memory_space<hbm>> -> memref<56x192xf32, #tpu.memory_space<hbm>>
        %dma_start3A_452 = arith.constant 0 : i32
        %dma_start3A_453 = arith.constant 0 : i32
        %dma_start3A_454 = tpu.memref_slice %arg6[%dma_start3A_442, %dma_start3A_443, %dma_start3A_452, %dma_start3A_453] : memref<2x2x56x192xf32, #tpu.memory_space<vmem>> -> memref<1x1x56x192xf32, #tpu.memory_space<vmem>>
        %dma_start3A_455 = tpu.memref_squeeze %dma_start3A_454 : memref<1x1x56x192xf32, #tpu.memory_space<vmem>> -> memref<56x192xf32, #tpu.memory_space<vmem>>
        %dma_start3A_456 = arith.constant 0 : i32
        %dma_start3A_457 = arith.constant 0 : i32
        %dma_start3A_458 = tpu.memref_slice %arg3[%add3A_423, %dma_start3A_456, %dma_start3A_457] : memref<1792x56x192xf32, #tpu.memory_space<hbm>> -> memref<1x56x192xf32, #tpu.memory_space<hbm>>
        %dma_start3A_459 = tpu.memref_squeeze %dma_start3A_458 : memref<1x56x192xf32, #tpu.memory_space<hbm>> -> memref<56x192xf32, #tpu.memory_space<hbm>>
        tpu.enqueue_dma source(%dma_start3A_459 : memref<56x192xf32, #tpu.memory_space<hbm>>) target(%dma_start3A_455 : memref<56x192xf32, #tpu.memory_space<vmem>>) target_semaphore(%arg8 : memref<!tpu.dma_semaphore, #tpu.memory_space<semaphore_mem>>)
      } else {
      }
      %mul3A_324 = arith.constant 2 : i32
      %mul3A_325 = arith.muli %mul3A_324, %scan3A_231 : i32
      %add3A_326 = arith.constant 1 : i32
      %add3A_327 = arith.addi %mul3A_325, %add3A_326 : i32
      %add3A_328 = arith.addi %mul3A_2, %add3A_327 : i32
      %dma_wait3A_329 = arith.constant 1 : i32
      %dma_wait3A_330 = arith.constant 0 : i32
      %dma_wait3A_331 = arith.constant 0 : i32
      %dma_wait3A_332 = arith.constant 0 : i32
      %dma_wait3A_333 = tpu.memref_slice %arg6[%dma_wait3A_329, %dma_wait3A_330, %dma_wait3A_331, %dma_wait3A_332] : memref<2x2x56x192xf32, #tpu.memory_space<vmem>> -> memref<1x1x56x192xf32, #tpu.memory_space<vmem>>
      %dma_wait3A_334 = tpu.memref_squeeze %dma_wait3A_333 : memref<1x1x56x192xf32, #tpu.memory_space<vmem>> -> memref<56x192xf32, #tpu.memory_space<vmem>>
      %dma_wait3A_335 = arith.constant 0 : i32
      %dma_wait3A_336 = arith.constant 0 : i32
      %dma_wait3A_337 = tpu.memref_slice %arg2[%add3A_328, %dma_wait3A_335, %dma_wait3A_336] : memref<1792x56x192xf32, #tpu.memory_space<hbm>> -> memref<1x56x192xf32, #tpu.memory_space<hbm>>
      %dma_wait3A_338 = tpu.memref_squeeze %dma_wait3A_337 : memref<1x56x192xf32, #tpu.memory_space<hbm>> -> memref<56x192xf32, #tpu.memory_space<hbm>>
      %dma_wait3A_339 = arith.constant 0 : i32
      %dma_wait3A_340 = arith.constant 0 : i32
      %dma_wait3A_341 = tpu.memref_slice %arg6[%dma_wait3A_329, %dma_wait3A_330, %dma_wait3A_339, %dma_wait3A_340] : memref<2x2x56x192xf32, #tpu.memory_space<vmem>> -> memref<1x1x56x192xf32, #tpu.memory_space<vmem>>
      %dma_wait3A_342 = tpu.memref_squeeze %dma_wait3A_341 : memref<1x1x56x192xf32, #tpu.memory_space<vmem>> -> memref<56x192xf32, #tpu.memory_space<vmem>>
      %dma_wait3A_343 = arith.constant 0 : i32
      %dma_wait3A_344 = arith.constant 0 : i32
      %dma_wait3A_345 = tpu.memref_slice %arg2[%add3A_328, %dma_wait3A_343, %dma_wait3A_344] : memref<1792x56x192xf32, #tpu.memory_space<hbm>> -> memref<1x56x192xf32, #tpu.memory_space<hbm>>
      %dma_wait3A_346 = tpu.memref_squeeze %dma_wait3A_345 : memref<1x56x192xf32, #tpu.memory_space<hbm>> -> memref<56x192xf32, #tpu.memory_space<hbm>>
      tpu.wait_dma2 semaphore(%arg9 : memref<!tpu.dma_semaphore, #tpu.memory_space<semaphore_mem>>) src(%dma_wait3A_346 : memref<56x192xf32, #tpu.memory_space<hbm>>) dst(%dma_wait3A_342 : memref<56x192xf32, #tpu.memory_space<vmem>>)
      %dma_wait3A_347 = arith.constant 1 : i32
      %dma_wait3A_348 = arith.constant 1 : i32
      %dma_wait3A_349 = arith.constant 0 : i32
      %dma_wait3A_350 = arith.constant 0 : i32
      %dma_wait3A_351 = tpu.memref_slice %arg6[%dma_wait3A_347, %dma_wait3A_348, %dma_wait3A_349, %dma_wait3A_350] : memref<2x2x56x192xf32, #tpu.memory_space<vmem>> -> memref<1x1x56x192xf32, #tpu.memory_space<vmem>>
      %dma_wait3A_352 = tpu.memref_squeeze %dma_wait3A_351 : memref<1x1x56x192xf32, #tpu.memory_space<vmem>> -> memref<56x192xf32, #tpu.memory_space<vmem>>
      %dma_wait3A_353 = arith.constant 0 : i32
      %dma_wait3A_354 = arith.constant 0 : i32
      %dma_wait3A_355 = tpu.memref_slice %arg3[%add3A_328, %dma_wait3A_353, %dma_wait3A_354] : memref<1792x56x192xf32, #tpu.memory_space<hbm>> -> memref<1x56x192xf32, #tpu.memory_space<hbm>>
      %dma_wait3A_356 = tpu.memref_squeeze %dma_wait3A_355 : memref<1x56x192xf32, #tpu.memory_space<hbm>> -> memref<56x192xf32, #tpu.memory_space<hbm>>
      %dma_wait3A_357 = arith.constant 0 : i32
      %dma_wait3A_358 = arith.constant 0 : i32
      %dma_wait3A_359 = tpu.memref_slice %arg6[%dma_wait3A_347, %dma_wait3A_348, %dma_wait3A_357, %dma_wait3A_358] : memref<2x2x56x192xf32, #tpu.memory_space<vmem>> -> memref<1x1x56x192xf32, #tpu.memory_space<vmem>>
      %dma_wait3A_360 = tpu.memref_squeeze %dma_wait3A_359 : memref<1x1x56x192xf32, #tpu.memory_space<vmem>> -> memref<56x192xf32, #tpu.memory_space<vmem>>
      %dma_wait3A_361 = arith.constant 0 : i32
      %dma_wait3A_362 = arith.constant 0 : i32
      %dma_wait3A_363 = tpu.memref_slice %arg3[%add3A_328, %dma_wait3A_361, %dma_wait3A_362] : memref<1792x56x192xf32, #tpu.memory_space<hbm>> -> memref<1x56x192xf32, #tpu.memory_space<hbm>>
      %dma_wait3A_364 = tpu.memref_squeeze %dma_wait3A_363 : memref<1x56x192xf32, #tpu.memory_space<hbm>> -> memref<56x192xf32, #tpu.memory_space<hbm>>
      tpu.wait_dma2 semaphore(%arg9 : memref<!tpu.dma_semaphore, #tpu.memory_space<semaphore_mem>>) src(%dma_wait3A_364 : memref<56x192xf32, #tpu.memory_space<hbm>>) dst(%dma_wait3A_360 : memref<56x192xf32, #tpu.memory_space<vmem>>)
      %gt3A_365 = arith.constant 0 : i32
      %gt3A_366 = arith.cmpi sgt, %scan3A_231, %gt3A_365 : i32
      %convert_element_type3A_367 = arith.extui %gt3A_366 : i1 to i32
      %cond3A_368 = arith.constant 0 : i32
      %cond3A_369 = arith.cmpi ne, %convert_element_type3A_367, %cond3A_368 : i32
      scf.if %cond3A_369 {
        %sub3A = arith.constant 2 : i32
        %sub3A_421 = arith.subi %add3A_327, %sub3A : i32
        %add3A_422 = arith.addi %mul3A_2, %sub3A_421 : i32
        %dma_wait3A_423 = arith.constant 1 : i32
        %dma_wait3A_424 = arith.constant 0 : i32
        %dma_wait3A_425 = arith.constant 0 : i32
        %dma_wait3A_426 = arith.constant 0 : i32
        %dma_wait3A_427 = tpu.memref_slice %arg7[%dma_wait3A_423, %dma_wait3A_424, %dma_wait3A_425, %dma_wait3A_426] : memref<2x2x56x192xf32, #tpu.memory_space<vmem>> -> memref<1x1x56x192xf32, #tpu.memory_space<vmem>>
        %dma_wait3A_428 = tpu.memref_squeeze %dma_wait3A_427 : memref<1x1x56x192xf32, #tpu.memory_space<vmem>> -> memref<56x192xf32, #tpu.memory_space<vmem>>
        %dma_wait3A_429 = arith.constant 0 : i32
        %dma_wait3A_430 = arith.constant 0 : i32
        %dma_wait3A_431 = tpu.memref_slice %arg4[%add3A_422, %dma_wait3A_429, %dma_wait3A_430] : memref<1792x56x192xf32, #tpu.memory_space<hbm>> -> memref<1x56x192xf32, #tpu.memory_space<hbm>>
        %dma_wait3A_432 = tpu.memref_squeeze %dma_wait3A_431 : memref<1x56x192xf32, #tpu.memory_space<hbm>> -> memref<56x192xf32, #tpu.memory_space<hbm>>
        %dma_wait3A_433 = arith.constant 0 : i32
        %dma_wait3A_434 = arith.constant 0 : i32
        %dma_wait3A_435 = tpu.memref_slice %arg4[%add3A_422, %dma_wait3A_433, %dma_wait3A_434] : memref<1792x56x192xf32, #tpu.memory_space<hbm>> -> memref<1x56x192xf32, #tpu.memory_space<hbm>>
        %dma_wait3A_436 = tpu.memref_squeeze %dma_wait3A_435 : memref<1x56x192xf32, #tpu.memory_space<hbm>> -> memref<56x192xf32, #tpu.memory_space<hbm>>
        %dma_wait3A_437 = arith.constant 0 : i32
        %dma_wait3A_438 = arith.constant 0 : i32
        %dma_wait3A_439 = tpu.memref_slice %arg7[%dma_wait3A_423, %dma_wait3A_424, %dma_wait3A_437, %dma_wait3A_438] : memref<2x2x56x192xf32, #tpu.memory_space<vmem>> -> memref<1x1x56x192xf32, #tpu.memory_space<vmem>>
        %dma_wait3A_440 = tpu.memref_squeeze %dma_wait3A_439 : memref<1x1x56x192xf32, #tpu.memory_space<vmem>> -> memref<56x192xf32, #tpu.memory_space<vmem>>
        tpu.wait_dma2 semaphore(%arg11 : memref<!tpu.dma_semaphore, #tpu.memory_space<semaphore_mem>>) src(%dma_wait3A_440 : memref<56x192xf32, #tpu.memory_space<vmem>>) dst(%dma_wait3A_436 : memref<56x192xf32, #tpu.memory_space<hbm>>)
        %dma_wait3A_441 = arith.constant 1 : i32
        %dma_wait3A_442 = arith.constant 1 : i32
        %dma_wait3A_443 = arith.constant 0 : i32
        %dma_wait3A_444 = arith.constant 0 : i32
        %dma_wait3A_445 = tpu.memref_slice %arg7[%dma_wait3A_441, %dma_wait3A_442, %dma_wait3A_443, %dma_wait3A_444] : memref<2x2x56x192xf32, #tpu.memory_space<vmem>> -> memref<1x1x56x192xf32, #tpu.memory_space<vmem>>
        %dma_wait3A_446 = tpu.memref_squeeze %dma_wait3A_445 : memref<1x1x56x192xf32, #tpu.memory_space<vmem>> -> memref<56x192xf32, #tpu.memory_space<vmem>>
        %dma_wait3A_447 = arith.constant 0 : i32
        %dma_wait3A_448 = arith.constant 0 : i32
        %dma_wait3A_449 = tpu.memref_slice %arg5[%add3A_422, %dma_wait3A_447, %dma_wait3A_448] : memref<1792x56x192xf32, #tpu.memory_space<hbm>> -> memref<1x56x192xf32, #tpu.memory_space<hbm>>
        %dma_wait3A_450 = tpu.memref_squeeze %dma_wait3A_449 : memref<1x56x192xf32, #tpu.memory_space<hbm>> -> memref<56x192xf32, #tpu.memory_space<hbm>>
        %dma_wait3A_451 = arith.constant 0 : i32
        %dma_wait3A_452 = arith.constant 0 : i32
        %dma_wait3A_453 = tpu.memref_slice %arg5[%add3A_422, %dma_wait3A_451, %dma_wait3A_452] : memref<1792x56x192xf32, #tpu.memory_space<hbm>> -> memref<1x56x192xf32, #tpu.memory_space<hbm>>
        %dma_wait3A_454 = tpu.memref_squeeze %dma_wait3A_453 : memref<1x56x192xf32, #tpu.memory_space<hbm>> -> memref<56x192xf32, #tpu.memory_space<hbm>>
        %dma_wait3A_455 = arith.constant 0 : i32
        %dma_wait3A_456 = arith.constant 0 : i32
        %dma_wait3A_457 = tpu.memref_slice %arg7[%dma_wait3A_441, %dma_wait3A_442, %dma_wait3A_455, %dma_wait3A_456] : memref<2x2x56x192xf32, #tpu.memory_space<vmem>> -> memref<1x1x56x192xf32, #tpu.memory_space<vmem>>
        %dma_wait3A_458 = tpu.memref_squeeze %dma_wait3A_457 : memref<1x1x56x192xf32, #tpu.memory_space<vmem>> -> memref<56x192xf32, #tpu.memory_space<vmem>>
        tpu.wait_dma2 semaphore(%arg11 : memref<!tpu.dma_semaphore, #tpu.memory_space<semaphore_mem>>) src(%dma_wait3A_458 : memref<56x192xf32, #tpu.memory_space<vmem>>) dst(%dma_wait3A_454 : memref<56x192xf32, #tpu.memory_space<hbm>>)
      } else {
      }
      %parallel_loop3A_370 = arith.constant 0 : i32
      %parallel_loop3A_371 = arith.constant 56 : i32
      %parallel_loop3A_372 = arith.constant 1 : i32
      %parallel_loop3A_373 = arith.constant 1 : i32
      scf.for %parallel_loop3A_421 = %parallel_loop3A_370 to %parallel_loop3A_371 step %parallel_loop3A_372  : i32 {
        %parallel_loop3A_422 = vector.broadcast %parallel_loop3A_421 : i32 to vector<16xi32>
        %parallel_loop3A_423 = arith.constant 0 : i32
        %parallel_loop3A_424 = arith.constant 0 : i32
        %parallel_loop3A_425 = arith.constant 0 : i32
        %parallel_loop3A_426 = tpu.memref_slice %arg6[%parallel_loop3A_373, %parallel_loop3A_423, %parallel_loop3A_424, %parallel_loop3A_425] : memref<2x2x56x192xf32, #tpu.memory_space<vmem>> -> memref<1x2x56x192xf32, #tpu.memory_space<vmem>>
        %parallel_loop3A_427 = tpu.memref_squeeze %parallel_loop3A_426 : memref<1x2x56x192xf32, #tpu.memory_space<vmem>> -> memref<2x56x192xf32, #tpu.memory_space<vmem>>
        %parallel_loop3A_428 = tpu.vector_load_idx %parallel_loop3A_427[%rem3A, %parallel_loop3A_422, %add3A_6] : memref<2x56x192xf32, #tpu.memory_space<vmem>>[vector<16xi32>, vector<16xi32>, vector<16xi32>], vector<16xf32>,
        %parallel_loop3A_429 = arith.constant 0 : i32
        %parallel_loop3A_430 = arith.constant 0 : i32
        %parallel_loop3A_431 = arith.constant 0 : i32
        %parallel_loop3A_432 = tpu.memref_slice %arg6[%parallel_loop3A_373, %parallel_loop3A_429, %parallel_loop3A_430, %parallel_loop3A_431] : memref<2x2x56x192xf32, #tpu.memory_space<vmem>> -> memref<1x2x56x192xf32, #tpu.memory_space<vmem>>
        %parallel_loop3A_433 = tpu.memref_squeeze %parallel_loop3A_432 : memref<1x2x56x192xf32, #tpu.memory_space<vmem>> -> memref<2x56x192xf32, #tpu.memory_space<vmem>>
        %parallel_loop3A_434 = tpu.vector_load_idx %parallel_loop3A_433[%rem3A, %parallel_loop3A_422, %add3A_9] : memref<2x56x192xf32, #tpu.memory_space<vmem>>[vector<16xi32>, vector<16xi32>, vector<16xi32>], vector<16xf32>,
        %parallel_loop3A_435 = arith.constant 0 : i32
        %parallel_loop3A_436 = arith.constant 0 : i32
        %parallel_loop3A_437 = arith.constant 0 : i32
        %parallel_loop3A_438 = tpu.memref_slice %arg6[%parallel_loop3A_373, %parallel_loop3A_435, %parallel_loop3A_436, %parallel_loop3A_437] : memref<2x2x56x192xf32, #tpu.memory_space<vmem>> -> memref<1x2x56x192xf32, #tpu.memory_space<vmem>>
        %parallel_loop3A_439 = tpu.memref_squeeze %parallel_loop3A_438 : memref<1x2x56x192xf32, #tpu.memory_space<vmem>> -> memref<2x56x192xf32, #tpu.memory_space<vmem>>
        %parallel_loop3A_440 = tpu.vector_load_idx %parallel_loop3A_439[%rem3A, %parallel_loop3A_422, %add3A_12] : memref<2x56x192xf32, #tpu.memory_space<vmem>>[vector<16xi32>, vector<16xi32>, vector<16xi32>], vector<16xf32>,
        %parallel_loop3A_441 = arith.constant 0 : i32
        %parallel_loop3A_442 = arith.constant 0 : i32
        %parallel_loop3A_443 = arith.constant 0 : i32
        %parallel_loop3A_444 = tpu.memref_slice %arg6[%parallel_loop3A_373, %parallel_loop3A_441, %parallel_loop3A_442, %parallel_loop3A_443] : memref<2x2x56x192xf32, #tpu.memory_space<vmem>> -> memref<1x2x56x192xf32, #tpu.memory_space<vmem>>
        %parallel_loop3A_445 = tpu.memref_squeeze %parallel_loop3A_444 : memref<1x2x56x192xf32, #tpu.memory_space<vmem>> -> memref<2x56x192xf32, #tpu.memory_space<vmem>>
        %parallel_loop3A_446 = tpu.vector_load_idx %parallel_loop3A_445[%rem3A, %parallel_loop3A_422, %add3A_15] : memref<2x56x192xf32, #tpu.memory_space<vmem>>[vector<16xi32>, vector<16xi32>, vector<16xi32>], vector<16xf32>,
        %parallel_loop3A_447 = arith.constant 0 : i32
        %parallel_loop3A_448 = arith.constant 0 : i32
        %parallel_loop3A_449 = arith.constant 0 : i32
        %parallel_loop3A_450 = tpu.memref_slice %arg6[%parallel_loop3A_373, %parallel_loop3A_447, %parallel_loop3A_448, %parallel_loop3A_449] : memref<2x2x56x192xf32, #tpu.memory_space<vmem>> -> memref<1x2x56x192xf32, #tpu.memory_space<vmem>>
        %parallel_loop3A_451 = tpu.memref_squeeze %parallel_loop3A_450 : memref<1x2x56x192xf32, #tpu.memory_space<vmem>> -> memref<2x56x192xf32, #tpu.memory_space<vmem>>
        %parallel_loop3A_452 = tpu.vector_load_idx %parallel_loop3A_451[%rem3A, %parallel_loop3A_422, %add3A_18] : memref<2x56x192xf32, #tpu.memory_space<vmem>>[vector<16xi32>, vector<16xi32>, vector<16xi32>], vector<16xf32>,
        %parallel_loop3A_453 = arith.constant 0 : i32
        %parallel_loop3A_454 = arith.constant 0 : i32
        %parallel_loop3A_455 = arith.constant 0 : i32
        %parallel_loop3A_456 = tpu.memref_slice %arg6[%parallel_loop3A_373, %parallel_loop3A_453, %parallel_loop3A_454, %parallel_loop3A_455] : memref<2x2x56x192xf32, #tpu.memory_space<vmem>> -> memref<1x2x56x192xf32, #tpu.memory_space<vmem>>
        %parallel_loop3A_457 = tpu.memref_squeeze %parallel_loop3A_456 : memref<1x2x56x192xf32, #tpu.memory_space<vmem>> -> memref<2x56x192xf32, #tpu.memory_space<vmem>>
        %parallel_loop3A_458 = tpu.vector_load_idx %parallel_loop3A_457[%rem3A, %parallel_loop3A_422, %add3A_21] : memref<2x56x192xf32, #tpu.memory_space<vmem>>[vector<16xi32>, vector<16xi32>, vector<16xi32>], vector<16xf32>,
        %parallel_loop3A_459 = arith.constant 0 : i32
        %parallel_loop3A_460 = arith.constant 0 : i32
        %parallel_loop3A_461 = arith.constant 0 : i32
        %parallel_loop3A_462 = tpu.memref_slice %arg6[%parallel_loop3A_373, %parallel_loop3A_459, %parallel_loop3A_460, %parallel_loop3A_461] : memref<2x2x56x192xf32, #tpu.memory_space<vmem>> -> memref<1x2x56x192xf32, #tpu.memory_space<vmem>>
        %parallel_loop3A_463 = tpu.memref_squeeze %parallel_loop3A_462 : memref<1x2x56x192xf32, #tpu.memory_space<vmem>> -> memref<2x56x192xf32, #tpu.memory_space<vmem>>
        %parallel_loop3A_464 = tpu.vector_load_idx %parallel_loop3A_463[%rem3A, %parallel_loop3A_422, %add3A_24] : memref<2x56x192xf32, #tpu.memory_space<vmem>>[vector<16xi32>, vector<16xi32>, vector<16xi32>], vector<16xf32>,
        %parallel_loop3A_465 = arith.constant 0 : i32
        %parallel_loop3A_466 = arith.constant 0 : i32
        %parallel_loop3A_467 = arith.constant 0 : i32
        %parallel_loop3A_468 = tpu.memref_slice %arg6[%parallel_loop3A_373, %parallel_loop3A_465, %parallel_loop3A_466, %parallel_loop3A_467] : memref<2x2x56x192xf32, #tpu.memory_space<vmem>> -> memref<1x2x56x192xf32, #tpu.memory_space<vmem>>
        %parallel_loop3A_469 = tpu.memref_squeeze %parallel_loop3A_468 : memref<1x2x56x192xf32, #tpu.memory_space<vmem>> -> memref<2x56x192xf32, #tpu.memory_space<vmem>>
        %parallel_loop3A_470 = tpu.vector_load_idx %parallel_loop3A_469[%rem3A, %parallel_loop3A_422, %add3A_27] : memref<2x56x192xf32, #tpu.memory_space<vmem>>[vector<16xi32>, vector<16xi32>, vector<16xi32>], vector<16xf32>,
        %parallel_loop3A_471 = arith.constant 0 : i32
        %parallel_loop3A_472 = arith.constant 0 : i32
        %parallel_loop3A_473 = arith.constant 0 : i32
        %parallel_loop3A_474 = tpu.memref_slice %arg6[%parallel_loop3A_373, %parallel_loop3A_471, %parallel_loop3A_472, %parallel_loop3A_473] : memref<2x2x56x192xf32, #tpu.memory_space<vmem>> -> memref<1x2x56x192xf32, #tpu.memory_space<vmem>>
        %parallel_loop3A_475 = tpu.memref_squeeze %parallel_loop3A_474 : memref<1x2x56x192xf32, #tpu.memory_space<vmem>> -> memref<2x56x192xf32, #tpu.memory_space<vmem>>
        %parallel_loop3A_476 = tpu.vector_load_idx %parallel_loop3A_475[%rem3A, %parallel_loop3A_422, %add3A_30] : memref<2x56x192xf32, #tpu.memory_space<vmem>>[vector<16xi32>, vector<16xi32>, vector<16xi32>], vector<16xf32>,
        %parallel_loop3A_477 = arith.constant 0 : i32
        %parallel_loop3A_478 = arith.constant 0 : i32
        %parallel_loop3A_479 = arith.constant 0 : i32
        %parallel_loop3A_480 = tpu.memref_slice %arg6[%parallel_loop3A_373, %parallel_loop3A_477, %parallel_loop3A_478, %parallel_loop3A_479] : memref<2x2x56x192xf32, #tpu.memory_space<vmem>> -> memref<1x2x56x192xf32, #tpu.memory_space<vmem>>
        %parallel_loop3A_481 = tpu.memref_squeeze %parallel_loop3A_480 : memref<1x2x56x192xf32, #tpu.memory_space<vmem>> -> memref<2x56x192xf32, #tpu.memory_space<vmem>>
        %parallel_loop3A_482 = tpu.vector_load_idx %parallel_loop3A_481[%rem3A, %parallel_loop3A_422, %add3A_33] : memref<2x56x192xf32, #tpu.memory_space<vmem>>[vector<16xi32>, vector<16xi32>, vector<16xi32>], vector<16xf32>,
        %parallel_loop3A_483 = arith.constant 0 : i32
        %parallel_loop3A_484 = arith.constant 0 : i32
        %parallel_loop3A_485 = arith.constant 0 : i32
        %parallel_loop3A_486 = tpu.memref_slice %arg6[%parallel_loop3A_373, %parallel_loop3A_483, %parallel_loop3A_484, %parallel_loop3A_485] : memref<2x2x56x192xf32, #tpu.memory_space<vmem>> -> memref<1x2x56x192xf32, #tpu.memory_space<vmem>>
        %parallel_loop3A_487 = tpu.memref_squeeze %parallel_loop3A_486 : memref<1x2x56x192xf32, #tpu.memory_space<vmem>> -> memref<2x56x192xf32, #tpu.memory_space<vmem>>
        %parallel_loop3A_488 = tpu.vector_load_idx %parallel_loop3A_487[%rem3A, %parallel_loop3A_422, %add3A_36] : memref<2x56x192xf32, #tpu.memory_space<vmem>>[vector<16xi32>, vector<16xi32>, vector<16xi32>], vector<16xf32>,
        %parallel_loop3A_489 = arith.constant 0 : i32
        %parallel_loop3A_490 = arith.constant 0 : i32
        %parallel_loop3A_491 = arith.constant 0 : i32
        %parallel_loop3A_492 = tpu.memref_slice %arg6[%parallel_loop3A_373, %parallel_loop3A_489, %parallel_loop3A_490, %parallel_loop3A_491] : memref<2x2x56x192xf32, #tpu.memory_space<vmem>> -> memref<1x2x56x192xf32, #tpu.memory_space<vmem>>
        %parallel_loop3A_493 = tpu.memref_squeeze %parallel_loop3A_492 : memref<1x2x56x192xf32, #tpu.memory_space<vmem>> -> memref<2x56x192xf32, #tpu.memory_space<vmem>>
        %parallel_loop3A_494 = tpu.vector_load_idx %parallel_loop3A_493[%rem3A, %parallel_loop3A_422, %add3A_39] : memref<2x56x192xf32, #tpu.memory_space<vmem>>[vector<16xi32>, vector<16xi32>, vector<16xi32>], vector<16xf32>,
        %parallel_loop3A_495 = arith.constant 1 : i32
        %parallel_loop3A_496 = arith.constant 0 : i32
        %parallel_loop3A_497 = arith.index_cast %parallel_loop3A_495 : i32 to index
        %parallel_loop3A_498 = arith.index_cast %parallel_loop3A_496 : i32 to index
        %parallel_loop3A_499 = arith.index_cast %parallel_loop3A_421 : i32 to index
        %parallel_loop3A_500 = arith.constant 0 : index
        %parallel_loop3A_501 = tpu.vector_load %arg7[%parallel_loop3A_497, %parallel_loop3A_498, %parallel_loop3A_499, %parallel_loop3A_500] {strides = array<i32>} : memref<2x2x56x192xf32, #tpu.memory_space<vmem>>, vector<16xf32>,
        tpu.vector_store %arg7[%parallel_loop3A_497, %parallel_loop3A_498, %parallel_loop3A_499, %parallel_loop3A_500], %parallel_loop3A_428 {strides = array<i32>} : memref<2x2x56x192xf32, #tpu.memory_space<vmem>>, vector<16xf32>,
        %parallel_loop3A_502 = arith.constant 1 : i32
        %parallel_loop3A_503 = arith.constant 0 : i32
        %parallel_loop3A_504 = arith.index_cast %parallel_loop3A_502 : i32 to index
        %parallel_loop3A_505 = arith.index_cast %parallel_loop3A_503 : i32 to index
        %parallel_loop3A_506 = arith.index_cast %parallel_loop3A_421 : i32 to index
        %parallel_loop3A_507 = arith.constant 16 : index
        %parallel_loop3A_508 = tpu.vector_load %arg7[%parallel_loop3A_504, %parallel_loop3A_505, %parallel_loop3A_506, %parallel_loop3A_507] {strides = array<i32>} : memref<2x2x56x192xf32, #tpu.memory_space<vmem>>, vector<16xf32>,
        tpu.vector_store %arg7[%parallel_loop3A_504, %parallel_loop3A_505, %parallel_loop3A_506, %parallel_loop3A_507], %parallel_loop3A_434 {strides = array<i32>} : memref<2x2x56x192xf32, #tpu.memory_space<vmem>>, vector<16xf32>,
        %parallel_loop3A_509 = arith.constant 1 : i32
        %parallel_loop3A_510 = arith.constant 0 : i32
        %parallel_loop3A_511 = arith.index_cast %parallel_loop3A_509 : i32 to index
        %parallel_loop3A_512 = arith.index_cast %parallel_loop3A_510 : i32 to index
        %parallel_loop3A_513 = arith.index_cast %parallel_loop3A_421 : i32 to index
        %parallel_loop3A_514 = arith.constant 32 : index
        %parallel_loop3A_515 = tpu.vector_load %arg7[%parallel_loop3A_511, %parallel_loop3A_512, %parallel_loop3A_513, %parallel_loop3A_514] {strides = array<i32>} : memref<2x2x56x192xf32, #tpu.memory_space<vmem>>, vector<16xf32>,
        tpu.vector_store %arg7[%parallel_loop3A_511, %parallel_loop3A_512, %parallel_loop3A_513, %parallel_loop3A_514], %parallel_loop3A_440 {strides = array<i32>} : memref<2x2x56x192xf32, #tpu.memory_space<vmem>>, vector<16xf32>,
        %parallel_loop3A_516 = arith.constant 1 : i32
        %parallel_loop3A_517 = arith.constant 0 : i32
        %parallel_loop3A_518 = arith.index_cast %parallel_loop3A_516 : i32 to index
        %parallel_loop3A_519 = arith.index_cast %parallel_loop3A_517 : i32 to index
        %parallel_loop3A_520 = arith.index_cast %parallel_loop3A_421 : i32 to index
        %parallel_loop3A_521 = arith.constant 48 : index
        %parallel_loop3A_522 = tpu.vector_load %arg7[%parallel_loop3A_518, %parallel_loop3A_519, %parallel_loop3A_520, %parallel_loop3A_521] {strides = array<i32>} : memref<2x2x56x192xf32, #tpu.memory_space<vmem>>, vector<16xf32>,
        tpu.vector_store %arg7[%parallel_loop3A_518, %parallel_loop3A_519, %parallel_loop3A_520, %parallel_loop3A_521], %parallel_loop3A_446 {strides = array<i32>} : memref<2x2x56x192xf32, #tpu.memory_space<vmem>>, vector<16xf32>,
        %parallel_loop3A_523 = arith.constant 1 : i32
        %parallel_loop3A_524 = arith.constant 0 : i32
        %parallel_loop3A_525 = arith.index_cast %parallel_loop3A_523 : i32 to index
        %parallel_loop3A_526 = arith.index_cast %parallel_loop3A_524 : i32 to index
        %parallel_loop3A_527 = arith.index_cast %parallel_loop3A_421 : i32 to index
        %parallel_loop3A_528 = arith.constant 64 : index
        %parallel_loop3A_529 = tpu.vector_load %arg7[%parallel_loop3A_525, %parallel_loop3A_526, %parallel_loop3A_527, %parallel_loop3A_528] {strides = array<i32>} : memref<2x2x56x192xf32, #tpu.memory_space<vmem>>, vector<16xf32>,
        tpu.vector_store %arg7[%parallel_loop3A_525, %parallel_loop3A_526, %parallel_loop3A_527, %parallel_loop3A_528], %parallel_loop3A_452 {strides = array<i32>} : memref<2x2x56x192xf32, #tpu.memory_space<vmem>>, vector<16xf32>,
        %parallel_loop3A_530 = arith.constant 1 : i32
        %parallel_loop3A_531 = arith.constant 0 : i32
        %parallel_loop3A_532 = arith.index_cast %parallel_loop3A_530 : i32 to index
        %parallel_loop3A_533 = arith.index_cast %parallel_loop3A_531 : i32 to index
        %parallel_loop3A_534 = arith.index_cast %parallel_loop3A_421 : i32 to index
        %parallel_loop3A_535 = arith.constant 80 : index
        %parallel_loop3A_536 = tpu.vector_load %arg7[%parallel_loop3A_532, %parallel_loop3A_533, %parallel_loop3A_534, %parallel_loop3A_535] {strides = array<i32>} : memref<2x2x56x192xf32, #tpu.memory_space<vmem>>, vector<16xf32>,
        tpu.vector_store %arg7[%parallel_loop3A_532, %parallel_loop3A_533, %parallel_loop3A_534, %parallel_loop3A_535], %parallel_loop3A_458 {strides = array<i32>} : memref<2x2x56x192xf32, #tpu.memory_space<vmem>>, vector<16xf32>,
        %parallel_loop3A_537 = arith.constant 1 : i32
        %parallel_loop3A_538 = arith.constant 0 : i32
        %parallel_loop3A_539 = arith.index_cast %parallel_loop3A_537 : i32 to index
        %parallel_loop3A_540 = arith.index_cast %parallel_loop3A_538 : i32 to index
        %parallel_loop3A_541 = arith.index_cast %parallel_loop3A_421 : i32 to index
        %parallel_loop3A_542 = arith.constant 96 : index
        %parallel_loop3A_543 = tpu.vector_load %arg7[%parallel_loop3A_539, %parallel_loop3A_540, %parallel_loop3A_541, %parallel_loop3A_542] {strides = array<i32>} : memref<2x2x56x192xf32, #tpu.memory_space<vmem>>, vector<16xf32>,
        tpu.vector_store %arg7[%parallel_loop3A_539, %parallel_loop3A_540, %parallel_loop3A_541, %parallel_loop3A_542], %parallel_loop3A_464 {strides = array<i32>} : memref<2x2x56x192xf32, #tpu.memory_space<vmem>>, vector<16xf32>,
        %parallel_loop3A_544 = arith.constant 1 : i32
        %parallel_loop3A_545 = arith.constant 0 : i32
        %parallel_loop3A_546 = arith.index_cast %parallel_loop3A_544 : i32 to index
        %parallel_loop3A_547 = arith.index_cast %parallel_loop3A_545 : i32 to index
        %parallel_loop3A_548 = arith.index_cast %parallel_loop3A_421 : i32 to index
        %parallel_loop3A_549 = arith.constant 112 : index
        %parallel_loop3A_550 = tpu.vector_load %arg7[%parallel_loop3A_546, %parallel_loop3A_547, %parallel_loop3A_548, %parallel_loop3A_549] {strides = array<i32>} : memref<2x2x56x192xf32, #tpu.memory_space<vmem>>, vector<16xf32>,
        tpu.vector_store %arg7[%parallel_loop3A_546, %parallel_loop3A_547, %parallel_loop3A_548, %parallel_loop3A_549], %parallel_loop3A_470 {strides = array<i32>} : memref<2x2x56x192xf32, #tpu.memory_space<vmem>>, vector<16xf32>,
        %parallel_loop3A_551 = arith.constant 1 : i32
        %parallel_loop3A_552 = arith.constant 0 : i32
        %parallel_loop3A_553 = arith.index_cast %parallel_loop3A_551 : i32 to index
        %parallel_loop3A_554 = arith.index_cast %parallel_loop3A_552 : i32 to index
        %parallel_loop3A_555 = arith.index_cast %parallel_loop3A_421 : i32 to index
        %parallel_loop3A_556 = arith.constant 128 : index
        %parallel_loop3A_557 = tpu.vector_load %arg7[%parallel_loop3A_553, %parallel_loop3A_554, %parallel_loop3A_555, %parallel_loop3A_556] {strides = array<i32>} : memref<2x2x56x192xf32, #tpu.memory_space<vmem>>, vector<16xf32>,
        tpu.vector_store %arg7[%parallel_loop3A_553, %parallel_loop3A_554, %parallel_loop3A_555, %parallel_loop3A_556], %parallel_loop3A_476 {strides = array<i32>} : memref<2x2x56x192xf32, #tpu.memory_space<vmem>>, vector<16xf32>,
        %parallel_loop3A_558 = arith.constant 1 : i32
        %parallel_loop3A_559 = arith.constant 0 : i32
        %parallel_loop3A_560 = arith.index_cast %parallel_loop3A_558 : i32 to index
        %parallel_loop3A_561 = arith.index_cast %parallel_loop3A_559 : i32 to index
        %parallel_loop3A_562 = arith.index_cast %parallel_loop3A_421 : i32 to index
        %parallel_loop3A_563 = arith.constant 144 : index
        %parallel_loop3A_564 = tpu.vector_load %arg7[%parallel_loop3A_560, %parallel_loop3A_561, %parallel_loop3A_562, %parallel_loop3A_563] {strides = array<i32>} : memref<2x2x56x192xf32, #tpu.memory_space<vmem>>, vector<16xf32>,
        tpu.vector_store %arg7[%parallel_loop3A_560, %parallel_loop3A_561, %parallel_loop3A_562, %parallel_loop3A_563], %parallel_loop3A_482 {strides = array<i32>} : memref<2x2x56x192xf32, #tpu.memory_space<vmem>>, vector<16xf32>,
        %parallel_loop3A_565 = arith.constant 1 : i32
        %parallel_loop3A_566 = arith.constant 0 : i32
        %parallel_loop3A_567 = arith.index_cast %parallel_loop3A_565 : i32 to index
        %parallel_loop3A_568 = arith.index_cast %parallel_loop3A_566 : i32 to index
        %parallel_loop3A_569 = arith.index_cast %parallel_loop3A_421 : i32 to index
        %parallel_loop3A_570 = arith.constant 160 : index
        %parallel_loop3A_571 = tpu.vector_load %arg7[%parallel_loop3A_567, %parallel_loop3A_568, %parallel_loop3A_569, %parallel_loop3A_570] {strides = array<i32>} : memref<2x2x56x192xf32, #tpu.memory_space<vmem>>, vector<16xf32>,
        tpu.vector_store %arg7[%parallel_loop3A_567, %parallel_loop3A_568, %parallel_loop3A_569, %parallel_loop3A_570], %parallel_loop3A_488 {strides = array<i32>} : memref<2x2x56x192xf32, #tpu.memory_space<vmem>>, vector<16xf32>,
        %parallel_loop3A_572 = arith.constant 1 : i32
        %parallel_loop3A_573 = arith.constant 0 : i32
        %parallel_loop3A_574 = arith.index_cast %parallel_loop3A_572 : i32 to index
        %parallel_loop3A_575 = arith.index_cast %parallel_loop3A_573 : i32 to index
        %parallel_loop3A_576 = arith.index_cast %parallel_loop3A_421 : i32 to index
        %parallel_loop3A_577 = arith.constant 176 : index
        %parallel_loop3A_578 = tpu.vector_load %arg7[%parallel_loop3A_574, %parallel_loop3A_575, %parallel_loop3A_576, %parallel_loop3A_577] {strides = array<i32>} : memref<2x2x56x192xf32, #tpu.memory_space<vmem>>, vector<16xf32>,
        tpu.vector_store %arg7[%parallel_loop3A_574, %parallel_loop3A_575, %parallel_loop3A_576, %parallel_loop3A_577], %parallel_loop3A_494 {strides = array<i32>} : memref<2x2x56x192xf32, #tpu.memory_space<vmem>>, vector<16xf32>,
      } {sc.loop_unroll_factor = 4 : i64, sc.parallel_access}
      %add3A_374 = arith.addi %mul3A_2, %add3A_327 : i32
      %dma_start3A_375 = arith.constant 1 : i32
      %dma_start3A_376 = arith.constant 0 : i32
      %dma_start3A_377 = arith.constant 0 : i32
      %dma_start3A_378 = arith.constant 0 : i32
      %dma_start3A_379 = tpu.memref_slice %arg7[%dma_start3A_375, %dma_start3A_376, %dma_start3A_377, %dma_start3A_378] : memref<2x2x56x192xf32, #tpu.memory_space<vmem>> -> memref<1x1x56x192xf32, #tpu.memory_space<vmem>>
      %dma_start3A_380 = tpu.memref_squeeze %dma_start3A_379 : memref<1x1x56x192xf32, #tpu.memory_space<vmem>> -> memref<56x192xf32, #tpu.memory_space<vmem>>
      %dma_start3A_381 = arith.constant 0 : i32
      %dma_start3A_382 = arith.constant 0 : i32
      %dma_start3A_383 = tpu.memref_slice %arg4[%add3A_374, %dma_start3A_381, %dma_start3A_382] : memref<1792x56x192xf32, #tpu.memory_space<hbm>> -> memref<1x56x192xf32, #tpu.memory_space<hbm>>
      %dma_start3A_384 = tpu.memref_squeeze %dma_start3A_383 : memref<1x56x192xf32, #tpu.memory_space<hbm>> -> memref<56x192xf32, #tpu.memory_space<hbm>>
      %dma_start3A_385 = arith.constant 0 : i32
      %dma_start3A_386 = arith.constant 0 : i32
      %dma_start3A_387 = tpu.memref_slice %arg4[%add3A_374, %dma_start3A_385, %dma_start3A_386] : memref<1792x56x192xf32, #tpu.memory_space<hbm>> -> memref<1x56x192xf32, #tpu.memory_space<hbm>>
      %dma_start3A_388 = tpu.memref_squeeze %dma_start3A_387 : memref<1x56x192xf32, #tpu.memory_space<hbm>> -> memref<56x192xf32, #tpu.memory_space<hbm>>
      %dma_start3A_389 = arith.constant 0 : i32
      %dma_start3A_390 = arith.constant 0 : i32
      %dma_start3A_391 = tpu.memref_slice %arg7[%dma_start3A_375, %dma_start3A_376, %dma_start3A_389, %dma_start3A_390] : memref<2x2x56x192xf32, #tpu.memory_space<vmem>> -> memref<1x1x56x192xf32, #tpu.memory_space<vmem>>
      %dma_start3A_392 = tpu.memref_squeeze %dma_start3A_391 : memref<1x1x56x192xf32, #tpu.memory_space<vmem>> -> memref<56x192xf32, #tpu.memory_space<vmem>>
      tpu.enqueue_dma source(%dma_start3A_392 : memref<56x192xf32, #tpu.memory_space<vmem>>) target(%dma_start3A_388 : memref<56x192xf32, #tpu.memory_space<hbm>>) target_semaphore(%arg11 : memref<!tpu.dma_semaphore, #tpu.memory_space<semaphore_mem>>)
      %parallel_loop3A_393 = arith.constant 0 : i32
      %parallel_loop3A_394 = arith.constant 56 : i32
      %parallel_loop3A_395 = arith.constant 1 : i32
      %parallel_loop3A_396 = arith.constant 1 : i32
      scf.for %parallel_loop3A_421 = %parallel_loop3A_393 to %parallel_loop3A_394 step %parallel_loop3A_395  : i32 {
        %parallel_loop3A_422 = vector.broadcast %parallel_loop3A_421 : i32 to vector<16xi32>
        %parallel_loop3A_423 = arith.constant 0 : i32
        %parallel_loop3A_424 = arith.constant 0 : i32
        %parallel_loop3A_425 = arith.constant 0 : i32
        %parallel_loop3A_426 = tpu.memref_slice %arg6[%parallel_loop3A_396, %parallel_loop3A_423, %parallel_loop3A_424, %parallel_loop3A_425] : memref<2x2x56x192xf32, #tpu.memory_space<vmem>> -> memref<1x2x56x192xf32, #tpu.memory_space<vmem>>
        %parallel_loop3A_427 = tpu.memref_squeeze %parallel_loop3A_426 : memref<1x2x56x192xf32, #tpu.memory_space<vmem>> -> memref<2x56x192xf32, #tpu.memory_space<vmem>>
        %parallel_loop3A_428 = tpu.vector_load_idx %parallel_loop3A_427[%rem3A, %parallel_loop3A_422, %add3A_42] : memref<2x56x192xf32, #tpu.memory_space<vmem>>[vector<16xi32>, vector<16xi32>, vector<16xi32>], vector<16xf32>,
        %parallel_loop3A_429 = arith.constant 0 : i32
        %parallel_loop3A_430 = arith.constant 0 : i32
        %parallel_loop3A_431 = arith.constant 0 : i32
        %parallel_loop3A_432 = tpu.memref_slice %arg6[%parallel_loop3A_396, %parallel_loop3A_429, %parallel_loop3A_430, %parallel_loop3A_431] : memref<2x2x56x192xf32, #tpu.memory_space<vmem>> -> memref<1x2x56x192xf32, #tpu.memory_space<vmem>>
        %parallel_loop3A_433 = tpu.memref_squeeze %parallel_loop3A_432 : memref<1x2x56x192xf32, #tpu.memory_space<vmem>> -> memref<2x56x192xf32, #tpu.memory_space<vmem>>
        %parallel_loop3A_434 = tpu.vector_load_idx %parallel_loop3A_433[%rem3A, %parallel_loop3A_422, %add3A_45] : memref<2x56x192xf32, #tpu.memory_space<vmem>>[vector<16xi32>, vector<16xi32>, vector<16xi32>], vector<16xf32>,
        %parallel_loop3A_435 = arith.constant 0 : i32
        %parallel_loop3A_436 = arith.constant 0 : i32
        %parallel_loop3A_437 = arith.constant 0 : i32
        %parallel_loop3A_438 = tpu.memref_slice %arg6[%parallel_loop3A_396, %parallel_loop3A_435, %parallel_loop3A_436, %parallel_loop3A_437] : memref<2x2x56x192xf32, #tpu.memory_space<vmem>> -> memref<1x2x56x192xf32, #tpu.memory_space<vmem>>
        %parallel_loop3A_439 = tpu.memref_squeeze %parallel_loop3A_438 : memref<1x2x56x192xf32, #tpu.memory_space<vmem>> -> memref<2x56x192xf32, #tpu.memory_space<vmem>>
        %parallel_loop3A_440 = tpu.vector_load_idx %parallel_loop3A_439[%rem3A, %parallel_loop3A_422, %add3A_48] : memref<2x56x192xf32, #tpu.memory_space<vmem>>[vector<16xi32>, vector<16xi32>, vector<16xi32>], vector<16xf32>,
        %parallel_loop3A_441 = arith.constant 0 : i32
        %parallel_loop3A_442 = arith.constant 0 : i32
        %parallel_loop3A_443 = arith.constant 0 : i32
        %parallel_loop3A_444 = tpu.memref_slice %arg6[%parallel_loop3A_396, %parallel_loop3A_441, %parallel_loop3A_442, %parallel_loop3A_443] : memref<2x2x56x192xf32, #tpu.memory_space<vmem>> -> memref<1x2x56x192xf32, #tpu.memory_space<vmem>>
        %parallel_loop3A_445 = tpu.memref_squeeze %parallel_loop3A_444 : memref<1x2x56x192xf32, #tpu.memory_space<vmem>> -> memref<2x56x192xf32, #tpu.memory_space<vmem>>
        %parallel_loop3A_446 = tpu.vector_load_idx %parallel_loop3A_445[%rem3A, %parallel_loop3A_422, %add3A_51] : memref<2x56x192xf32, #tpu.memory_space<vmem>>[vector<16xi32>, vector<16xi32>, vector<16xi32>], vector<16xf32>,
        %parallel_loop3A_447 = arith.constant 0 : i32
        %parallel_loop3A_448 = arith.constant 0 : i32
        %parallel_loop3A_449 = arith.constant 0 : i32
        %parallel_loop3A_450 = tpu.memref_slice %arg6[%parallel_loop3A_396, %parallel_loop3A_447, %parallel_loop3A_448, %parallel_loop3A_449] : memref<2x2x56x192xf32, #tpu.memory_space<vmem>> -> memref<1x2x56x192xf32, #tpu.memory_space<vmem>>
        %parallel_loop3A_451 = tpu.memref_squeeze %parallel_loop3A_450 : memref<1x2x56x192xf32, #tpu.memory_space<vmem>> -> memref<2x56x192xf32, #tpu.memory_space<vmem>>
        %parallel_loop3A_452 = tpu.vector_load_idx %parallel_loop3A_451[%rem3A, %parallel_loop3A_422, %add3A_54] : memref<2x56x192xf32, #tpu.memory_space<vmem>>[vector<16xi32>, vector<16xi32>, vector<16xi32>], vector<16xf32>,
        %parallel_loop3A_453 = arith.constant 0 : i32
        %parallel_loop3A_454 = arith.constant 0 : i32
        %parallel_loop3A_455 = arith.constant 0 : i32
        %parallel_loop3A_456 = tpu.memref_slice %arg6[%parallel_loop3A_396, %parallel_loop3A_453, %parallel_loop3A_454, %parallel_loop3A_455] : memref<2x2x56x192xf32, #tpu.memory_space<vmem>> -> memref<1x2x56x192xf32, #tpu.memory_space<vmem>>
        %parallel_loop3A_457 = tpu.memref_squeeze %parallel_loop3A_456 : memref<1x2x56x192xf32, #tpu.memory_space<vmem>> -> memref<2x56x192xf32, #tpu.memory_space<vmem>>
        %parallel_loop3A_458 = tpu.vector_load_idx %parallel_loop3A_457[%rem3A, %parallel_loop3A_422, %add3A_57] : memref<2x56x192xf32, #tpu.memory_space<vmem>>[vector<16xi32>, vector<16xi32>, vector<16xi32>], vector<16xf32>,
        %parallel_loop3A_459 = arith.constant 0 : i32
        %parallel_loop3A_460 = arith.constant 0 : i32
        %parallel_loop3A_461 = arith.constant 0 : i32
        %parallel_loop3A_462 = tpu.memref_slice %arg6[%parallel_loop3A_396, %parallel_loop3A_459, %parallel_loop3A_460, %parallel_loop3A_461] : memref<2x2x56x192xf32, #tpu.memory_space<vmem>> -> memref<1x2x56x192xf32, #tpu.memory_space<vmem>>
        %parallel_loop3A_463 = tpu.memref_squeeze %parallel_loop3A_462 : memref<1x2x56x192xf32, #tpu.memory_space<vmem>> -> memref<2x56x192xf32, #tpu.memory_space<vmem>>
        %parallel_loop3A_464 = tpu.vector_load_idx %parallel_loop3A_463[%rem3A, %parallel_loop3A_422, %add3A_60] : memref<2x56x192xf32, #tpu.memory_space<vmem>>[vector<16xi32>, vector<16xi32>, vector<16xi32>], vector<16xf32>,
        %parallel_loop3A_465 = arith.constant 0 : i32
        %parallel_loop3A_466 = arith.constant 0 : i32
        %parallel_loop3A_467 = arith.constant 0 : i32
        %parallel_loop3A_468 = tpu.memref_slice %arg6[%parallel_loop3A_396, %parallel_loop3A_465, %parallel_loop3A_466, %parallel_loop3A_467] : memref<2x2x56x192xf32, #tpu.memory_space<vmem>> -> memref<1x2x56x192xf32, #tpu.memory_space<vmem>>
        %parallel_loop3A_469 = tpu.memref_squeeze %parallel_loop3A_468 : memref<1x2x56x192xf32, #tpu.memory_space<vmem>> -> memref<2x56x192xf32, #tpu.memory_space<vmem>>
        %parallel_loop3A_470 = tpu.vector_load_idx %parallel_loop3A_469[%rem3A, %parallel_loop3A_422, %add3A_63] : memref<2x56x192xf32, #tpu.memory_space<vmem>>[vector<16xi32>, vector<16xi32>, vector<16xi32>], vector<16xf32>,
        %parallel_loop3A_471 = arith.constant 0 : i32
        %parallel_loop3A_472 = arith.constant 0 : i32
        %parallel_loop3A_473 = arith.constant 0 : i32
        %parallel_loop3A_474 = tpu.memref_slice %arg6[%parallel_loop3A_396, %parallel_loop3A_471, %parallel_loop3A_472, %parallel_loop3A_473] : memref<2x2x56x192xf32, #tpu.memory_space<vmem>> -> memref<1x2x56x192xf32, #tpu.memory_space<vmem>>
        %parallel_loop3A_475 = tpu.memref_squeeze %parallel_loop3A_474 : memref<1x2x56x192xf32, #tpu.memory_space<vmem>> -> memref<2x56x192xf32, #tpu.memory_space<vmem>>
        %parallel_loop3A_476 = tpu.vector_load_idx %parallel_loop3A_475[%rem3A, %parallel_loop3A_422, %add3A_66] : memref<2x56x192xf32, #tpu.memory_space<vmem>>[vector<16xi32>, vector<16xi32>, vector<16xi32>], vector<16xf32>,
        %parallel_loop3A_477 = arith.constant 0 : i32
        %parallel_loop3A_478 = arith.constant 0 : i32
        %parallel_loop3A_479 = arith.constant 0 : i32
        %parallel_loop3A_480 = tpu.memref_slice %arg6[%parallel_loop3A_396, %parallel_loop3A_477, %parallel_loop3A_478, %parallel_loop3A_479] : memref<2x2x56x192xf32, #tpu.memory_space<vmem>> -> memref<1x2x56x192xf32, #tpu.memory_space<vmem>>
        %parallel_loop3A_481 = tpu.memref_squeeze %parallel_loop3A_480 : memref<1x2x56x192xf32, #tpu.memory_space<vmem>> -> memref<2x56x192xf32, #tpu.memory_space<vmem>>
        %parallel_loop3A_482 = tpu.vector_load_idx %parallel_loop3A_481[%rem3A, %parallel_loop3A_422, %add3A_69] : memref<2x56x192xf32, #tpu.memory_space<vmem>>[vector<16xi32>, vector<16xi32>, vector<16xi32>], vector<16xf32>,
        %parallel_loop3A_483 = arith.constant 0 : i32
        %parallel_loop3A_484 = arith.constant 0 : i32
        %parallel_loop3A_485 = arith.constant 0 : i32
        %parallel_loop3A_486 = tpu.memref_slice %arg6[%parallel_loop3A_396, %parallel_loop3A_483, %parallel_loop3A_484, %parallel_loop3A_485] : memref<2x2x56x192xf32, #tpu.memory_space<vmem>> -> memref<1x2x56x192xf32, #tpu.memory_space<vmem>>
        %parallel_loop3A_487 = tpu.memref_squeeze %parallel_loop3A_486 : memref<1x2x56x192xf32, #tpu.memory_space<vmem>> -> memref<2x56x192xf32, #tpu.memory_space<vmem>>
        %parallel_loop3A_488 = tpu.vector_load_idx %parallel_loop3A_487[%rem3A, %parallel_loop3A_422, %add3A_72] : memref<2x56x192xf32, #tpu.memory_space<vmem>>[vector<16xi32>, vector<16xi32>, vector<16xi32>], vector<16xf32>,
        %parallel_loop3A_489 = arith.constant 0 : i32
        %parallel_loop3A_490 = arith.constant 0 : i32
        %parallel_loop3A_491 = arith.constant 0 : i32
        %parallel_loop3A_492 = tpu.memref_slice %arg6[%parallel_loop3A_396, %parallel_loop3A_489, %parallel_loop3A_490, %parallel_loop3A_491] : memref<2x2x56x192xf32, #tpu.memory_space<vmem>> -> memref<1x2x56x192xf32, #tpu.memory_space<vmem>>
        %parallel_loop3A_493 = tpu.memref_squeeze %parallel_loop3A_492 : memref<1x2x56x192xf32, #tpu.memory_space<vmem>> -> memref<2x56x192xf32, #tpu.memory_space<vmem>>
        %parallel_loop3A_494 = tpu.vector_load_idx %parallel_loop3A_493[%rem3A, %parallel_loop3A_422, %add3A_75] : memref<2x56x192xf32, #tpu.memory_space<vmem>>[vector<16xi32>, vector<16xi32>, vector<16xi32>], vector<16xf32>,
        %parallel_loop3A_495 = arith.constant 1 : i32
        %parallel_loop3A_496 = arith.constant 1 : i32
        %parallel_loop3A_497 = arith.index_cast %parallel_loop3A_495 : i32 to index
        %parallel_loop3A_498 = arith.index_cast %parallel_loop3A_496 : i32 to index
        %parallel_loop3A_499 = arith.index_cast %parallel_loop3A_421 : i32 to index
        %parallel_loop3A_500 = arith.constant 0 : index
        %parallel_loop3A_501 = tpu.vector_load %arg7[%parallel_loop3A_497, %parallel_loop3A_498, %parallel_loop3A_499, %parallel_loop3A_500] {strides = array<i32>} : memref<2x2x56x192xf32, #tpu.memory_space<vmem>>, vector<16xf32>,
        tpu.vector_store %arg7[%parallel_loop3A_497, %parallel_loop3A_498, %parallel_loop3A_499, %parallel_loop3A_500], %parallel_loop3A_428 {strides = array<i32>} : memref<2x2x56x192xf32, #tpu.memory_space<vmem>>, vector<16xf32>,
        %parallel_loop3A_502 = arith.constant 1 : i32
        %parallel_loop3A_503 = arith.constant 1 : i32
        %parallel_loop3A_504 = arith.index_cast %parallel_loop3A_502 : i32 to index
        %parallel_loop3A_505 = arith.index_cast %parallel_loop3A_503 : i32 to index
        %parallel_loop3A_506 = arith.index_cast %parallel_loop3A_421 : i32 to index
        %parallel_loop3A_507 = arith.constant 16 : index
        %parallel_loop3A_508 = tpu.vector_load %arg7[%parallel_loop3A_504, %parallel_loop3A_505, %parallel_loop3A_506, %parallel_loop3A_507] {strides = array<i32>} : memref<2x2x56x192xf32, #tpu.memory_space<vmem>>, vector<16xf32>,
        tpu.vector_store %arg7[%parallel_loop3A_504, %parallel_loop3A_505, %parallel_loop3A_506, %parallel_loop3A_507], %parallel_loop3A_434 {strides = array<i32>} : memref<2x2x56x192xf32, #tpu.memory_space<vmem>>, vector<16xf32>,
        %parallel_loop3A_509 = arith.constant 1 : i32
        %parallel_loop3A_510 = arith.constant 1 : i32
        %parallel_loop3A_511 = arith.index_cast %parallel_loop3A_509 : i32 to index
        %parallel_loop3A_512 = arith.index_cast %parallel_loop3A_510 : i32 to index
        %parallel_loop3A_513 = arith.index_cast %parallel_loop3A_421 : i32 to index
        %parallel_loop3A_514 = arith.constant 32 : index
        %parallel_loop3A_515 = tpu.vector_load %arg7[%parallel_loop3A_511, %parallel_loop3A_512, %parallel_loop3A_513, %parallel_loop3A_514] {strides = array<i32>} : memref<2x2x56x192xf32, #tpu.memory_space<vmem>>, vector<16xf32>,
        tpu.vector_store %arg7[%parallel_loop3A_511, %parallel_loop3A_512, %parallel_loop3A_513, %parallel_loop3A_514], %parallel_loop3A_440 {strides = array<i32>} : memref<2x2x56x192xf32, #tpu.memory_space<vmem>>, vector<16xf32>,
        %parallel_loop3A_516 = arith.constant 1 : i32
        %parallel_loop3A_517 = arith.constant 1 : i32
        %parallel_loop3A_518 = arith.index_cast %parallel_loop3A_516 : i32 to index
        %parallel_loop3A_519 = arith.index_cast %parallel_loop3A_517 : i32 to index
        %parallel_loop3A_520 = arith.index_cast %parallel_loop3A_421 : i32 to index
        %parallel_loop3A_521 = arith.constant 48 : index
        %parallel_loop3A_522 = tpu.vector_load %arg7[%parallel_loop3A_518, %parallel_loop3A_519, %parallel_loop3A_520, %parallel_loop3A_521] {strides = array<i32>} : memref<2x2x56x192xf32, #tpu.memory_space<vmem>>, vector<16xf32>,
        tpu.vector_store %arg7[%parallel_loop3A_518, %parallel_loop3A_519, %parallel_loop3A_520, %parallel_loop3A_521], %parallel_loop3A_446 {strides = array<i32>} : memref<2x2x56x192xf32, #tpu.memory_space<vmem>>, vector<16xf32>,
        %parallel_loop3A_523 = arith.constant 1 : i32
        %parallel_loop3A_524 = arith.constant 1 : i32
        %parallel_loop3A_525 = arith.index_cast %parallel_loop3A_523 : i32 to index
        %parallel_loop3A_526 = arith.index_cast %parallel_loop3A_524 : i32 to index
        %parallel_loop3A_527 = arith.index_cast %parallel_loop3A_421 : i32 to index
        %parallel_loop3A_528 = arith.constant 64 : index
        %parallel_loop3A_529 = tpu.vector_load %arg7[%parallel_loop3A_525, %parallel_loop3A_526, %parallel_loop3A_527, %parallel_loop3A_528] {strides = array<i32>} : memref<2x2x56x192xf32, #tpu.memory_space<vmem>>, vector<16xf32>,
        tpu.vector_store %arg7[%parallel_loop3A_525, %parallel_loop3A_526, %parallel_loop3A_527, %parallel_loop3A_528], %parallel_loop3A_452 {strides = array<i32>} : memref<2x2x56x192xf32, #tpu.memory_space<vmem>>, vector<16xf32>,
        %parallel_loop3A_530 = arith.constant 1 : i32
        %parallel_loop3A_531 = arith.constant 1 : i32
        %parallel_loop3A_532 = arith.index_cast %parallel_loop3A_530 : i32 to index
        %parallel_loop3A_533 = arith.index_cast %parallel_loop3A_531 : i32 to index
        %parallel_loop3A_534 = arith.index_cast %parallel_loop3A_421 : i32 to index
        %parallel_loop3A_535 = arith.constant 80 : index
        %parallel_loop3A_536 = tpu.vector_load %arg7[%parallel_loop3A_532, %parallel_loop3A_533, %parallel_loop3A_534, %parallel_loop3A_535] {strides = array<i32>} : memref<2x2x56x192xf32, #tpu.memory_space<vmem>>, vector<16xf32>,
        tpu.vector_store %arg7[%parallel_loop3A_532, %parallel_loop3A_533, %parallel_loop3A_534, %parallel_loop3A_535], %parallel_loop3A_458 {strides = array<i32>} : memref<2x2x56x192xf32, #tpu.memory_space<vmem>>, vector<16xf32>,
        %parallel_loop3A_537 = arith.constant 1 : i32
        %parallel_loop3A_538 = arith.constant 1 : i32
        %parallel_loop3A_539 = arith.index_cast %parallel_loop3A_537 : i32 to index
        %parallel_loop3A_540 = arith.index_cast %parallel_loop3A_538 : i32 to index
        %parallel_loop3A_541 = arith.index_cast %parallel_loop3A_421 : i32 to index
        %parallel_loop3A_542 = arith.constant 96 : index
        %parallel_loop3A_543 = tpu.vector_load %arg7[%parallel_loop3A_539, %parallel_loop3A_540, %parallel_loop3A_541, %parallel_loop3A_542] {strides = array<i32>} : memref<2x2x56x192xf32, #tpu.memory_space<vmem>>, vector<16xf32>,
        tpu.vector_store %arg7[%parallel_loop3A_539, %parallel_loop3A_540, %parallel_loop3A_541, %parallel_loop3A_542], %parallel_loop3A_464 {strides = array<i32>} : memref<2x2x56x192xf32, #tpu.memory_space<vmem>>, vector<16xf32>,
        %parallel_loop3A_544 = arith.constant 1 : i32
        %parallel_loop3A_545 = arith.constant 1 : i32
        %parallel_loop3A_546 = arith.index_cast %parallel_loop3A_544 : i32 to index
        %parallel_loop3A_547 = arith.index_cast %parallel_loop3A_545 : i32 to index
        %parallel_loop3A_548 = arith.index_cast %parallel_loop3A_421 : i32 to index
        %parallel_loop3A_549 = arith.constant 112 : index
        %parallel_loop3A_550 = tpu.vector_load %arg7[%parallel_loop3A_546, %parallel_loop3A_547, %parallel_loop3A_548, %parallel_loop3A_549] {strides = array<i32>} : memref<2x2x56x192xf32, #tpu.memory_space<vmem>>, vector<16xf32>,
        tpu.vector_store %arg7[%parallel_loop3A_546, %parallel_loop3A_547, %parallel_loop3A_548, %parallel_loop3A_549], %parallel_loop3A_470 {strides = array<i32>} : memref<2x2x56x192xf32, #tpu.memory_space<vmem>>, vector<16xf32>,
        %parallel_loop3A_551 = arith.constant 1 : i32
        %parallel_loop3A_552 = arith.constant 1 : i32
        %parallel_loop3A_553 = arith.index_cast %parallel_loop3A_551 : i32 to index
        %parallel_loop3A_554 = arith.index_cast %parallel_loop3A_552 : i32 to index
        %parallel_loop3A_555 = arith.index_cast %parallel_loop3A_421 : i32 to index
        %parallel_loop3A_556 = arith.constant 128 : index
        %parallel_loop3A_557 = tpu.vector_load %arg7[%parallel_loop3A_553, %parallel_loop3A_554, %parallel_loop3A_555, %parallel_loop3A_556] {strides = array<i32>} : memref<2x2x56x192xf32, #tpu.memory_space<vmem>>, vector<16xf32>,
        tpu.vector_store %arg7[%parallel_loop3A_553, %parallel_loop3A_554, %parallel_loop3A_555, %parallel_loop3A_556], %parallel_loop3A_476 {strides = array<i32>} : memref<2x2x56x192xf32, #tpu.memory_space<vmem>>, vector<16xf32>,
        %parallel_loop3A_558 = arith.constant 1 : i32
        %parallel_loop3A_559 = arith.constant 1 : i32
        %parallel_loop3A_560 = arith.index_cast %parallel_loop3A_558 : i32 to index
        %parallel_loop3A_561 = arith.index_cast %parallel_loop3A_559 : i32 to index
        %parallel_loop3A_562 = arith.index_cast %parallel_loop3A_421 : i32 to index
        %parallel_loop3A_563 = arith.constant 144 : index
        %parallel_loop3A_564 = tpu.vector_load %arg7[%parallel_loop3A_560, %parallel_loop3A_561, %parallel_loop3A_562, %parallel_loop3A_563] {strides = array<i32>} : memref<2x2x56x192xf32, #tpu.memory_space<vmem>>, vector<16xf32>,
        tpu.vector_store %arg7[%parallel_loop3A_560, %parallel_loop3A_561, %parallel_loop3A_562, %parallel_loop3A_563], %parallel_loop3A_482 {strides = array<i32>} : memref<2x2x56x192xf32, #tpu.memory_space<vmem>>, vector<16xf32>,
        %parallel_loop3A_565 = arith.constant 1 : i32
        %parallel_loop3A_566 = arith.constant 1 : i32
        %parallel_loop3A_567 = arith.index_cast %parallel_loop3A_565 : i32 to index
        %parallel_loop3A_568 = arith.index_cast %parallel_loop3A_566 : i32 to index
        %parallel_loop3A_569 = arith.index_cast %parallel_loop3A_421 : i32 to index
        %parallel_loop3A_570 = arith.constant 160 : index
        %parallel_loop3A_571 = tpu.vector_load %arg7[%parallel_loop3A_567, %parallel_loop3A_568, %parallel_loop3A_569, %parallel_loop3A_570] {strides = array<i32>} : memref<2x2x56x192xf32, #tpu.memory_space<vmem>>, vector<16xf32>,
        tpu.vector_store %arg7[%parallel_loop3A_567, %parallel_loop3A_568, %parallel_loop3A_569, %parallel_loop3A_570], %parallel_loop3A_488 {strides = array<i32>} : memref<2x2x56x192xf32, #tpu.memory_space<vmem>>, vector<16xf32>,
        %parallel_loop3A_572 = arith.constant 1 : i32
        %parallel_loop3A_573 = arith.constant 1 : i32
        %parallel_loop3A_574 = arith.index_cast %parallel_loop3A_572 : i32 to index
        %parallel_loop3A_575 = arith.index_cast %parallel_loop3A_573 : i32 to index
        %parallel_loop3A_576 = arith.index_cast %parallel_loop3A_421 : i32 to index
        %parallel_loop3A_577 = arith.constant 176 : index
        %parallel_loop3A_578 = tpu.vector_load %arg7[%parallel_loop3A_574, %parallel_loop3A_575, %parallel_loop3A_576, %parallel_loop3A_577] {strides = array<i32>} : memref<2x2x56x192xf32, #tpu.memory_space<vmem>>, vector<16xf32>,
        tpu.vector_store %arg7[%parallel_loop3A_574, %parallel_loop3A_575, %parallel_loop3A_576, %parallel_loop3A_577], %parallel_loop3A_494 {strides = array<i32>} : memref<2x2x56x192xf32, #tpu.memory_space<vmem>>, vector<16xf32>,
      } {sc.loop_unroll_factor = 4 : i64, sc.parallel_access}
      %add3A_397 = arith.addi %mul3A_2, %add3A_327 : i32
      %dma_start3A_398 = arith.constant 1 : i32
      %dma_start3A_399 = arith.constant 1 : i32
      %dma_start3A_400 = arith.constant 0 : i32
      %dma_start3A_401 = arith.constant 0 : i32
      %dma_start3A_402 = tpu.memref_slice %arg7[%dma_start3A_398, %dma_start3A_399, %dma_start3A_400, %dma_start3A_401] : memref<2x2x56x192xf32, #tpu.memory_space<vmem>> -> memref<1x1x56x192xf32, #tpu.memory_space<vmem>>
      %dma_start3A_403 = tpu.memref_squeeze %dma_start3A_402 : memref<1x1x56x192xf32, #tpu.memory_space<vmem>> -> memref<56x192xf32, #tpu.memory_space<vmem>>
      %dma_start3A_404 = arith.constant 0 : i32
      %dma_start3A_405 = arith.constant 0 : i32
      %dma_start3A_406 = tpu.memref_slice %arg5[%add3A_397, %dma_start3A_404, %dma_start3A_405] : memref<1792x56x192xf32, #tpu.memory_space<hbm>> -> memref<1x56x192xf32, #tpu.memory_space<hbm>>
      %dma_start3A_407 = tpu.memref_squeeze %dma_start3A_406 : memref<1x56x192xf32, #tpu.memory_space<hbm>> -> memref<56x192xf32, #tpu.memory_space<hbm>>
      %dma_start3A_408 = arith.constant 0 : i32
      %dma_start3A_409 = arith.constant 0 : i32
      %dma_start3A_410 = tpu.memref_slice %arg5[%add3A_397, %dma_start3A_408, %dma_start3A_409] : memref<1792x56x192xf32, #tpu.memory_space<hbm>> -> memref<1x56x192xf32, #tpu.memory_space<hbm>>
      %dma_start3A_411 = tpu.memref_squeeze %dma_start3A_410 : memref<1x56x192xf32, #tpu.memory_space<hbm>> -> memref<56x192xf32, #tpu.memory_space<hbm>>
      %dma_start3A_412 = arith.constant 0 : i32
      %dma_start3A_413 = arith.constant 0 : i32
      %dma_start3A_414 = tpu.memref_slice %arg7[%dma_start3A_398, %dma_start3A_399, %dma_start3A_412, %dma_start3A_413] : memref<2x2x56x192xf32, #tpu.memory_space<vmem>> -> memref<1x1x56x192xf32, #tpu.memory_space<vmem>>
      %dma_start3A_415 = tpu.memref_squeeze %dma_start3A_414 : memref<1x1x56x192xf32, #tpu.memory_space<vmem>> -> memref<56x192xf32, #tpu.memory_space<vmem>>
      tpu.enqueue_dma source(%dma_start3A_415 : memref<56x192xf32, #tpu.memory_space<vmem>>) target(%dma_start3A_411 : memref<56x192xf32, #tpu.memory_space<hbm>>) target_semaphore(%arg11 : memref<!tpu.dma_semaphore, #tpu.memory_space<semaphore_mem>>)
      %lt3A_416 = arith.constant 27 : i32
      %lt3A_417 = arith.cmpi slt, %scan3A_231, %lt3A_416 : i32
      %convert_element_type3A_418 = arith.extui %lt3A_417 : i1 to i32
      %cond3A_419 = arith.constant 0 : i32
      %cond3A_420 = arith.cmpi ne, %convert_element_type3A_418, %cond3A_419 : i32
      scf.if %cond3A_420 {
        %add3A_421 = arith.constant 2 : i32
        %add3A_422 = arith.addi %add3A_327, %add3A_421 : i32
        %add3A_423 = arith.addi %mul3A_2, %add3A_422 : i32
        %dma_start3A_424 = arith.constant 1 : i32
        %dma_start3A_425 = arith.constant 0 : i32
        %dma_start3A_426 = arith.constant 0 : i32
        %dma_start3A_427 = arith.constant 0 : i32
        %dma_start3A_428 = tpu.memref_slice %arg6[%dma_start3A_424, %dma_start3A_425, %dma_start3A_426, %dma_start3A_427] : memref<2x2x56x192xf32, #tpu.memory_space<vmem>> -> memref<1x1x56x192xf32, #tpu.memory_space<vmem>>
        %dma_start3A_429 = tpu.memref_squeeze %dma_start3A_428 : memref<1x1x56x192xf32, #tpu.memory_space<vmem>> -> memref<56x192xf32, #tpu.memory_space<vmem>>
        %dma_start3A_430 = arith.constant 0 : i32
        %dma_start3A_431 = arith.constant 0 : i32
        %dma_start3A_432 = tpu.memref_slice %arg2[%add3A_423, %dma_start3A_430, %dma_start3A_431] : memref<1792x56x192xf32, #tpu.memory_space<hbm>> -> memref<1x56x192xf32, #tpu.memory_space<hbm>>
        %dma_start3A_433 = tpu.memref_squeeze %dma_start3A_432 : memref<1x56x192xf32, #tpu.memory_space<hbm>> -> memref<56x192xf32, #tpu.memory_space<hbm>>
        %dma_start3A_434 = arith.constant 0 : i32
        %dma_start3A_435 = arith.constant 0 : i32
        %dma_start3A_436 = tpu.memref_slice %arg6[%dma_start3A_424, %dma_start3A_425, %dma_start3A_434, %dma_start3A_435] : memref<2x2x56x192xf32, #tpu.memory_space<vmem>> -> memref<1x1x56x192xf32, #tpu.memory_space<vmem>>
        %dma_start3A_437 = tpu.memref_squeeze %dma_start3A_436 : memref<1x1x56x192xf32, #tpu.memory_space<vmem>> -> memref<56x192xf32, #tpu.memory_space<vmem>>
        %dma_start3A_438 = arith.constant 0 : i32
        %dma_start3A_439 = arith.constant 0 : i32
        %dma_start3A_440 = tpu.memref_slice %arg2[%add3A_423, %dma_start3A_438, %dma_start3A_439] : memref<1792x56x192xf32, #tpu.memory_space<hbm>> -> memref<1x56x192xf32, #tpu.memory_space<hbm>>
        %dma_start3A_441 = tpu.memref_squeeze %dma_start3A_440 : memref<1x56x192xf32, #tpu.memory_space<hbm>> -> memref<56x192xf32, #tpu.memory_space<hbm>>
        tpu.enqueue_dma source(%dma_start3A_441 : memref<56x192xf32, #tpu.memory_space<hbm>>) target(%dma_start3A_437 : memref<56x192xf32, #tpu.memory_space<vmem>>) target_semaphore(%arg9 : memref<!tpu.dma_semaphore, #tpu.memory_space<semaphore_mem>>)
        %dma_start3A_442 = arith.constant 1 : i32
        %dma_start3A_443 = arith.constant 1 : i32
        %dma_start3A_444 = arith.constant 0 : i32
        %dma_start3A_445 = arith.constant 0 : i32
        %dma_start3A_446 = tpu.memref_slice %arg6[%dma_start3A_442, %dma_start3A_443, %dma_start3A_444, %dma_start3A_445] : memref<2x2x56x192xf32, #tpu.memory_space<vmem>> -> memref<1x1x56x192xf32, #tpu.memory_space<vmem>>
        %dma_start3A_447 = tpu.memref_squeeze %dma_start3A_446 : memref<1x1x56x192xf32, #tpu.memory_space<vmem>> -> memref<56x192xf32, #tpu.memory_space<vmem>>
        %dma_start3A_448 = arith.constant 0 : i32
        %dma_start3A_449 = arith.constant 0 : i32
        %dma_start3A_450 = tpu.memref_slice %arg3[%add3A_423, %dma_start3A_448, %dma_start3A_449] : memref<1792x56x192xf32, #tpu.memory_space<hbm>> -> memref<1x56x192xf32, #tpu.memory_space<hbm>>
        %dma_start3A_451 = tpu.memref_squeeze %dma_start3A_450 : memref<1x56x192xf32, #tpu.memory_space<hbm>> -> memref<56x192xf32, #tpu.memory_space<hbm>>
        %dma_start3A_452 = arith.constant 0 : i32
        %dma_start3A_453 = arith.constant 0 : i32
        %dma_start3A_454 = tpu.memref_slice %arg6[%dma_start3A_442, %dma_start3A_443, %dma_start3A_452, %dma_start3A_453] : memref<2x2x56x192xf32, #tpu.memory_space<vmem>> -> memref<1x1x56x192xf32, #tpu.memory_space<vmem>>
        %dma_start3A_455 = tpu.memref_squeeze %dma_start3A_454 : memref<1x1x56x192xf32, #tpu.memory_space<vmem>> -> memref<56x192xf32, #tpu.memory_space<vmem>>
        %dma_start3A_456 = arith.constant 0 : i32
        %dma_start3A_457 = arith.constant 0 : i32
        %dma_start3A_458 = tpu.memref_slice %arg3[%add3A_423, %dma_start3A_456, %dma_start3A_457] : memref<1792x56x192xf32, #tpu.memory_space<hbm>> -> memref<1x56x192xf32, #tpu.memory_space<hbm>>
        %dma_start3A_459 = tpu.memref_squeeze %dma_start3A_458 : memref<1x56x192xf32, #tpu.memory_space<hbm>> -> memref<56x192xf32, #tpu.memory_space<hbm>>
        tpu.enqueue_dma source(%dma_start3A_459 : memref<56x192xf32, #tpu.memory_space<hbm>>) target(%dma_start3A_455 : memref<56x192xf32, #tpu.memory_space<vmem>>) target_semaphore(%arg9 : memref<!tpu.dma_semaphore, #tpu.memory_space<semaphore_mem>>)
      } else {
      }
    }
    %scan3A_155 = arith.constant 28 : i32
    %add3A_156 = arith.constant 54 : i32
    %add3A_157 = arith.addi %mul3A_2, %add3A_156 : i32
    %dma_wait3A = arith.constant 0 : i32
    %dma_wait3A_158 = arith.constant 0 : i32
    %dma_wait3A_159 = arith.constant 0 : i32
    %dma_wait3A_160 = arith.constant 0 : i32
    %dma_wait3A_161 = tpu.memref_slice %arg7[%dma_wait3A, %dma_wait3A_158, %dma_wait3A_159, %dma_wait3A_160] : memref<2x2x56x192xf32, #tpu.memory_space<vmem>> -> memref<1x1x56x192xf32, #tpu.memory_space<vmem>>
    %dma_wait3A_162 = tpu.memref_squeeze %dma_wait3A_161 : memref<1x1x56x192xf32, #tpu.memory_space<vmem>> -> memref<56x192xf32, #tpu.memory_space<vmem>>
    %dma_wait3A_163 = arith.constant 0 : i32
    %dma_wait3A_164 = arith.constant 0 : i32
    %dma_wait3A_165 = tpu.memref_slice %arg4[%add3A_157, %dma_wait3A_163, %dma_wait3A_164] : memref<1792x56x192xf32, #tpu.memory_space<hbm>> -> memref<1x56x192xf32, #tpu.memory_space<hbm>>
    %dma_wait3A_166 = tpu.memref_squeeze %dma_wait3A_165 : memref<1x56x192xf32, #tpu.memory_space<hbm>> -> memref<56x192xf32, #tpu.memory_space<hbm>>
    %dma_wait3A_167 = arith.constant 0 : i32
    %dma_wait3A_168 = arith.constant 0 : i32
    %dma_wait3A_169 = tpu.memref_slice %arg4[%add3A_157, %dma_wait3A_167, %dma_wait3A_168] : memref<1792x56x192xf32, #tpu.memory_space<hbm>> -> memref<1x56x192xf32, #tpu.memory_space<hbm>>
    %dma_wait3A_170 = tpu.memref_squeeze %dma_wait3A_169 : memref<1x56x192xf32, #tpu.memory_space<hbm>> -> memref<56x192xf32, #tpu.memory_space<hbm>>
    %dma_wait3A_171 = arith.constant 0 : i32
    %dma_wait3A_172 = arith.constant 0 : i32
    %dma_wait3A_173 = tpu.memref_slice %arg7[%dma_wait3A, %dma_wait3A_158, %dma_wait3A_171, %dma_wait3A_172] : memref<2x2x56x192xf32, #tpu.memory_space<vmem>> -> memref<1x1x56x192xf32, #tpu.memory_space<vmem>>
    %dma_wait3A_174 = tpu.memref_squeeze %dma_wait3A_173 : memref<1x1x56x192xf32, #tpu.memory_space<vmem>> -> memref<56x192xf32, #tpu.memory_space<vmem>>
    tpu.wait_dma2 semaphore(%arg10 : memref<!tpu.dma_semaphore, #tpu.memory_space<semaphore_mem>>) src(%dma_wait3A_174 : memref<56x192xf32, #tpu.memory_space<vmem>>) dst(%dma_wait3A_170 : memref<56x192xf32, #tpu.memory_space<hbm>>)
    %dma_wait3A_175 = arith.constant 0 : i32
    %dma_wait3A_176 = arith.constant 1 : i32
    %dma_wait3A_177 = arith.constant 0 : i32
    %dma_wait3A_178 = arith.constant 0 : i32
    %dma_wait3A_179 = tpu.memref_slice %arg7[%dma_wait3A_175, %dma_wait3A_176, %dma_wait3A_177, %dma_wait3A_178] : memref<2x2x56x192xf32, #tpu.memory_space<vmem>> -> memref<1x1x56x192xf32, #tpu.memory_space<vmem>>
    %dma_wait3A_180 = tpu.memref_squeeze %dma_wait3A_179 : memref<1x1x56x192xf32, #tpu.memory_space<vmem>> -> memref<56x192xf32, #tpu.memory_space<vmem>>
    %dma_wait3A_181 = arith.constant 0 : i32
    %dma_wait3A_182 = arith.constant 0 : i32
    %dma_wait3A_183 = tpu.memref_slice %arg5[%add3A_157, %dma_wait3A_181, %dma_wait3A_182] : memref<1792x56x192xf32, #tpu.memory_space<hbm>> -> memref<1x56x192xf32, #tpu.memory_space<hbm>>
    %dma_wait3A_184 = tpu.memref_squeeze %dma_wait3A_183 : memref<1x56x192xf32, #tpu.memory_space<hbm>> -> memref<56x192xf32, #tpu.memory_space<hbm>>
    %dma_wait3A_185 = arith.constant 0 : i32
    %dma_wait3A_186 = arith.constant 0 : i32
    %dma_wait3A_187 = tpu.memref_slice %arg5[%add3A_157, %dma_wait3A_185, %dma_wait3A_186] : memref<1792x56x192xf32, #tpu.memory_space<hbm>> -> memref<1x56x192xf32, #tpu.memory_space<hbm>>
    %dma_wait3A_188 = tpu.memref_squeeze %dma_wait3A_187 : memref<1x56x192xf32, #tpu.memory_space<hbm>> -> memref<56x192xf32, #tpu.memory_space<hbm>>
    %dma_wait3A_189 = arith.constant 0 : i32
    %dma_wait3A_190 = arith.constant 0 : i32
    %dma_wait3A_191 = tpu.memref_slice %arg7[%dma_wait3A_175, %dma_wait3A_176, %dma_wait3A_189, %dma_wait3A_190] : memref<2x2x56x192xf32, #tpu.memory_space<vmem>> -> memref<1x1x56x192xf32, #tpu.memory_space<vmem>>
    %dma_wait3A_192 = tpu.memref_squeeze %dma_wait3A_191 : memref<1x1x56x192xf32, #tpu.memory_space<vmem>> -> memref<56x192xf32, #tpu.memory_space<vmem>>
    tpu.wait_dma2 semaphore(%arg10 : memref<!tpu.dma_semaphore, #tpu.memory_space<semaphore_mem>>) src(%dma_wait3A_192 : memref<56x192xf32, #tpu.memory_space<vmem>>) dst(%dma_wait3A_188 : memref<56x192xf32, #tpu.memory_space<hbm>>)
    %add3A_193 = arith.constant 55 : i32
    %add3A_194 = arith.addi %mul3A_2, %add3A_193 : i32
    %dma_wait3A_195 = arith.constant 1 : i32
    %dma_wait3A_196 = arith.constant 0 : i32
    %dma_wait3A_197 = arith.constant 0 : i32
    %dma_wait3A_198 = arith.constant 0 : i32
    %dma_wait3A_199 = tpu.memref_slice %arg7[%dma_wait3A_195, %dma_wait3A_196, %dma_wait3A_197, %dma_wait3A_198] : memref<2x2x56x192xf32, #tpu.memory_space<vmem>> -> memref<1x1x56x192xf32, #tpu.memory_space<vmem>>
    %dma_wait3A_200 = tpu.memref_squeeze %dma_wait3A_199 : memref<1x1x56x192xf32, #tpu.memory_space<vmem>> -> memref<56x192xf32, #tpu.memory_space<vmem>>
    %dma_wait3A_201 = arith.constant 0 : i32
    %dma_wait3A_202 = arith.constant 0 : i32
    %dma_wait3A_203 = tpu.memref_slice %arg4[%add3A_194, %dma_wait3A_201, %dma_wait3A_202] : memref<1792x56x192xf32, #tpu.memory_space<hbm>> -> memref<1x56x192xf32, #tpu.memory_space<hbm>>
    %dma_wait3A_204 = tpu.memref_squeeze %dma_wait3A_203 : memref<1x56x192xf32, #tpu.memory_space<hbm>> -> memref<56x192xf32, #tpu.memory_space<hbm>>
    %dma_wait3A_205 = arith.constant 0 : i32
    %dma_wait3A_206 = arith.constant 0 : i32
    %dma_wait3A_207 = tpu.memref_slice %arg4[%add3A_194, %dma_wait3A_205, %dma_wait3A_206] : memref<1792x56x192xf32, #tpu.memory_space<hbm>> -> memref<1x56x192xf32, #tpu.memory_space<hbm>>
    %dma_wait3A_208 = tpu.memref_squeeze %dma_wait3A_207 : memref<1x56x192xf32, #tpu.memory_space<hbm>> -> memref<56x192xf32, #tpu.memory_space<hbm>>
    %dma_wait3A_209 = arith.constant 0 : i32
    %dma_wait3A_210 = arith.constant 0 : i32
    %dma_wait3A_211 = tpu.memref_slice %arg7[%dma_wait3A_195, %dma_wait3A_196, %dma_wait3A_209, %dma_wait3A_210] : memref<2x2x56x192xf32, #tpu.memory_space<vmem>> -> memref<1x1x56x192xf32, #tpu.memory_space<vmem>>
    %dma_wait3A_212 = tpu.memref_squeeze %dma_wait3A_211 : memref<1x1x56x192xf32, #tpu.memory_space<vmem>> -> memref<56x192xf32, #tpu.memory_space<vmem>>
    tpu.wait_dma2 semaphore(%arg11 : memref<!tpu.dma_semaphore, #tpu.memory_space<semaphore_mem>>) src(%dma_wait3A_212 : memref<56x192xf32, #tpu.memory_space<vmem>>) dst(%dma_wait3A_208 : memref<56x192xf32, #tpu.memory_space<hbm>>)
    %dma_wait3A_213 = arith.constant 1 : i32
    %dma_wait3A_214 = arith.constant 1 : i32
    %dma_wait3A_215 = arith.constant 0 : i32
    %dma_wait3A_216 = arith.constant 0 : i32
    %dma_wait3A_217 = tpu.memref_slice %arg7[%dma_wait3A_213, %dma_wait3A_214, %dma_wait3A_215, %dma_wait3A_216] : memref<2x2x56x192xf32, #tpu.memory_space<vmem>> -> memref<1x1x56x192xf32, #tpu.memory_space<vmem>>
    %dma_wait3A_218 = tpu.memref_squeeze %dma_wait3A_217 : memref<1x1x56x192xf32, #tpu.memory_space<vmem>> -> memref<56x192xf32, #tpu.memory_space<vmem>>
    %dma_wait3A_219 = arith.constant 0 : i32
    %dma_wait3A_220 = arith.constant 0 : i32
    %dma_wait3A_221 = tpu.memref_slice %arg5[%add3A_194, %dma_wait3A_219, %dma_wait3A_220] : memref<1792x56x192xf32, #tpu.memory_space<hbm>> -> memref<1x56x192xf32, #tpu.memory_space<hbm>>
    %dma_wait3A_222 = tpu.memref_squeeze %dma_wait3A_221 : memref<1x56x192xf32, #tpu.memory_space<hbm>> -> memref<56x192xf32, #tpu.memory_space<hbm>>
    %dma_wait3A_223 = arith.constant 0 : i32
    %dma_wait3A_224 = arith.constant 0 : i32
    %dma_wait3A_225 = tpu.memref_slice %arg5[%add3A_194, %dma_wait3A_223, %dma_wait3A_224] : memref<1792x56x192xf32, #tpu.memory_space<hbm>> -> memref<1x56x192xf32, #tpu.memory_space<hbm>>
    %dma_wait3A_226 = tpu.memref_squeeze %dma_wait3A_225 : memref<1x56x192xf32, #tpu.memory_space<hbm>> -> memref<56x192xf32, #tpu.memory_space<hbm>>
    %dma_wait3A_227 = arith.constant 0 : i32
    %dma_wait3A_228 = arith.constant 0 : i32
    %dma_wait3A_229 = tpu.memref_slice %arg7[%dma_wait3A_213, %dma_wait3A_214, %dma_wait3A_227, %dma_wait3A_228] : memref<2x2x56x192xf32, #tpu.memory_space<vmem>> -> memref<1x1x56x192xf32, #tpu.memory_space<vmem>>
    %dma_wait3A_230 = tpu.memref_squeeze %dma_wait3A_229 : memref<1x1x56x192xf32, #tpu.memory_space<vmem>> -> memref<56x192xf32, #tpu.memory_space<vmem>>
    tpu.wait_dma2 semaphore(%arg11 : memref<!tpu.dma_semaphore, #tpu.memory_space<semaphore_mem>>) src(%dma_wait3A_230 : memref<56x192xf32, #tpu.memory_space<vmem>>) dst(%dma_wait3A_226 : memref<56x192xf32, #tpu.memory_space<hbm>>)
    return
  }
}

</mosaic_0001>

<sc_bundles>
// kernel: kernel.3.cloned.1.call-start
scs
__scs_entry_jumppad:
0x0: {  	(pc) =	sbr.rel $0x88, $3  }
0x1: {  	(tag) =	ssettag $0x0;
	lr =	simm.s32 $0x1  }
0x2: {  	[smem:$0x3F9F] =	sst lr;
	_ =	strace $0xD0000000  }
0x3: {  	_ = 	snop  }
0x4: {  	_ = 	snop  }
0x5: {  	_ = 	snop  }
0x6: {  	_ = 	snop  }
0x7: {  	_ = 	snop  }
__scs_overlays_trampoline_lowered:
0x8: {  	[smem:$0x3FAE] =	sst s0  }
0x9: {  	[smem:$0x3FAF] =	sst s1  }
0xa: {  	[smem:$0x3FB0] =	sst s2  }
0xb: {  	[smem:$0x3FB1] =	sst s3  }
0xc: {  	[smem:$0x3FB2] =	sst s4  }
0xd: {  	[smem:$0x3FB3] =	sst s5  }
0xe: {  	[smem:$0x3FB4] =	sst s6  }
0xf: {  	[smem:$0x3FB5] =	sst s7  }
0x10: {  	[smem:$0x3FB6] =	sst s8  }
0x11: {  	[smem:$0x3FB7] =	sst s9;
	s0 =	simm.s32 @!p0 $0x0  }
0x12: {  	s1 =	sld [smem:$0x3F9D];
	s0 =	simm.s32 @p0 $0x1  }
0x13: {  	[smem:$0x3FB8] =	sst s0;
	s0 =	simm.s32 @!p1 $0x0  }
0x14: {  	s2 =	sld [smem:$0x3F9C];
	s0 =	simm.s32 @p1 $0x1  }
0x15: {  	[smem:$0x3FB9] =	sst s0;
	s0 =	simm.s32 @!p2 $0x0  }
0x16: {  	s3 =	sld [smem:$0x3FDB];
	s0 =	simm.s32 @p2 $0x1  }
0x17: {  	s4 =	simm.s32 $0x1BF5;
	[smem:$0x3FBB] =	sst s0  }
0x18: {  	s0 =	sld [smem:$0x3F9E];
	_ =	swait.ge [sflag:s4], $0x0  }
0x19: {  	s7 =	sld [smem:$0x3F9F]  }
0x1a: {  	s8 =	sadd.s32 $0xFFFFE003, lr  }
0x1b: {  	s9 =	sadd.s32 $0xFFFFFEF7, lr;
	s5 =	simm.s32 $0xFFFFFFFF;
	p2 =	slt.u32 s8, $0xFFFFF086  }
0x1c: {  	p1 =	slt.u32 s9, $0xF7A;
	s5 =	simm.s32 @!p2 $0x0  }
0x1d: {  	s5 =	simm.s32 @p1 $0x1;
	p0 =	seq.s32 s7, s2  }
0x1e: {  	s7 =	smul.u32 @!p0 $0xF7A, s2;
	p2 =	seq.s32 @!p0 s5, $0x0  }
0x1f: {  	s9 =	smul.u32 $0xF7A, s1;
	s8 =	simm.s32 @!p0 $0x1BF5;
	p2 =	por !p2, p0  }
0x20: {  	[sflag:s8] =	ssyncset.s32 @!p0 $0xFFFFF086;
	s6 =	sadd.s32 @!p0 s3, s7;
	s7 =	simm.s32 @!p0 $0x108  }
0x21: {  	s3 =	sadd.s32 s3, s9;
	s6 =	sadd.s32 @!p0 $0x88, s6;
	s7 =	simm.s32 @p2 $0x1082  }
0x22: {  	[simem:s7], [sflag:s8] =	dma.local @!p0 [hbm:s6], $0xF7A  }
0x23: {  	s9 =	sor.u32 $0xD0000000, s2;
	s6 =	simm.s32 $0x108;
	_ =	swait.ge @!p0 [sflag:s8], $0x0  }
0x24: {  	s3 =	sadd.s32 $0x88, s3;
	s6 =	simm.s32 @!p1 $0x1082;
	[sflag:s4] =	ssyncset.s32 $0xFFFFF086  }
0x25: {  	[simem:s6], [sflag:s4] =	dma.local [hbm:s3], $0xF7A  }
0x26: {  	[smem:$0x3F9F] =	sst s1;
	(tag) =	ssettag s2;
	_ =	strace s9  }
0x27: {  	s1 =	sld [smem:$0x3FAF]  }
0x28: {  	s2 =	sld [smem:$0x3FB0]  }
0x29: {  	s4 =	sld [smem:$0x3FB2]  }
0x2a: {  	p0 =	seq.s32 s5, $0x0;
	s5 =	sld [smem:$0x3FB3]  }
0x2b: {  	s6 =	sld [smem:$0x3FB4]  }
0x2c: {  	s7 =	sld [smem:$0x3FB5]  }
0x2d: {  	s3 =	simm.s32 $0x108;
	s8 =	sld [smem:$0x3FB6]  }
0x2e: {  	s3 =	simm.s32 @!p0 $0x1082;
	s9 =	sld [smem:$0x3FB7]  }
0x2f: {  	lr =	sadd.s32 s0, s3;
	s0 =	sld [smem:$0x3FAE]  }
0x30: {  	s3 =	sld [smem:$0x3FB1]  }
0x31: {  	[smem:$0x3FBA] =	sst s10  }
0x32: {  	s10 =	sld [smem:$0x3FB8];
	_ =	sdelay $0x3  }
0x33: {  	p0 =	seq.s32 s10, $0x1;
	s10 =	sld [smem:$0x3FBA];
	_ =	sdelay $0x3  }
0x34: {  	[smem:$0x3FBA] =	sst s10  }
0x35: {  	s10 =	sld [smem:$0x3FB9];
	_ =	sdelay $0x3  }
0x36: {  	p1 =	seq.s32 s10, $0x1;
	s10 =	sld [smem:$0x3FBA];
	_ =	sdelay $0x3  }
0x37: {  	[smem:$0x3FBA] =	sst s10  }
0x38: {  	s10 =	sld [smem:$0x3FBB]  }
0x39: {  	_ = 	snop;
	(pc) =	sbr.ind lr, $3  }
0x3a: {  	_ = 	snop  }
0x3b: {  	_ = 	snop  }
0x3c: {  	p2 =	seq.s32 s10, $0x1;
	s10 =	sld [smem:$0x3FBA]  }
0x3d: {  	_ =	shalt  }
0x3e: {  	_ =	shalt  }
0x3f: {  	_ =	shalt  }
0x40: {  	_ =	shalt  }
0x41: {  	_ =	shalt  }
0x42: {  	_ =	shalt  }
0x43: {  	_ =	shalt  }
0x44: {  	_ =	shalt  }
0x45: {  	_ =	shalt  }
0x46: {  	_ =	shalt  }
0x47: {  	_ =	shalt  }
0x48: {  	_ =	shalt  }
0x49: {  	_ =	shalt  }
0x4a: {  	_ =	shalt  }
0x4b: {  	_ =	shalt  }
0x4c: {  	_ =	shalt  }
0x4d: {  	_ =	shalt  }
0x4e: {  	_ =	shalt  }
0x4f: {  	_ =	shalt  }
0x50: {  	_ =	shalt  }
0x51: {  	_ =	shalt  }
0x52: {  	_ =	shalt  }
0x53: {  	_ =	shalt  }
0x54: {  	_ =	shalt  }
0x55: {  	_ =	shalt  }
0x56: {  	_ =	shalt  }
0x57: {  	_ =	shalt  }
0x58: {  	_ =	shalt  }
0x59: {  	_ =	shalt  }
0x5a: {  	_ =	shalt  }
0x5b: {  	_ =	shalt  }
0x5c: {  	_ =	shalt  }
0x5d: {  	_ =	shalt  }
0x5e: {  	_ =	shalt  }
0x5f: {  	_ =	shalt  }
0x60: {  	_ =	shalt  }
0x61: {  	_ =	shalt  }
0x62: {  	_ =	shalt  }
0x63: {  	_ =	shalt  }
0x64: {  	_ =	shalt  }
0x65: {  	_ =	shalt  }
0x66: {  	_ =	shalt  }
0x67: {  	_ =	shalt  }
0x68: {  	_ =	shalt  }
0x69: {  	_ =	shalt  }
0x6a: {  	_ =	shalt  }
0x6b: {  	_ =	shalt  }
0x6c: {  	_ =	shalt  }
0x6d: {  	_ =	shalt  }
0x6e: {  	_ =	shalt  }
0x6f: {  	_ =	shalt  }
0x70: {  	_ =	shalt  }
0x71: {  	_ =	shalt  }
0x72: {  	_ =	shalt  }
0x73: {  	_ =	shalt  }
0x74: {  	_ =	shalt  }
0x75: {  	_ =	shalt  }
0x76: {  	_ =	shalt  }
0x77: {  	_ =	shalt  }
0x78: {  	_ =	shalt  }
0x79: {  	_ =	shalt  }
0x7a: {  	_ =	shalt  }
0x7b: {  	_ =	shalt  }
0x7c: {  	_ =	shalt  }
0x7d: {  	_ =	shalt  }
0x7e: {  	_ =	shalt  }
0x7f: {  	_ =	shalt  }
0x80: {  	_ =	shalt  }
0x81: {  	_ =	shalt  }
0x82: {  	_ =	shalt  }
0x83: {  	_ =	shalt  }
0x84: {  	_ =	shalt  }
0x85: {  	_ =	shalt  }
0x86: {  	_ =	shalt  }
0x87: {  	_ =	shalt  }
.Lfunc_end0:
.L_simem_size_0:
called_computation_lowered:
.L_overlay_start_0:
0x88: {  	s2 =	sld [smem:$0x3FD9]  }
0x89: {  	s3 =	sld [smem:$0x3FFE];
	_ =	sdelay $0x1  }
0x8a: {  	s1 =	srdreg.scid  }
0x8b: {  	s0 =	sand.u32 $0x1, s1  }
0x8c: {  	s15 =	sshll.u32 s0, $0xA;
	s2 =	sadd.s32 s3, s2  }
0x8d: {  	s2 =	sadd.s32 s2, s15  }
0x8e: {  	[smem:$0x3FC6] =	sst s2  }
0x8f: {  	_ = 	snop  }
0x90: {  	s2 =	sld [smem:$0x3FD0];
	_ =	sdelay $0x1  }
0x91: {  	s16 =	sld [smem:$0x3FC9]  }
0x92: {  	s5 =	simm.s32 $0xA;
	s6 =	simm.s32 $0x10;
	s4 =	sld [smem:$0x3FC8]  }
0x93: {  	[smem:s6], [sflag:s5] =	dma.local [hbm:s2], $0x1  }
0x94: {  	_ =	swait.eq [sflag:s5], $0x1  }
0x95: {  	[sflag:s5] =	ssyncset.done $0x0  }
0x96: {  	s17 =	sld [smem:$0x10];
	[sflag:s5] =	ssyncadd.s32 $0xFFFFFFFF  }
0x97: {  	s18 =	sld [smem:$0x11];
	(tm) =	ssettm $0x1  }
0x98: {  	s19 =	sld [smem:$0x3FFB];
	_ =	sdelay $0x3  }
0x99: {  	_ =	strace s19  }
0x9a: {  	s6 =	sld [smem:$0x3FFC];
	_ =	sdelay $0x3  }
0x9b: {  	_ =	strace s6  }
0x9c: {  	s6 =	sld [smem:$0x3FFD];
	_ =	sdelay $0x3  }
0x9d: {  	_ =	strace s6  }
0x9e: {  	_ =	strace $0x8FFFFFFF  }
0x9f: {  	s20 =	sld [smem:$0x3FDB];
	_ =	sdelay $0x1  }
0xa0: {  	s7 =	simm.s32 $_scs_section_size  }
0xa1: {  	s8 =	simm.s32 $_size__tile_overlayer_lowered;
	s9 =	simm.s32 $_tile_overlayer_lowered  }
0xa2: {  	s23 =	simm.s32 $0x1BFF;
	s22 =	sshll.u32 s9, $0x1;
	s6 =	sadd.s32 s7, s20  }
0xa3: {  	s10 =	simm.s32 $0x0;
	s21 =	sshll.u32 s8, $0x1;
	s8 =	sadd.s32 s22, s6  }
0xa4: {  	[timem:s10], [sflag:s23] =	dma.local [hbm:s8], s21  }
0xa5: {  	_ =	swait.ge [sflag:s23], s21  }
0xa6: {  	s7 =	ssub.s32 $0x0, s21;
	[sflag:s23] =	ssyncset.done $0x0  }
0xa7: {  	[sflag:s23] =	ssyncadd.s32 s7;
	_ =	sdelay $0x1  }
0xa8: {  	s24 =	simm.s32 $0x1B8B  }
0xa9: {  	_ =	swait.ge [sflag:s24], $0x1  }
0xaa: {  	[sflag:s24] =	ssyncset.done $0x0  }
0xab: {  	s25 =	simm.s32 $0x1B8E;
	[sflag:s24] =	ssyncadd.s32 $0xFFFFFFFF  }
0xac: {  	s26 =	simm.s32 $execute0_lowered;
	[smem:$0x3FD2] =	sst s25  }
0xad: {  	s7 =	sshll.u32 s26, $0x1;
	_ =	strace $0x80000046;
	[dreg:$0x1] =	wrdreg $0xFFFFFFFF  }
0xae: {  	s28 =	simm.s32 $_size_execute0_lowered;
	s6 =	sadd.s32 s6, s7;
	[dreg:$0x0] =	wrdreg $0x0  }
0xaf: {  	s7 =	sshll.u32 s28, $0x1;
	[dreg:$0x2] =	wrdreg s6  }
0xb0: {  	[dreg:$0x3] =	wrdreg s7  }
0xb1: {  	[dreg:$0x4] =	wrdreg $0xC0  }
0xb2: {  	_ =	task [dreg:s10], $0x5FFFF  }
0xb3: {  	[dreg:$0x1] =	wrdreg $0xFFFFFFFF  }
0xb4: {  	[dreg:$0x0] =	wrdreg $0x60  }
0xb5: {  	[dreg:$0x2] =	wrdreg s16  }
0xb6: {  	[dreg:$0x3] =	wrdreg s4  }
0xb7: {  	[dreg:$0x4] =	wrdreg s17  }
0xb8: {  	[dreg:$0x5] =	wrdreg s18  }
0xb9: {  	[dreg:$0x6] =	wrdreg $0x9  }
0xba: {  	_ =	task.clear_ibuf [dreg:s10], $0x7FFFF;
	_ =	strace $0x90000046  }
0xbb: {  	s29 =	simm.s32 $0x9;
	_ =	strace $0x80000048  }
0xbc: {  	_ =	swait.ge [sflag:s29], $0x1  }
0xbd: {  	[sflag:s29] =	ssyncadd.s32 $0xFFFFFFFF  }
0xbe: {  	_ =	strace $0x90000048  }
0xbf: {  	_ =	sfence  }
0xc0: {  	s30 =	sld [smem:$0x0];
	_ =	sdelay $0x2  }
0xc1: {  	s31 =	sshll.u32 s1, $0xD;
	s1 =	sshrl.u32 s1, $0x2  }
0xc2: {  	s3 =	sand.u32 $0x4000, s31;
	s1 =	sadd.s32 s1, s30  }
0xc3: {  	s0 =	sor.u32 s3, s0;
	s1 =	sshll.u32 s1, $0x11  }
0xc4: {  	s0 =	sor.u32 s1, s0  }
0xc5: {  	s0 =	sadd.s32 $0x8F2B, s0  }
0xc6: {  	[sflag:s0] =	ssyncadd.remote.s32 $0x1  }
0xc7: {  	_ =	sfence.sel $0xFFFF  }
0xc8: {  	[dreg:$0x0] =	wrdreg $0xFFFFFFFF;
	(pc) =	sbr.abs _section_cstart, $3  }
0xc9: {  	[dreg:$0x1] =	wrdreg $0xFFFFFFFF  }
0xca: {  	_ =	task.clear_ibuf [dreg:s10], $0x2FFFF;
	_ =	strace $0x9FFFFFFF  }
0xcb: {  	(tm) =	ssettm $0x7FFFFFFF  }
tec
execute0_lowered:
.L_overlay_start_1:
0x0: {  	(tag) =	ssettag $0x1  }
0x1: {  	v0 =	vlaneseq.u32;
	vm0 =	vcmask $0x3B38  }
0x2: {  	vm1 =	vcmask $0x3734;
	vm2 =	vcmask $0x3330;
	vm3 =	vcmask $0x2F2C  }
0x3: {  	vm4 =	vcmask $0x2B28;
	vm5 =	vcmask $0x2724;
	vm6 =	vcmask $0x2320  }
0x4: {  	vm7 =	vcmask $0x1F1C;
	vm8 =	vcmask $0x1B18;
	vm9 =	vcmask $0x1714  }
0x5: {  	vm10 =	vcmask $0x1310;
	vm11 =	vcmask $0xF0C;
	vm12 =	vcmask $0xB08  }
0x6: {  	vm13 =	vcmask $0x704;
	vm14 =	vcmask $0x300;
	v13 =	vimm.s32 $0x3807  }
0x7: {  	v14 =	vimm.s32 $0x380F;
	v15 =	vimm.s32 $0x3817;
	v16 =	vimm.s32 $0x381F  }
0x8: {  	v17 =	vimm.s32 $0x3827;
	v18 =	vimm.s32 $0x382F;
	v19 =	vimm.s32 $0x3837  }
0x9: {  	v20 =	vimm.s32 $0x383F;
	v21 =	vimm.s32 $0x3847;
	v22 =	vimm.s32 $0x384F  }
0xa: {  	v23 =	vimm.s32 $0x3857;
	v24 =	vimm.s32 $0x385F;
	v30 =	vimm.s32 $0x3867  }
0xb: {  	v31 =	vimm.s32 $0x386F;
	v32 =	vimm.s32 $0x3877;
	v33 =	vimm.s32 $0x387F  }
0xc: {  	v34 =	vimm.s32 $0x3C07;
	v35 =	vimm.s32 $0x3C0F;
	v36 =	vimm.s32 $0x3C17  }
0xd: {  	v37 =	vimm.s32 $0x3C1F;
	v38 =	vimm.s32 $0x3C27;
	v39 =	vimm.s32 $0x3C2F  }
0xe: {  	v40 =	vimm.s32 $0x3C37;
	v41 =	vimm.s32 $0x3C3F;
	v1 =	vand.u32 $0x1, v0  }
0xf: {  	v9 =	vshrl.u32 v0, $0x1;
	v13 =	vsel vm14, $0x0, v13;
	v14 =	vsel vm14, $0x8, v14  }
0x10: {  	v15 =	vsel vm14, $0x10, v15;
	v16 =	vsel vm14, $0x18, v16;
	v17 =	vsel vm14, $0x20, v17  }
0x11: {  	v18 =	vsel vm14, $0x28, v18;
	v19 =	vsel vm14, $0x30, v19;
	v20 =	vsel vm14, $0x38, v20  }
0x12: {  	v21 =	vsel vm14, $0x40, v21;
	v22 =	vsel vm14, $0x48, v22;
	v23 =	vsel vm14, $0x50, v23  }
0x13: {  	v24 =	vsel vm14, $0x58, v24;
	v30 =	vsel vm14, $0x60, v30;
	v31 =	vsel vm14, $0x68, v31  }
0x14: {  	v32 =	vsel vm14, $0x70, v32;
	v33 =	vsel vm14, $0x78, v33;
	v34 =	vsel vm14, $0x400, v34  }
0x15: {  	v35 =	vsel vm14, $0x408, v35;
	v36 =	vsel vm14, $0x410, v36;
	v37 =	vsel vm14, $0x418, v37  }
0x16: {  	v38 =	vsel vm14, $0x420, v38;
	v39 =	vsel vm14, $0x428, v39;
	v40 =	vsel vm14, $0x430, v40  }
0x17: {  	v41 =	vsel vm14, $0x438, v41;
	v1 =	vmul.u32 $0x3800, v1;
	v2 =	vor.u32 $0x8, v9  }
0x18: {  	v3 =	vor.u32 $0x10, v9;
	v4 =	vor.u32 $0x18, v9;
	v5 =	vor.u32 $0x20, v9  }
0x19: {  	v6 =	vor.u32 $0x28, v9;
	v7 =	vor.u32 $0x30, v9;
	v8 =	vor.u32 $0x38, v9  }
0x1a: {  	v26 =	vor.u32 $0x40, v9;
	v10 =	vor.u32 $0x48, v9;
	v27 =	vor.u32 $0x50, v9  }
0x1b: {  	v11 =	vor.u32 $0x58, v9;
	v13 =	vsel vm13, $0x3800, v13;
	v14 =	vsel vm13, $0x3808, v14  }
0x1c: {  	v15 =	vsel vm13, $0x3810, v15;
	v16 =	vsel vm13, $0x3818, v16;
	v17 =	vsel vm13, $0x3820, v17  }
0x1d: {  	v18 =	vsel vm13, $0x3828, v18;
	v19 =	vsel vm13, $0x3830, v19;
	v20 =	vsel vm13, $0x3838, v20  }
0x1e: {  	v21 =	vsel vm13, $0x3840, v21;
	v22 =	vsel vm13, $0x3848, v22;
	v23 =	vsel vm13, $0x3850, v23  }
0x1f: {  	v24 =	vsel vm13, $0x3858, v24;
	v0 =	vor.u32 $0x60, v9;
	v28 =	vor.u32 $0x68, v9  }
0x20: {  	v30 =	vsel vm13, $0x3860, v30;
	v31 =	vsel vm13, $0x3868, v31;
	v32 =	vsel vm13, $0x3870, v32  }
0x21: {  	v33 =	vsel vm13, $0x3878, v33;
	v34 =	vsel vm13, $0x3C00, v34;
	v35 =	vsel vm13, $0x3C08, v35  }
0x22: {  	v36 =	vsel vm13, $0x3C10, v36;
	v37 =	vsel vm13, $0x3C18, v37;
	v38 =	vsel vm13, $0x3C20, v38  }
0x23: {  	v39 =	vsel vm13, $0x3C28, v39;
	v40 =	vsel vm13, $0x3C30, v40;
	v41 =	vsel vm13, $0x3C38, v41  }
0x24: {  	v13 =	vsel vm12, $0x1, v13;
	v14 =	vsel vm12, $0x9, v14;
	v15 =	vsel vm12, $0x11, v15  }
0x25: {  	v16 =	vsel vm12, $0x19, v16;
	v17 =	vsel vm12, $0x21, v17;
	v18 =	vsel vm12, $0x29, v18  }
0x26: {  	v19 =	vsel vm12, $0x31, v19;
	v20 =	vsel vm12, $0x39, v20;
	v21 =	vsel vm12, $0x41, v21  }
0x27: {  	v22 =	vsel vm12, $0x49, v22;
	v23 =	vsel vm12, $0x51, v23;
	v24 =	vsel vm12, $0x59, v24  }
0x28: {  	v30 =	vsel vm12, $0x61, v30;
	v31 =	vsel vm12, $0x69, v31;
	v32 =	vsel vm12, $0x71, v32  }
0x29: {  	v33 =	vsel vm12, $0x79, v33;
	v34 =	vsel vm12, $0x401, v34;
	v35 =	vsel vm12, $0x409, v35  }
0x2a: {  	v36 =	vsel vm12, $0x411, v36;
	v37 =	vsel vm12, $0x419, v37;
	v38 =	vsel vm12, $0x421, v38  }
0x2b: {  	v39 =	vsel vm12, $0x429, v39;
	v40 =	vsel vm12, $0x431, v40;
	v41 =	vsel vm12, $0x439, v41  }
0x2c: {  	v13 =	vsel vm11, $0x3801, v13;
	v14 =	vsel vm11, $0x3809, v14;
	v15 =	vsel vm11, $0x3811, v15  }
0x2d: {  	v16 =	vsel vm11, $0x3819, v16;
	v17 =	vsel vm11, $0x3821, v17;
	v18 =	vsel vm11, $0x3829, v18  }
0x2e: {  	v19 =	vsel vm11, $0x3831, v19;
	v20 =	vsel vm11, $0x3839, v20;
	v21 =	vsel vm11, $0x3841, v21  }
0x2f: {  	v22 =	vsel vm11, $0x3849, v22;
	v23 =	vsel vm11, $0x3851, v23;
	v24 =	vsel vm11, $0x3859, v24  }
0x30: {  	v25 =	vor.u32 $0x400, v1;
	v30 =	vsel vm11, $0x3861, v30;
	v31 =	vsel vm11, $0x3869, v31  }
0x31: {  	v32 =	vsel vm11, $0x3871, v32;
	v33 =	vsel vm11, $0x3879, v33;
	v34 =	vsel vm11, $0x3C01, v34  }
0x32: {  	v35 =	vsel vm11, $0x3C09, v35;
	v36 =	vsel vm11, $0x3C11, v36;
	v37 =	vsel vm11, $0x3C19, v37  }
0x33: {  	v38 =	vsel vm11, $0x3C21, v38;
	v39 =	vsel vm11, $0x3C29, v39;
	v40 =	vsel vm11, $0x3C31, v40  }
0x34: {  	v41 =	vsel vm11, $0x3C39, v41;
	v13 =	vsel vm10, $0x2, v13;
	v14 =	vsel vm10, $0xA, v14  }
0x35: {  	v15 =	vsel vm10, $0x12, v15;
	v16 =	vsel vm10, $0x1A, v16;
	v17 =	vsel vm10, $0x22, v17  }
0x36: {  	v18 =	vsel vm10, $0x2A, v18;
	v19 =	vsel vm10, $0x32, v19;
	v20 =	vsel vm10, $0x3A, v20  }
0x37: {  	v21 =	vsel vm10, $0x42, v21;
	v22 =	vsel vm10, $0x4A, v22;
	v23 =	vsel vm10, $0x52, v23  }
0x38: {  	[tilespmem:$0x1FF40] =	vst v0;
	v24 =	vsel vm10, $0x5A, v24;
	v0 =	vmovc v9;
	v9 =	vor.u32 $0x70, v9;
	v30 =	vsel vm10, $0x62, v30  }
0x39: {  	v31 =	vsel vm10, $0x6A, v31;
	v32 =	vsel vm10, $0x72, v32;
	v33 =	vsel vm10, $0x7A, v33  }
0x3a: {  	v34 =	vsel vm10, $0x402, v34;
	v35 =	vsel vm10, $0x40A, v35;
	v36 =	vsel vm10, $0x412, v36  }
0x3b: {  	v37 =	vsel vm10, $0x41A, v37;
	v38 =	vsel vm10, $0x422, v38;
	v39 =	vsel vm10, $0x42A, v39  }
0x3c: {  	v40 =	vsel vm10, $0x432, v40;
	v41 =	vsel vm10, $0x43A, v41;
	v13 =	vsel vm9, $0x3802, v13  }
0x3d: {  	v14 =	vsel vm9, $0x380A, v14;
	v15 =	vsel vm9, $0x3812, v15;
	v16 =	vsel vm9, $0x381A, v16  }
0x3e: {  	v17 =	vsel vm9, $0x3822, v17;
	v18 =	vsel vm9, $0x382A, v18;
	v19 =	vsel vm9, $0x3832, v19  }
0x3f: {  	v20 =	vsel vm9, $0x383A, v20;
	v21 =	vsel vm9, $0x3842, v21;
	v22 =	vsel vm9, $0x384A, v22  }
0x40: {  	v23 =	vsel vm9, $0x3852, v23;
	v24 =	vsel vm9, $0x385A, v24;
	v12 =	vor.u32 $0x78, v0  }
0x41: {  	v30 =	vsel vm9, $0x3862, v30;
	v31 =	vsel vm9, $0x386A, v31;
	v32 =	vsel vm9, $0x3872, v32  }
0x42: {  	v33 =	vsel vm9, $0x387A, v33;
	v34 =	vsel vm9, $0x3C02, v34;
	v35 =	vsel vm9, $0x3C0A, v35  }
0x43: {  	v36 =	vsel vm9, $0x3C12, v36;
	v37 =	vsel vm9, $0x3C1A, v37;
	v38 =	vsel vm9, $0x3C22, v38  }
0x44: {  	v39 =	vsel vm9, $0x3C2A, v39;
	v40 =	vsel vm9, $0x3C32, v40;
	v41 =	vsel vm9, $0x3C3A, v41  }
0x45: {  	v13 =	vsel vm8, $0x3, v13;
	v14 =	vsel vm8, $0xB, v14;
	v15 =	vsel vm8, $0x13, v15  }
0x46: {  	v16 =	vsel vm8, $0x1B, v16;
	v17 =	vsel vm8, $0x23, v17;
	v18 =	vsel vm8, $0x2B, v18  }
0x47: {  	v19 =	vsel vm8, $0x33, v19;
	v20 =	vsel vm8, $0x3B, v20;
	v21 =	vsel vm8, $0x43, v21  }
0x48: {  	v22 =	vsel vm8, $0x4B, v22;
	v23 =	vsel vm8, $0x53, v23;
	v24 =	vsel vm8, $0x5B, v24  }
0x49: {  	v30 =	vsel vm8, $0x63, v30;
	v31 =	vsel vm8, $0x6B, v31;
	v32 =	vsel vm8, $0x73, v32  }
0x4a: {  	v33 =	vsel vm8, $0x7B, v33;
	v34 =	vsel vm8, $0x403, v34;
	v35 =	vsel vm8, $0x40B, v35  }
0x4b: {  	v36 =	vsel vm8, $0x413, v36;
	v37 =	vsel vm8, $0x41B, v37;
	v38 =	vsel vm8, $0x423, v38  }
0x4c: {  	v39 =	vsel vm8, $0x42B, v39;
	v40 =	vsel vm8, $0x433, v40;
	v41 =	vsel vm8, $0x43B, v41  }
0x4d: {  	v13 =	vsel vm7, $0x3803, v13;
	v14 =	vsel vm7, $0x380B, v14;
	v15 =	vsel vm7, $0x3813, v15  }
0x4e: {  	v16 =	vsel vm7, $0x381B, v16;
	v17 =	vsel vm7, $0x3823, v17;
	v18 =	vsel vm7, $0x382B, v18  }
0x4f: {  	v19 =	vsel vm7, $0x3833, v19;
	v20 =	vsel vm7, $0x383B, v20;
	v21 =	vsel vm7, $0x3843, v21  }
0x50: {  	v22 =	vsel vm7, $0x384B, v22;
	v23 =	vsel vm7, $0x3853, v23;
	v24 =	vsel vm7, $0x385B, v24  }
0x51: {  	v30 =	vsel vm7, $0x3863, v30;
	v31 =	vsel vm7, $0x386B, v31;
	v32 =	vsel vm7, $0x3873, v32  }
0x52: {  	v33 =	vsel vm7, $0x387B, v33;
	v34 =	vsel vm7, $0x3C03, v34;
	v35 =	vsel vm7, $0x3C0B, v35  }
0x53: {  	v36 =	vsel vm7, $0x3C13, v36;
	v37 =	vsel vm7, $0x3C1B, v37;
	v38 =	vsel vm7, $0x3C23, v38  }
0x54: {  	v39 =	vsel vm7, $0x3C2B, v39;
	v40 =	vsel vm7, $0x3C33, v40;
	v41 =	vsel vm7, $0x3C3B, v41  }
0x55: {  	v13 =	vsel vm6, $0x4, v13;
	v14 =	vsel vm6, $0xC, v14;
	v15 =	vsel vm6, $0x14, v15  }
0x56: {  	v16 =	vsel vm6, $0x1C, v16;
	v17 =	vsel vm6, $0x24, v17;
	v18 =	vsel vm6, $0x2C, v18  }
0x57: {  	v19 =	vsel vm6, $0x34, v19;
	v20 =	vsel vm6, $0x3C, v20;
	v21 =	vsel vm6, $0x44, v21  }
0x58: {  	v22 =	vsel vm6, $0x4C, v22;
	v23 =	vsel vm6, $0x54, v23;
	v24 =	vsel vm6, $0x5C, v24  }
0x59: {  	v30 =	vsel vm6, $0x64, v30;
	v31 =	vsel vm6, $0x6C, v31;
	v32 =	vsel vm6, $0x74, v32  }
0x5a: {  	v33 =	vsel vm6, $0x7C, v33;
	v34 =	vsel vm6, $0x404, v34;
	v35 =	vsel vm6, $0x40C, v35  }
0x5b: {  	v36 =	vsel vm6, $0x414, v36;
	v37 =	vsel vm6, $0x41C, v37;
	v38 =	vsel vm6, $0x424, v38  }
0x5c: {  	v39 =	vsel vm6, $0x42C, v39;
	v40 =	vsel vm6, $0x434, v40;
	v41 =	vsel vm6, $0x43C, v41  }
0x5d: {  	v13 =	vsel vm5, $0x3804, v13;
	v14 =	vsel vm5, $0x380C, v14;
	v15 =	vsel vm5, $0x3814, v15  }
0x5e: {  	v16 =	vsel vm5, $0x381C, v16;
	v17 =	vsel vm5, $0x3824, v17;
	v18 =	vsel vm5, $0x382C, v18  }
0x5f: {  	v19 =	vsel vm5, $0x3834, v19;
	v20 =	vsel vm5, $0x383C, v20;
	v21 =	vsel vm5, $0x3844, v21  }
0x60: {  	v22 =	vsel vm5, $0x384C, v22;
	v23 =	vsel vm5, $0x3854, v23;
	v24 =	vsel vm5, $0x385C, v24  }
0x61: {  	v30 =	vsel vm5, $0x3864, v30;
	v31 =	vsel vm5, $0x386C, v31;
	v32 =	vsel vm5, $0x3874, v32  }
0x62: {  	v33 =	vsel vm5, $0x387C, v33;
	v34 =	vsel vm5, $0x3C04, v34;
	v35 =	vsel vm5, $0x3C0C, v35  }
0x63: {  	v36 =	vsel vm5, $0x3C14, v36;
	v37 =	vsel vm5, $0x3C1C, v37;
	v38 =	vsel vm5, $0x3C24, v38  }
0x64: {  	v39 =	vsel vm5, $0x3C2C, v39;
	v40 =	vsel vm5, $0x3C34, v40;
	v41 =	vsel vm5, $0x3C3C, v41  }
0x65: {  	v13 =	vsel vm4, $0x5, v13;
	v14 =	vsel vm4, $0xD, v14;
	v15 =	vsel vm4, $0x15, v15  }
0x66: {  	v16 =	vsel vm4, $0x1D, v16;
	v17 =	vsel vm4, $0x25, v17;
	v18 =	vsel vm4, $0x2D, v18  }
0x67: {  	v19 =	vsel vm4, $0x35, v19;
	v20 =	vsel vm4, $0x3D, v20;
	v21 =	vsel vm4, $0x45, v21  }
0x68: {  	v22 =	vsel vm4, $0x4D, v22;
	v23 =	vsel vm4, $0x55, v23;
	v24 =	vsel vm4, $0x5D, v24  }
0x69: {  	v30 =	vsel vm4, $0x65, v30;
	v31 =	vsel vm4, $0x6D, v31;
	v32 =	vsel vm4, $0x75, v32  }
0x6a: {  	v33 =	vsel vm4, $0x7D, v33;
	v34 =	vsel vm4, $0x405, v34;
	v35 =	vsel vm4, $0x40D, v35  }
0x6b: {  	v36 =	vsel vm4, $0x415, v36;
	v37 =	vsel vm4, $0x41D, v37;
	v38 =	vsel vm4, $0x425, v38  }
0x6c: {  	v39 =	vsel vm4, $0x42D, v39;
	v40 =	vsel vm4, $0x435, v40;
	v41 =	vsel vm4, $0x43D, v41  }
0x6d: {  	v13 =	vsel vm3, $0x3805, v13;
	v14 =	vsel vm3, $0x380D, v14;
	v15 =	vsel vm3, $0x3815, v15  }
0x6e: {  	v16 =	vsel vm3, $0x381D, v16;
	v17 =	vsel vm3, $0x3825, v17;
	v18 =	vsel vm3, $0x382D, v18  }
0x6f: {  	v19 =	vsel vm3, $0x3835, v19;
	v20 =	vsel vm3, $0x383D, v20;
	v21 =	vsel vm3, $0x3845, v21  }
0x70: {  	v22 =	vsel vm3, $0x384D, v22;
	v23 =	vsel vm3, $0x3855, v23;
	v24 =	vsel vm3, $0x385D, v24  }
0x71: {  	v30 =	vsel vm3, $0x3865, v30;
	v31 =	vsel vm3, $0x386D, v31;
	v32 =	vsel vm3, $0x3875, v32  }
0x72: {  	v33 =	vsel vm3, $0x387D, v33;
	v34 =	vsel vm3, $0x3C05, v34;
	v35 =	vsel vm3, $0x3C0D, v35  }
0x73: {  	v36 =	vsel vm3, $0x3C15, v36;
	v37 =	vsel vm3, $0x3C1D, v37;
	v38 =	vsel vm3, $0x3C25, v38  }
0x74: {  	v39 =	vsel vm3, $0x3C2D, v39;
	v40 =	vsel vm3, $0x3C35, v40;
	v41 =	vsel vm3, $0x3C3D, v41  }
0x75: {  	v13 =	vsel vm2, $0x6, v13;
	v14 =	vsel vm2, $0xE, v14;
	v15 =	vsel vm2, $0x16, v15  }
0x76: {  	v16 =	vsel vm2, $0x1E, v16;
	v17 =	vsel vm2, $0x26, v17;
	v18 =	vsel vm2, $0x2E, v18  }
0x77: {  	v19 =	vsel vm2, $0x36, v19;
	v20 =	vsel vm2, $0x3E, v20;
	v21 =	vsel vm2, $0x46, v21  }
0x78: {  	v22 =	vsel vm2, $0x4E, v22;
	v23 =	vsel vm2, $0x56, v23;
	v24 =	vsel vm2, $0x5E, v24  }
0x79: {  	v30 =	vsel vm2, $0x66, v30;
	v31 =	vsel vm2, $0x6E, v31;
	v32 =	vsel vm2, $0x76, v32  }
0x7a: {  	v33 =	vsel vm2, $0x7E, v33;
	v34 =	vsel vm2, $0x406, v34;
	v35 =	vsel vm2, $0x40E, v35  }
0x7b: {  	v36 =	vsel vm2, $0x416, v36;
	v37 =	vsel vm2, $0x41E, v37;
	v38 =	vsel vm2, $0x426, v38  }
0x7c: {  	v39 =	vsel vm2, $0x42E, v39;
	v40 =	vsel vm2, $0x436, v40;
	v41 =	vsel vm2, $0x43E, v41  }
0x7d: {  	v13 =	vsel vm1, $0x3806, v13;
	v14 =	vsel vm1, $0x380E, v14;
	v15 =	vsel vm1, $0x3816, v15  }
0x7e: {  	s0 =	srdreg.scid;
	s1 =	stileid.u32;
	v16 =	vsel vm1, $0x381E, v16;
	v17 =	vsel vm1, $0x3826, v17;
	v18 =	vsel vm1, $0x382E, v18  }
0x7f: {  	s0 =	sand.u32 $0x1, s0;
	s1 =	sshll.u32 s1, $0x1;
	v19 =	vsel vm1, $0x3836, v19;
	v20 =	vsel vm1, $0x383E, v20;
	v21 =	vsel vm1, $0x3846, v21  }
0x80: {  	s2 =	ssub.s32 $0x2, s0;
	s0 =	sor.u32 s0, s1;
	v22 =	vsel vm1, $0x384E, v22;
	v23 =	vsel vm1, $0x3856, v23;
	v24 =	vsel vm1, $0x385E, v24  }
0x81: {  	s4 =	rddreg [dreg:$0x0];
	s6 =	simm.s32 $0x0;
	s3 =	smul.u32 $0x18800, s0;
	v30 =	vsel vm1, $0x3866, v30;
	v31 =	vsel vm1, $0x386E, v31;
	v32 =	vsel vm1, $0x3876, v32  }
0x82: {  	[smem:$0x7FF] =	sst s6;
	[tilespmem:$0x1FF50] =	vst v9;
	v33 =	vsel vm1, $0x387E, v33;
	v34 =	vsel vm1, $0x3C06, v34;
	v35 =	vsel vm1, $0x3C0E, v35  }
0x83: {  	s5 =	rddreg [dreg:$0x1];
	s24 =	sadd.s32 s4, s3;
	_ =	strace $0x80000047;
	[tilespmem:$0x1FF60] =	vst v26;
	v36 =	vsel vm1, $0x3C16, v36;
	v37 =	vsel vm1, $0x3C1E, v37;
	v38 =	vsel vm1, $0x3C26, v38  }
0x84: {  	s25 =	sadd.s32 s5, s3;
	s26 =	sor.u32 $0x700, s3;
	[dreg:$0x6] =	wrdreg s24;
	[tilespmem:$0x1FF70] =	vst v10;
	v39 =	vsel vm1, $0x3C2E, v39;
	v40 =	vsel vm1, $0x3C36, v40;
	v41 =	vsel vm1, $0x3C3E, v41  }
0x85: {  	s23 =	smul.u32 $0x38, s0;
	s3 =	sadd.s32 s4, s26;
	[dreg:$0x7] =	wrdreg s25;
	[tilespmem:$0x1FF80] =	vst v27;
	v13 =	vsel vm0, $0x7, v13;
	v14 =	vsel vm0, $0xF, v14;
	v15 =	vsel vm0, $0x17, v15  }
0x86: {  	s0 =	sadd.s32 s5, s26;
	[dreg:$0x8] =	wrdreg s3;
	[tilespmem:$0x1FF90] =	vst v11;
	v16 =	vsel vm0, $0x1F, v16;
	v17 =	vsel vm0, $0x27, v17;
	v18 =	vsel vm0, $0x2F, v18  }
0x87: {  	s28 =	sor.u32 $0x2, s23;
	[dreg:$0x9] =	wrdreg s0;
	[tilespmem:$0x1FFA0] =	vst v28;
	v19 =	vsel vm0, $0x37, v19;
	v20 =	vsel vm0, $0x3F, v20;
	v21 =	vsel vm0, $0x47, v21  }
.Ltmp0:
0x88: {  	s29 =	sor.u32 $0x1, s23;
	[dreg:$0xa] =	wrdreg s28;
	[tilespmem:$0x1FFB0] =	vst v12;
	v22 =	vsel vm0, $0x4F, v22;
	v23 =	vsel vm0, $0x57, v23;
	v24 =	vsel vm0, $0x5F, v24;
	(pc) =	sbr.rel .LBB2_1-.Ltmp0, $4  }
0x89: {  	s17 =	simm.s32 $0x7000;
	s22 =	sshrl.u32 s2, $0x1;
	[dreg:$0xb] =	wrdreg s29;
	[tilespmem:$0x1FFC0] =	vst v25;
	v30 =	vsel vm0, $0x67, v30;
	v31 =	vsel vm0, $0x6F, v31;
	v32 =	vsel vm0, $0x77, v32  }
0x8a: {  	s1 =	ssub.s32 s2, s22;
	s30 =	sor.u32 $0x3, s23;
	[dreg:$0x5] =	wrdreg s23;
	v33 =	vsel vm0, $0x7F, v33;
	v34 =	vsel vm0, $0x407, v34;
	v35 =	vsel vm0, $0x40F, v35;
	[tilespmem:$0x1FFD0] =	vst v13  }
0x8b: {  	s19 =	simm.s32 $0x1;
	s31 =	smax.u32 s1, $0x1;
	[dreg:$0xc] =	wrdreg s30;
	v36 =	vsel vm0, $0x417, v36;
	v37 =	vsel vm0, $0x41F, v37;
	v38 =	vsel vm0, $0x427, v38;
	[tilespmem:$0x1FFE0] =	vst v14  }
0x8c: {  	s22 =	simm.s32 $0x2;
	s2 =	simm.s32 $0x0;
	[dreg:$0xd] =	wrdreg s31;
	v39 =	vsel vm0, $0x42F, v39;
	v40 =	vsel vm0, $0x437, v40;
	v41 =	vsel vm0, $0x43F, v41;
	[tilespmem:$0x1FFF0] =	vst v15  }
.LBB2_12:
0x8d: {  	s0 =	simm.s32 $0x3  }
0x8e: {  	_ =	swait.ge [sflag:s0], $0x3800  }
0x8f: {  	[sflag:s0] =	ssyncset.done $0x0  }
0x90: {  	[sflag:s0] =	ssyncadd.s32 $0xFFFFC800  }
0x91: {  	_ =	swait.ge [sflag:s0], $0x3800  }
0x92: {  	[sflag:s0] =	ssyncset.done $0x0  }
0x93: {  	s1 =	simm.s32 $0x4;
	[sflag:s0] =	ssyncadd.s32 $0xFFFFC800  }
0x94: {  	_ =	swait.ge [sflag:s1], $0x3800  }
0x95: {  	[sflag:s1] =	ssyncset.done $0x0  }
0x96: {  	[sflag:s1] =	ssyncadd.s32 $0xFFFFC800  }
0x97: {  	_ =	swait.ge [sflag:s1], $0x3800  }
0x98: {  	s2 =	rddreg [dreg:$0xe]  }
0x99: {  	s31 =	rddreg [dreg:$0xd];
	v26 =	vld [tilespmem:$0x1FF60];
	s2 =	sadd.s32 $0x1, s2  }
0x9a: {  	v10 =	vld [tilespmem:$0x1FF70];
	p0 =	sne.s32 s2, s31  }
.Ltmp1:
0x9b: {  	v11 =	vld [tilespmem:$0x1FF90];
	(pc) =	sbr.rel @!p0 .LBB2_13-.Ltmp1, $4  }
0x9c: {  	v12 =	vld [tilespmem:$0x1FFB0]  }
0x9d: {  	v2 =	vmov v27;
	v27 =	vld [tilespmem:$0x1FF80]  }
0x9e: {  	v3 =	vmov v29;
	[sflag:s1] =	ssyncset.done $0x0;
	v14 =	vld [tilespmem:$0x1FFE0]  }
0x9f: {  	v4 =	vmovc v59;
	v5 =	vmovc v60;
	v6 =	vmov v61;
	v7 =	vmov v62;
	v8 =	vmov v63;
	v15 =	vld [tilespmem:$0x1FFF0];
	[sflag:s1] =	ssyncadd.s32 $0xFFFFC800  }
.LBB2_1:
0xa0: {  	[dreg:$0xe] =	wrdreg s2  }
0xa1: {  	s0 =	rddreg [dreg:$0x6]  }
0xa2: {  	[tilespmem:s6], [sflag:$0x1] =	stream.linear.gather [hbm4b:s0+s6], $0x3800, $0x38;
	[tilespmem:$0x1C000] =	vst v63  }
0xa3: {  	s26 =	rddreg [dreg:$0x7];
	s1 =	simm.s32 $0x3800  }
0xa4: {  	[tilespmem:s1], [sflag:$0x1] =	stream.linear.gather [hbm4b:s26+s6], $0x3800, $0x38;
	[tilespmem:$0x1C000] =	vst v63  }
0xa5: {  	s28 =	rddreg [dreg:$0x8]  }
0xa6: {  	[tilespmem:s17], [sflag:$0x2] =	stream.linear.gather [hbm4b:s28+s6], $0x3800, $0x38;
	[tilespmem:$0x1C000] =	vst v63  }
0xa7: {  	s30 =	rddreg [dreg:$0x9];
	s31 =	simm.s32 $0xA800;
	s29 =	simm.s32 $0x0  }
0xa8: {  	[tilespmem:s31], [sflag:$0x2] =	stream.linear.gather [hbm4b:s30+s6], $0x3800, $0x38;
	[tilespmem:$0x1C000] =	vst v63  }
.LBB2_2:
0xa9: {  	_ =	swait.ge [sflag:s19], $0x3800  }
0xaa: {  	[sflag:s19] =	ssyncset.done $0x0  }
0xab: {  	s0 =	simm.s32 $0x3;
	[sflag:s19] =	ssyncadd.s32 $0xFFFFC800  }
0xac: {  	v42 =	vmov s0;
	_ =	swait.ge [sflag:s19], $0x3800  }
0xad: {  	p0 =	seq.s32 s29, $0x0;
	v43 =	vshll.u32 v42, $0x8;
	v42 =	vshll.u32 v42, $0x7;
	[sflag:s19] =	ssyncset.done $0x0  }
0xae: {  	s0 =	simm.s32 @!p0 $0x3;
	v43 =	vand.u32 $0x3800, v43;
	v42 =	vand.u32 $0x380, v42;
	[sflag:s19] =	ssyncadd.s32 $0xFFFFC800  }
0xaf: {  	v42 =	vor.u32 v42, v43;
	_ =	swait.ge @!p0 [sflag:s0], $0x3800  }
0xb0: {  	v43 =	vadd.s32 v13, v42;
	[sflag:s0] =	ssyncset.done @!p0 $0x0  }
0xb1: {  	v44 =	vadd.s32 v14, v42;
	[sflag:s0] =	ssyncadd.s32 @!p0 $0xFFFFC800  }
0xb2: {  	v45 =	vadd.s32 v15, v42;
	_ =	swait.ge @!p0 [sflag:s0], $0x3800  }
0xb3: {  	v46 =	vadd.s32 v16, v42;
	[sflag:s0] =	ssyncset.done @!p0 $0x0  }
0xb4: {  	v47 =	vadd.s32 v17, v42;
	[sflag:s0] =	ssyncadd.s32 @!p0 $0xFFFFC800  }
0xb5: {  	v48 =	vadd.s32 v18, v42;
	v43 =	vld.idx.msk [tilespmem:v43+s6+$0x0], $0xffff  }
0xb6: {  	s31 =	simm.s32 $0x0;
	v49 =	vadd.s32 v19, v42;
	v44 =	vld.idx.msk [tilespmem:v44+s6+$0x0], $0xffff  }
0xb7: {  	v50 =	vmov s31;
	v51 =	vadd.s32 v20, v42;
	v45 =	vld.idx.msk [tilespmem:v45+s6+$0x0], $0xffff  }
0xb8: {  	v52 =	vshll.u32 v50, $0x8;
	v50 =	vshll.u32 v50, $0x7;
	v53 =	vadd.s32 v21, v42;
	v46 =	vld.idx.msk [tilespmem:v46+s6+$0x0], $0xffff  }
0xb9: {  	v52 =	vand.u32 $0x3800, v52;
	v50 =	vand.u32 $0x200, v50;
	v54 =	vadd.s32 v22, v42;
	v47 =	vld.idx.msk [tilespmem:v47+s6+$0x0], $0xffff  }
0xba: {  	v50 =	vor.u32 v50, v52;
	v62 =	vadd.s32 v23, v42;
	v48 =	vld.idx.msk [tilespmem:v48+s6+$0x0], $0xffff  }
0xbb: {  	v50 =	vadd.s32 v1, v50;
	v42 =	vadd.s32 v24, v42;
	v49 =	vld.idx.msk [tilespmem:v49+s6+$0x0], $0xffff  }
0xbc: {  	v55 =	vor.u32 v0, v50;
	v51 =	vld.idx.msk [tilespmem:v51+s6+$0x0], $0xffff  }
0xbd: {  	v56 =	vor.u32 v2, v50;
	v53 =	vld.idx.msk [tilespmem:v53+s6+$0x0], $0xffff  }
0xbe: {  	s4 =	simm.s32 $0x180;
	s18 =	sand.u32 $0x3800, s31;
	v57 =	vor.u32 v3, v50;
	v54 =	vld.idx.msk [tilespmem:v54+s6+$0x0], $0xffff  }
0xbf: {  	s20 =	sand.u32 $0x380, s4;
	s5 =	sadd.s32 $0xE000, s18;
	v58 =	vor.u32 v4, v50;
	v52 =	vld.idx.msk [tilespmem:v62+s6+$0x0], $0xffff  }
0xc0: {  	v59 =	vor.u32 v5, v50;
	s0 =	sor.u32 s20, s5;
	v42 =	vld.idx.msk [tilespmem:v42+s6+$0x0], $0xffff  }
0xc1: {  	[tilespmem:s0+$0x0] =	vst v43;
	v43 =	vld.idx.msk [tilespmem:v55+s6+$0x0], $0xffff;
	v55 =	vor.u32 v6, v50  }
0xc2: {  	[tilespmem:s0+$0x10] =	vst v44;
	v44 =	vld.idx.msk [tilespmem:v56+s6+$0x0], $0xffff;
	v56 =	vor.u32 v7, v50  }
0xc3: {  	s1 =	simm.s32 $0x1;
	[tilespmem:s0+$0x20] =	vst v45;
	v45 =	vld.idx.msk [tilespmem:v57+s6+$0x0], $0xffff;
	v57 =	vor.u32 v8, v50  }
0xc4: {  	s2 =	sand.u32 $0x7, s31;
	v60 =	vmov s1;
	[tilespmem:s0+$0x30] =	vst v46;
	v46 =	vld.idx.msk [tilespmem:v58+s6+$0x0], $0xffff;
	v58 =	vor.u32 v26, v50  }
0xc5: {  	s21 =	sshll.u32 s2, $0x7;
	v61 =	vshll.u32 v60, $0x8;
	v60 =	vshll.u32 v60, $0x7;
	[tilespmem:s0+$0x40] =	vst v47;
	v47 =	vld.idx.msk [tilespmem:v59+s6+$0x0], $0xffff;
	v59 =	vor.u32 v10, v50  }
0xc6: {  	s8 =	sadd.s32 $0x0, s21;
	v61 =	vand.u32 $0x3800, v61;
	v60 =	vand.u32 $0x280, v60;
	[tilespmem:s0+$0x50] =	vst v48;
	v48 =	vld.idx.msk [tilespmem:v55+s6+$0x0], $0xffff;
	v55 =	vor.u32 v27, v50  }
0xc7: {  	s1 =	sadd.s32 $0x180, s8;
	[tilespmem:s0+$0x60] =	vst v49;
	v49 =	vld.idx.msk [tilespmem:v56+s6+$0x0], $0xffff;
	v50 =	vor.u32 v11, v50;
	v56 =	vor.u32 v60, v61  }
0xc8: {  	s23 =	sor.u32 $0x400, s1;
	[tilespmem:s0+$0x70] =	vst v51;
	v51 =	vld.idx.msk [tilespmem:v57+s6+$0x0], $0xffff;
	v63 =	vadd.s32 v13, v56  }
0xc9: {  	s24 =	sor.u32 $0x410, s1;
	[tilespmem:s23+$0xE000] =	vst v53;
	v53 =	vld.idx.msk [tilespmem:v58+s6+$0x0], $0xffff;
	v60 =	vadd.s32 v14, v56  }
0xca: {  	s25 =	simm.s32 $0x0;
	s26 =	sor.u32 $0x420, s1;
	[tilespmem:s24+$0xE000] =	vst v54;
	v54 =	vld.idx.msk [tilespmem:v59+s6+$0x0], $0xffff;
	v61 =	vadd.s32 v15, v56  }
0xcb: {  	s2 =	sand.u32 $0x200, s25;
	s1 =	sor.u32 $0x430, s1;
	[tilespmem:s26+$0xE000] =	vst v52;
	v62 =	vadd.s32 v16, v56;
	v52 =	vld.idx.msk [tilespmem:v55+s6+$0x0], $0xffff  }
0xcc: {  	s3 =	sor.u32 s2, s5;
	[tilespmem:s1+$0xE000] =	vst v42;
	v57 =	vadd.s32 v18, v56;
	v42 =	vld.idx.msk [tilespmem:v50+s6+$0x0], $0xffff  }
0xcd: {  	v50 =	vadd.s32 v17, v56;
	[tilespmem:s3+$0x0] =	vst v43;
	v43 =	vld.idx.msk [tilespmem:v63+s6+$0x0], $0xffff  }
0xce: {  	v58 =	vadd.s32 v19, v56;
	[tilespmem:s3+$0x10] =	vst v44;
	v44 =	vld.idx.msk [tilespmem:v60+s6+$0x0], $0xffff  }
0xcf: {  	s7 =	simm.s32 $0x2;
	v59 =	vadd.s32 v20, v56;
	[tilespmem:s3+$0x20] =	vst v45;
	v45 =	vld.idx.msk [tilespmem:v61+s6+$0x0], $0xffff  }
0xd0: {  	p1 =	por $0x0, $0x0;
	s2 =	simm.s32 $0x1;
	[tilespmem:s3+$0x30] =	vst v46;
	v55 =	vadd.s32 v21, v56;
	v46 =	vld.idx.msk [tilespmem:v62+s6+$0x0], $0xffff;
	v60 =	vmov s7  }
0xd1: {  	s2 =	simm.s32 @!p1 $0x0;
	[tilespmem:s3+$0x50] =	vst v48;
	v48 =	vld.idx.msk [tilespmem:v57+s6+$0x0], $0xffff;
	v57 =	vadd.s32 v23, v56;
	v61 =	vshll.u32 v60, $0x8;
	v60 =	vshll.u32 v60, $0x7  }
0xd2: {  	s9 =	sshll.u32 s2, $0x9;
	[tilespmem:s3+$0x40] =	vst v47;
	v61 =	vand.u32 $0x3800, v61;
	v60 =	vand.u32 $0x300, v60;
	v47 =	vld.idx.msk [tilespmem:v50+s6+$0x0], $0xffff;
	v50 =	vadd.s32 v22, v56  }
0xd3: {  	s0 =	sadd.s32 $0x0, s9;
	[tilespmem:s3+$0x60] =	vst v49;
	v49 =	vld.idx.msk [tilespmem:v58+s6+$0x0], $0xffff;
	v58 =	vor.u32 v60, v61;
	v56 =	vadd.s32 v24, v56  }
0xd4: {  	s10 =	sor.u32 $0x400, s0;
	[tilespmem:s3+$0x70] =	vst v51;
	v51 =	vld.idx.msk [tilespmem:v59+s6+$0x0], $0xffff;
	v63 =	vadd.s32 v13, v58  }
0xd5: {  	s11 =	sor.u32 $0x410, s0;
	[tilespmem:s10+$0xE000] =	vst v53;
	v53 =	vld.idx.msk [tilespmem:v55+s6+$0x0], $0xffff;
	v60 =	vadd.s32 v14, v58  }
0xd6: {  	s12 =	simm.s32 $0x80;
	s3 =	sor.u32 $0x420, s0;
	[tilespmem:s11+$0xE000] =	vst v54;
	v61 =	vadd.s32 v15, v58;
	v57 =	vld.idx.msk [tilespmem:v57+s6+$0x0], $0xffff  }
0xd7: {  	s13 =	sand.u32 $0x280, s12;
	s0 =	sor.u32 $0x430, s0;
	[tilespmem:s3+$0xE000] =	vst v52;
	v62 =	vadd.s32 v16, v58;
	v50 =	vld.idx.msk [tilespmem:v50+s6+$0x0], $0xffff  }
0xd8: {  	s1 =	sor.u32 s13, s5;
	v59 =	vadd.s32 v18, v58;
	[tilespmem:s0+$0xE000] =	vst v42;
	v42 =	vld.idx.msk [tilespmem:v56+s6+$0x0], $0xffff  }
0xd9: {  	v55 =	vadd.s32 v19, v58;
	[tilespmem:s1+$0x0] =	vst v43;
	v43 =	vld.idx.msk [tilespmem:v63+s6+$0x0], $0xffff  }
0xda: {  	v56 =	vadd.s32 v17, v58;
	[tilespmem:s1+$0x10] =	vst v44;
	v44 =	vld.idx.msk [tilespmem:v60+s6+$0x0], $0xffff  }
0xdb: {  	v54 =	vadd.s32 v20, v58;
	[tilespmem:s1+$0x20] =	vst v45;
	v45 =	vld.idx.msk [tilespmem:v61+s6+$0x0], $0xffff  }
0xdc: {  	s14 =	simm.s32 $0x7;
	[tilespmem:s1+$0x30] =	vst v46;
	v60 =	vld.idx.msk [tilespmem:v62+s6+$0x0], $0xffff;
	v46 =	vadd.s32 v21, v58  }
0xdd: {  	v52 =	vmov s14;
	[tilespmem:s1+$0x50] =	vst v48;
	v59 =	vld.idx.msk [tilespmem:v59+s6+$0x0], $0xffff;
	v48 =	vadd.s32 v23, v58  }
0xde: {  	v63 =	vshll.u32 v52, $0x8;
	v52 =	vshll.u32 v52, $0x7;
	[tilespmem:s1+$0x60] =	vst v49;
	v62 =	vld.idx.msk [tilespmem:v55+s6+$0x0], $0xffff;
	v49 =	vadd.s32 v24, v58  }
0xdf: {  	s15 =	sadd.s32 $0x80, s8;
	[tilespmem:s1+$0x40] =	vst v47;
	v47 =	vadd.s32 v22, v58;
	v52 =	vand.u32 $0x380, v52;
	v61 =	vld.idx.msk [tilespmem:v56+s6+$0x0], $0xffff;
	v56 =	vand.u32 $0x3800, v63  }
0xe0: {  	s16 =	sor.u32 $0x400, s15;
	[tilespmem:s1+$0x70] =	vst v51;
	v63 =	vld.idx.msk [tilespmem:v54+s6+$0x0], $0xffff;
	v58 =	vor.u32 v52, v56  }
0xe1: {  	s18 =	sor.u32 $0x410, s15;
	s20 =	simm.s32 $0x100;
	[tilespmem:s16+$0xE000] =	vst v53;
	v53 =	vld.idx.msk [tilespmem:v46+s6+$0x0], $0xffff;
	v51 =	vadd.s32 v13, v58  }
0xe2: {  	s21 =	sor.u32 $0x420, s15;
	s23 =	sand.u32 $0x300, s20;
	[tilespmem:s18+$0xE000] =	vst v50;
	v50 =	vld.idx.msk [tilespmem:v48+s6+$0x0], $0xffff;
	v54 =	vadd.s32 v14, v58  }
0xe3: {  	s1 =	sor.u32 s23, s5;
	v46 =	vld.idx.msk [tilespmem:v49+s6+$0x0], $0xffff;
	[tilespmem:s21+$0xE000] =	vst v57;
	v56 =	vadd.s32 v15, v58  }
0xe4: {  	s0 =	sor.u32 $0x430, s15;
	v52 =	vld.idx.msk [tilespmem:v47+s6+$0x0], $0xffff;
	[tilespmem:s1+$0x0] =	vst v43;
	v48 =	vadd.s32 v16, v58  }
0xe5: {  	s24 =	sand.u32 $0x3, s31;
	[tilespmem:s0+$0xE000] =	vst v42;
	v42 =	vadd.s32 v17, v58  }
0xe6: {  	s30 =	sshll.u32 s29, $0x1;
	s25 =	sshll.u32 s24, $0x8;
	[tilespmem:s1+$0x10] =	vst v44;
	v49 =	vadd.s32 v18, v58;
	v43 =	vld.idx.msk [tilespmem:v51+s6+$0x0], $0xffff  }
0xe7: {  	p1 =	por !p1, !p1;
	s16 =	simm.s32 $0x4;
	[tilespmem:s1+$0x20] =	vst v45;
	s0 =	sadd.s32 $0x0, s25;
	v44 =	vld.idx.msk [tilespmem:v54+s6+$0x0], $0xffff;
	v51 =	vadd.s32 v19, v58  }
0xe8: {  	s8 =	simm.s32 $0x0;
	v57 =	vmov s16;
	s0 =	sadd.s32 $0x100, s0;
	s26 =	rddreg [dreg:$0x5];
	[tilespmem:s1+$0x30] =	vst v60;
	v47 =	vld.idx.msk [tilespmem:v56+s6+$0x0], $0xffff;
	v54 =	vadd.s32 v20, v58  }
0xe9: {  	s11 =	simm.s32 $0x2;
	v45 =	vshll.u32 v57, $0x7;
	v60 =	vshll.u32 v57, $0x8;
	[tilespmem:s1+$0x50] =	vst v59;
	s25 =	sor.u32 $0x400, s0;
	s15 =	sor.u32 $0x410, s0;
	v48 =	vld.idx.msk [tilespmem:v48+s6+$0x0], $0xffff;
	v56 =	vadd.s32 v21, v58  }
0xea: {  	v55 =	vadd.s32 v22, v58;
	[tilespmem:s1+$0x60] =	vst v62;
	s10 =	sor.u32 $0x420, s0;
	s9 =	sor.u32 $0x430, s0;
	v57 =	vand.u32 $0x3800, v60;
	v60 =	vand.u32 $0x200, v45;
	s0 =	simm.s32 $0x1;
	v45 =	vld.idx.msk [tilespmem:v42+s6+$0x0], $0xffff  }
0xeb: {  	s28 =	sand.u32 $0x3, s11;
	s21 =	simm.s32 $0x5;
	[tilespmem:s1+$0x40] =	vst v61;
	s0 =	simm.s32 @!p1 $0x0;
	v61 =	vor.u32 v60, v57;
	v57 =	vadd.s32 v23, v58;
	v49 =	vld.idx.msk [tilespmem:v49+s6+$0x0], $0xffff  }
0xec: {  	s5 =	sadd.s32 s26, s30;
	s26 =	simm.s32 $0x8;
	[tilespmem:s1+$0x70] =	vst v63;
	s20 =	sshll.u32 s0, $0x9;
	v42 =	vadd.s32 v1, v61;
	v58 =	vadd.s32 v24, v58;
	v51 =	vld.idx.msk [tilespmem:v51+s6+$0x0], $0xffff  }
.LBB2_3:
0xed: {  	p2 =	slt.u32 s26, $0x34;
	s0 =	sshll.u32 s28, $0x8;
	v59 =	vor.u32 v0, v42;
	v54 =	vld.idx.msk [tilespmem:v54+s6+$0x0], $0xffff;
	[tilespmem:s25+$0xE000] =	vst v53;
	s31 =	sadd.s32 $0x400, s31  }
0xee: {  	v53 =	vor.u32 v2, v42;
	s4 =	sadd.s32 $0x200, s4;
	s0 =	sadd.s32 s31, s0;
	s1 =	sand.u32 $0x3800, s31;
	v56 =	vld.idx.msk [tilespmem:v56+s6+$0x0], $0xffff;
	[tilespmem:s15+$0xE000] =	vst v52  }
0xef: {  	v52 =	vor.u32 v3, v42;
	s2 =	sadd.s32 $0xFFFFFE80, s4;
	s18 =	sadd.s32 $0xE000, s1;
	v55 =	vld.idx.msk [tilespmem:v55+s6+$0x0], $0xffff;
	s1 =	sand.u32 $0x380, s4;
	[tilespmem:s10+$0xE000] =	vst v50  }
0xf0: {  	s3 =	sadd.s32 $0xFFFFFF00, s4;
	v50 =	vor.u32 v4, v42;
	s10 =	sadd.s32 $0xFFFFFF80, s4;
	v57 =	vld.idx.msk [tilespmem:v57+s6+$0x0], $0xffff;
	s23 =	sor.u32 s1, s18;
	[tilespmem:s9+$0xE000] =	vst v46  }
0xf1: {  	s20 =	sadd.s32 s20, s31;
	s2 =	sand.u32 $0x200, s2;
	v46 =	vor.u32 v5, v42;
	s1 =	sadd.s32 $0x100, s0;
	v58 =	vld.idx.msk [tilespmem:v58+s6+$0x0], $0xffff;
	[tilespmem:s23+$0x0] =	vst v43  }
0xf2: {  	s24 =	sand.u32 $0x280, s3;
	s7 =	sand.u32 $0x300, s10;
	s25 =	sor.u32 $0x400, s1;
	v43 =	vld.idx.msk [tilespmem:v59+s6+$0x0], $0xffff;
	v59 =	vor.u32 v6, v42;
	[tilespmem:s23+$0x10] =	vst v44  }
0xf3: {  	s8 =	sadd.s32 $0x4, s8;
	s15 =	sor.u32 $0x410, s1;
	s10 =	sor.u32 $0x420, s1;
	v44 =	vld.idx.msk [tilespmem:v53+s6+$0x0], $0xffff;
	v53 =	vor.u32 v7, v42;
	[tilespmem:s23+$0x20] =	vst v47  }
0xf4: {  	s3 =	sand.u32 $0x7, s8;
	s0 =	sor.u32 $0x400, s20;
	s9 =	sor.u32 $0x430, s1;
	v47 =	vld.idx.msk [tilespmem:v52+s6+$0x0], $0xffff;
	v52 =	vor.u32 v8, v42;
	[tilespmem:s23+$0x30] =	vst v48  }
0xf5: {  	v60 =	vmov s21;
	s14 =	sor.u32 $0x410, s20;
	s3 =	sshll.u32 s3, $0x7;
	s1 =	sor.u32 $0x420, s20;
	v48 =	vld.idx.msk [tilespmem:v50+s6+$0x0], $0xffff;
	v50 =	vor.u32 v26, v42;
	[tilespmem:s23+$0x40] =	vst v45  }
0xf6: {  	v61 =	vshll.u32 v60, $0x8;
	v60 =	vshll.u32 v60, $0x7;
	s21 =	sadd.s32 s31, s3;
	s3 =	sor.u32 s2, s18;
	s2 =	sor.u32 $0x430, s20;
	v45 =	vld.idx.msk [tilespmem:v46+s6+$0x0], $0xffff;
	v46 =	vor.u32 v10, v42;
	[tilespmem:s23+$0x50] =	vst v49  }
0xf7: {  	v61 =	vand.u32 $0x3800, v61;
	v60 =	vand.u32 $0x280, v60;
	s28 =	sor.u32 s24, s18;
	s20 =	sadd.s32 $0x80, s21;
	s12 =	sadd.s32 $0x180, s21;
	v49 =	vld.idx.msk [tilespmem:v59+s6+$0x0], $0xffff;
	v59 =	vor.u32 v27, v42;
	[tilespmem:s23+$0x60] =	vst v51  }
0xf8: {  	s24 =	sor.u32 $0x400, s20;
	s21 =	sor.u32 $0x410, s20;
	s13 =	sor.u32 $0x400, s12;
	v42 =	vor.u32 v11, v42;
	v51 =	vld.idx.msk [tilespmem:v53+s6+$0x0], $0xffff;
	v53 =	vor.u32 v60, v61;
	[tilespmem:s23+$0x70] =	vst v54  }
0xf9: {  	s23 =	sor.u32 $0x420, s20;
	s20 =	sor.u32 $0x430, s20;
	v52 =	vld.idx.msk [tilespmem:v52+s6+$0x0], $0xffff;
	v54 =	vadd.s32 v13, v53;
	[tilespmem:s13+$0xE000] =	vst v56;
	s13 =	sor.u32 $0x410, s12  }
0xfa: {  	s18 =	sor.u32 s7, s18;
	s7 =	sor.u32 $0x420, s12;
	v56 =	vadd.s32 v14, v53;
	v50 =	vld.idx.msk [tilespmem:v50+s6+$0x0], $0xffff;
	[tilespmem:s13+$0xE000] =	vst v55  }
0xfb: {  	v55 =	vadd.s32 v15, v53;
	v46 =	vld.idx.msk [tilespmem:v46+s6+$0x0], $0xffff;
	[tilespmem:s7+$0xE000] =	vst v57;
	s7 =	sor.u32 $0x430, s12  }
0xfc: {  	v57 =	vld.idx.msk [tilespmem:v59+s6+$0x0], $0xffff;
	v59 =	vadd.s32 v16, v53;
	[tilespmem:s7+$0xE000] =	vst v58  }
0xfd: {  	v42 =	vld.idx.msk [tilespmem:v42+s6+$0x0], $0xffff;
	[tilespmem:s3+$0x0] =	vst v43;
	v43 =	vadd.s32 v17, v53  }
0xfe: {  	[tilespmem:s3+$0x10] =	vst v44;
	v44 =	vld.idx.msk [tilespmem:v54+s6+$0x0], $0xffff;
	v54 =	vadd.s32 v18, v53  }
0xff: {  	[tilespmem:s3+$0x20] =	vst v47;
	v47 =	vld.idx.msk [tilespmem:v56+s6+$0x0], $0xffff;
	v56 =	vadd.s32 v19, v53  }
0x100: {  	s7 =	sadd.s32 $0x2, s16;
	s16 =	smov.u32 s26;
	[tilespmem:s3+$0x30] =	vst v48;
	v48 =	vld.idx.msk [tilespmem:v55+s6+$0x0], $0xffff;
	v55 =	vadd.s32 v20, v53  }
0x101: {  	v58 =	vadd.s32 v21, v53;
	[tilespmem:s3+$0x40] =	vst v45;
	v45 =	vld.idx.msk [tilespmem:v59+s6+$0x0], $0xffff;
	v59 =	vmov s7  }
0x102: {  	[tilespmem:s3+$0x50] =	vst v49;
	v43 =	vld.idx.msk [tilespmem:v43+s6+$0x0], $0xffff;
	v49 =	vadd.s32 v22, v53;
	v60 =	vshll.u32 v59, $0x8;
	v59 =	vshll.u32 v59, $0x7  }
0x103: {  	[tilespmem:s3+$0x60] =	vst v51;
	v51 =	vld.idx.msk [tilespmem:v54+s6+$0x0], $0xffff;
	v54 =	vadd.s32 v23, v53;
	v60 =	vand.u32 $0x3800, v60;
	v59 =	vand.u32 $0x300, v59  }
0x104: {  	v53 =	vadd.s32 v24, v53;
	[tilespmem:s3+$0x70] =	vst v52;
	v52 =	vld.idx.msk [tilespmem:v56+s6+$0x0], $0xffff;
	v56 =	vor.u32 v59, v60  }
0x105: {  	[tilespmem:s0+$0xE000] =	vst v50;
	v50 =	vld.idx.msk [tilespmem:v55+s6+$0x0], $0xffff;
	v55 =	vadd.s32 v13, v56  }
0x106: {  	[tilespmem:s14+$0xE000] =	vst v46;
	v46 =	vld.idx.msk [tilespmem:v58+s6+$0x0], $0xffff;
	v58 =	vadd.s32 v14, v56  }
0x107: {  	[tilespmem:s1+$0xE000] =	vst v57;
	v49 =	vld.idx.msk [tilespmem:v49+s6+$0x0], $0xffff;
	v57 =	vadd.s32 v15, v56  }
0x108: {  	[tilespmem:s2+$0xE000] =	vst v42;
	v42 =	vld.idx.msk [tilespmem:v54+s6+$0x0], $0xffff;
	v54 =	vadd.s32 v16, v56  }
0x109: {  	v59 =	vld.idx.msk [tilespmem:v53+s6+$0x0], $0xffff;
	[tilespmem:s28+$0x0] =	vst v44;
	v44 =	vadd.s32 v17, v56  }
0x10a: {  	v53 =	vadd.s32 v18, v56;
	[tilespmem:s28+$0x10] =	vst v47;
	v47 =	vld.idx.msk [tilespmem:v55+s6+$0x0], $0xffff  }
0x10b: {  	v55 =	vadd.s32 v19, v56;
	[tilespmem:s28+$0x20] =	vst v48;
	v48 =	vld.idx.msk [tilespmem:v58+s6+$0x0], $0xffff  }
0x10c: {  	s0 =	sadd.s32 $0x3, s26;
	[tilespmem:s28+$0x30] =	vst v45;
	v45 =	vld.idx.msk [tilespmem:v57+s6+$0x0], $0xffff;
	v57 =	vadd.s32 v20, v56  }
0x10d: {  	v58 =	vmov s0;
	[tilespmem:s28+$0x40] =	vst v43;
	v60 =	vld.idx.msk [tilespmem:v54+s6+$0x0], $0xffff;
	v43 =	vadd.s32 v21, v56  }
0x10e: {  	v54 =	vshll.u32 v58, $0x8;
	v58 =	vshll.u32 v58, $0x7;
	[tilespmem:s28+$0x50] =	vst v51;
	v51 =	vld.idx.msk [tilespmem:v44+s6+$0x0], $0xffff;
	v44 =	vadd.s32 v22, v56  }
0x10f: {  	v62 =	vadd.s32 v23, v56;
	v54 =	vand.u32 $0x3800, v54;
	v58 =	vand.u32 $0x380, v58;
	[tilespmem:s28+$0x60] =	vst v52;
	v61 =	vld.idx.msk [tilespmem:v53+s6+$0x0], $0xffff  }
0x110: {  	v58 =	vor.u32 v58, v54;
	v54 =	vadd.s32 v24, v56;
	[tilespmem:s28+$0x70] =	vst v50;
	v63 =	vld.idx.msk [tilespmem:v55+s6+$0x0], $0xffff  }
0x111: {  	v55 =	vadd.s32 v13, v58;
	[tilespmem:s24+$0xE000] =	vst v46;
	v9 =	vld.idx.msk [tilespmem:v57+s6+$0x0], $0xffff  }
0x112: {  	v56 =	vadd.s32 v14, v58;
	[tilespmem:s21+$0xE000] =	vst v49;
	v53 =	vld.idx.msk [tilespmem:v43+s6+$0x0], $0xffff  }
0x113: {  	v49 =	vadd.s32 v15, v58;
	[tilespmem:s23+$0xE000] =	vst v42;
	v52 =	vld.idx.msk [tilespmem:v44+s6+$0x0], $0xffff  }
0x114: {  	v42 =	vadd.s32 v16, v58;
	[tilespmem:s20+$0xE000] =	vst v59;
	v50 =	vld.idx.msk [tilespmem:v62+s6+$0x0], $0xffff  }
0x115: {  	v57 =	vadd.s32 v17, v58;
	v46 =	vld.idx.msk [tilespmem:v54+s6+$0x0], $0xffff;
	[tilespmem:s18+$0x0] =	vst v47  }
0x116: {  	v59 =	vadd.s32 v18, v58;
	v43 =	vld.idx.msk [tilespmem:v55+s6+$0x0], $0xffff;
	[tilespmem:s18+$0x10] =	vst v48  }
0x117: {  	v62 =	vadd.s32 v19, v58;
	v44 =	vld.idx.msk [tilespmem:v56+s6+$0x0], $0xffff;
	[tilespmem:s18+$0x20] =	vst v45  }
.Ltmp2:
0x118: {  	v54 =	vadd.s32 v20, v58;
	v45 =	vmov s26;
	v47 =	vld.idx.msk [tilespmem:v49+s6+$0x0], $0xffff;
	[tilespmem:s18+$0x30] =	vst v60;
	(pc) =	sbr.rel @p2 .LBB2_3-.Ltmp2, $4  }
0x119: {  	v56 =	vadd.s32 v21, v58;
	v49 =	vshll.u32 v45, $0x8;
	v45 =	vshll.u32 v45, $0x7;
	v48 =	vld.idx.msk [tilespmem:v42+s6+$0x0], $0xffff;
	[tilespmem:s18+$0x40] =	vst v51  }
0x11a: {  	p1 =	por !p1, !p1;
	s0 =	simm.s32 $0x1;
	v55 =	vadd.s32 v22, v58;
	v42 =	vand.u32 $0x3800, v49;
	v49 =	vand.u32 $0x200, v45;
	v45 =	vld.idx.msk [tilespmem:v57+s6+$0x0], $0xffff;
	[tilespmem:s18+$0x50] =	vst v61  }
0x11b: {  	s11 =	sadd.s32 $0x2, s11;
	s0 =	simm.s32 @!p1 $0x0;
	s21 =	sadd.s32 $0x1, s26;
	v42 =	vor.u32 v49, v42;
	v57 =	vadd.s32 v23, v58;
	v49 =	vld.idx.msk [tilespmem:v59+s6+$0x0], $0xffff;
	[tilespmem:s18+$0x60] =	vst v63  }
0x11c: {  	s28 =	sand.u32 $0x3, s11;
	s20 =	sshll.u32 s0, $0x9;
	s26 =	sadd.s32 $0x4, s26;
	v58 =	vadd.s32 v24, v58;
	v42 =	vadd.s32 v1, v42;
	v51 =	vld.idx.msk [tilespmem:v62+s6+$0x0], $0xffff;
	[tilespmem:s18+$0x70] =	vst v9  }
0x11d: {  	_ =	sdelay $0x3  }
0x11e: {  	v9 =	vor.u32 v0, v42;
	v54 =	vld.idx.msk [tilespmem:v54+s6+$0x0], $0xffff;
	[tilespmem:s25+$0xE000] =	vst v53;
	s11 =	sadd.s32 $0x400, s31  }
0x11f: {  	v62 =	vor.u32 v2, v42;
	v56 =	vld.idx.msk [tilespmem:v56+s6+$0x0], $0xffff;
	s0 =	sand.u32 $0x3800, s11;
	[tilespmem:s15+$0xE000] =	vst v52;
	s15 =	sadd.s32 $0x200, s4  }
0x120: {  	v63 =	vor.u32 v3, v42;
	v55 =	vld.idx.msk [tilespmem:v55+s6+$0x0], $0xffff;
	s4 =	sadd.s32 $0xE000, s0;
	s12 =	sand.u32 $0x380, s15;
	[tilespmem:s10+$0xE000] =	vst v50  }
0x121: {  	v60 =	vor.u32 v4, v42;
	v57 =	vld.idx.msk [tilespmem:v57+s6+$0x0], $0xffff;
	s0 =	sor.u32 s12, s4;
	[tilespmem:s9+$0xE000] =	vst v46  }
0x122: {  	v61 =	vor.u32 v5, v42;
	v58 =	vld.idx.msk [tilespmem:v58+s6+$0x0], $0xffff;
	[tilespmem:s0+$0x0] =	vst v43  }
0x123: {  	v53 =	vor.u32 v7, v42;
	[tilespmem:s0+$0x10] =	vst v44;
	v9 =	vld.idx.msk [tilespmem:v9+s6+$0x0], $0xffff  }
0x124: {  	s1 =	sadd.s32 $0x4, s8;
	v52 =	vor.u32 v8, v42;
	[tilespmem:s0+$0x20] =	vst v47;
	v44 =	vld.idx.msk [tilespmem:v62+s6+$0x0], $0xffff  }
0x125: {  	s1 =	sand.u32 $0x7, s1;
	v50 =	vor.u32 v26, v42;
	[tilespmem:s0+$0x30] =	vst v48;
	v47 =	vld.idx.msk [tilespmem:v63+s6+$0x0], $0xffff  }
0x126: {  	v59 =	vmov s21;
	s1 =	sshll.u32 s1, $0x7;
	v46 =	vor.u32 v10, v42;
	[tilespmem:s0+$0x40] =	vst v45;
	v48 =	vld.idx.msk [tilespmem:v60+s6+$0x0], $0xffff  }
0x127: {  	s13 =	sadd.s32 s11, s1;
	v43 =	vor.u32 v6, v42;
	[tilespmem:s0+$0x50] =	vst v49;
	v45 =	vld.idx.msk [tilespmem:v61+s6+$0x0], $0xffff;
	v60 =	vshll.u32 v59, $0x8;
	v59 =	vshll.u32 v59, $0x7  }
0x128: {  	v49 =	vor.u32 v27, v42;
	[tilespmem:s0+$0x60] =	vst v51;
	s1 =	sadd.s32 $0x180, s13;
	v51 =	vld.idx.msk [tilespmem:v53+s6+$0x0], $0xffff;
	v60 =	vand.u32 $0x3800, v60;
	v59 =	vand.u32 $0x280, v59  }
0x129: {  	v62 =	vor.u32 v11, v42;
	[tilespmem:s0+$0x70] =	vst v54;
	s14 =	sor.u32 $0x400, s1;
	v52 =	vld.idx.msk [tilespmem:v52+s6+$0x0], $0xffff;
	v53 =	vor.u32 v59, v60  }
0x12a: {  	s18 =	sor.u32 $0x410, s1;
	[tilespmem:s14+$0xE000] =	vst v56;
	v50 =	vld.idx.msk [tilespmem:v50+s6+$0x0], $0xffff;
	v54 =	vadd.s32 v13, v53  }
0x12b: {  	s2 =	sadd.s32 $0xFFFFFE80, s15;
	s21 =	sor.u32 $0x420, s1;
	[tilespmem:s18+$0xE000] =	vst v55;
	v63 =	vadd.s32 v14, v53;
	v46 =	vld.idx.msk [tilespmem:v46+s6+$0x0], $0xffff  }
0x12c: {  	s2 =	sand.u32 $0x200, s2;
	s23 =	sor.u32 $0x430, s1;
	v60 =	vadd.s32 v15, v53;
	[tilespmem:s21+$0xE000] =	vst v57;
	v43 =	vld.idx.msk [tilespmem:v43+s6+$0x0], $0xffff  }
0x12d: {  	s24 =	sor.u32 s2, s4;
	v61 =	vadd.s32 v16, v53;
	v49 =	vld.idx.msk [tilespmem:v49+s6+$0x0], $0xffff;
	[tilespmem:s23+$0xE000] =	vst v58  }
0x12e: {  	v56 =	vadd.s32 v19, v53;
	v42 =	vld.idx.msk [tilespmem:v62+s6+$0x0], $0xffff;
	[tilespmem:s24+$0x0] =	vst v9  }
0x12f: {  	[tilespmem:s24+$0x10] =	vst v44;
	v9 =	vld.idx.msk [tilespmem:v54+s6+$0x0], $0xffff;
	v54 =	vadd.s32 v18, v53  }
0x130: {  	v55 =	vadd.s32 v20, v53;
	[tilespmem:s24+$0x20] =	vst v47;
	v44 =	vld.idx.msk [tilespmem:v63+s6+$0x0], $0xffff  }
0x131: {  	s25 =	sadd.s32 $0x2, s16;
	v62 =	vadd.s32 v17, v53;
	[tilespmem:s24+$0x30] =	vst v48;
	v47 =	vld.idx.msk [tilespmem:v60+s6+$0x0], $0xffff  }
0x132: {  	v59 =	vmov s25;
	v57 =	vadd.s32 v21, v53;
	[tilespmem:s24+$0x40] =	vst v45;
	v48 =	vld.idx.msk [tilespmem:v61+s6+$0x0], $0xffff  }
0x133: {  	v58 =	vadd.s32 v22, v53;
	[tilespmem:s24+$0x60] =	vst v51;
	v60 =	vshll.u32 v59, $0x8;
	v59 =	vshll.u32 v59, $0x7;
	v51 =	vld.idx.msk [tilespmem:v56+s6+$0x0], $0xffff  }
0x134: {  	s26 =	sadd.s32 s20, s11;
	[tilespmem:s24+$0x50] =	vst v43;
	v60 =	vand.u32 $0x3800, v60;
	v59 =	vand.u32 $0x300, v59;
	v43 =	vld.idx.msk [tilespmem:v54+s6+$0x0], $0xffff;
	v54 =	vadd.s32 v23, v53  }
0x135: {  	s7 =	sor.u32 $0x400, s26;
	[tilespmem:s24+$0x70] =	vst v52;
	v52 =	vld.idx.msk [tilespmem:v55+s6+$0x0], $0xffff;
	v56 =	vor.u32 v59, v60;
	v53 =	vadd.s32 v24, v53  }
0x136: {  	s9 =	sor.u32 $0x410, s26;
	v45 =	vld.idx.msk [tilespmem:v62+s6+$0x0], $0xffff;
	[tilespmem:s7+$0xE000] =	vst v50;
	v63 =	vadd.s32 v13, v56  }
0x137: {  	s10 =	sadd.s32 $0xFFFFFF00, s15;
	s3 =	sor.u32 $0x420, s26;
	v50 =	vld.idx.msk [tilespmem:v57+s6+$0x0], $0xffff;
	v57 =	vadd.s32 v14, v56;
	[tilespmem:s9+$0xE000] =	vst v46  }
0x138: {  	s12 =	sand.u32 $0x280, s10;
	s0 =	sor.u32 $0x430, s26;
	v46 =	vld.idx.msk [tilespmem:v58+s6+$0x0], $0xffff;
	v60 =	vadd.s32 v15, v56;
	[tilespmem:s3+$0xE000] =	vst v49  }
0x139: {  	s1 =	sor.u32 s12, s4;
	v61 =	vadd.s32 v16, v56;
	[tilespmem:s0+$0xE000] =	vst v42;
	v49 =	vld.idx.msk [tilespmem:v54+s6+$0x0], $0xffff  }
0x13a: {  	v62 =	vadd.s32 v17, v56;
	v42 =	vld.idx.msk [tilespmem:v53+s6+$0x0], $0xffff;
	[tilespmem:s1+$0x0] =	vst v9  }
0x13b: {  	v9 =	vld.idx.msk [tilespmem:v63+s6+$0x0], $0xffff;
	v63 =	vadd.s32 v18, v56;
	[tilespmem:s1+$0x10] =	vst v44  }
0x13c: {  	v44 =	vld.idx.msk [tilespmem:v57+s6+$0x0], $0xffff;
	v57 =	vadd.s32 v19, v56;
	[tilespmem:s1+$0x20] =	vst v47  }
0x13d: {  	v47 =	vld.idx.msk [tilespmem:v60+s6+$0x0], $0xffff;
	v60 =	vadd.s32 v20, v56;
	[tilespmem:s1+$0x30] =	vst v48  }
0x13e: {  	v48 =	vld.idx.msk [tilespmem:v61+s6+$0x0], $0xffff;
	v61 =	vadd.s32 v21, v56;
	[tilespmem:s1+$0x40] =	vst v45  }
0x13f: {  	v45 =	vld.idx.msk [tilespmem:v62+s6+$0x0], $0xffff;
	v62 =	vadd.s32 v22, v56;
	[tilespmem:s1+$0x50] =	vst v43  }
0x140: {  	s13 =	sadd.s32 $0x80, s13;
	[tilespmem:s1+$0x60] =	vst v51;
	v43 =	vld.idx.msk [tilespmem:v63+s6+$0x0], $0xffff;
	v63 =	vadd.s32 v23, v56  }
0x141: {  	s14 =	sor.u32 $0x400, s13;
	[tilespmem:s1+$0x70] =	vst v52;
	v51 =	vld.idx.msk [tilespmem:v57+s6+$0x0], $0xffff;
	v56 =	vadd.s32 v24, v56  }
0x142: {  	s16 =	sor.u32 $0x410, s13;
	[tilespmem:s14+$0xE000] =	vst v50;
	v58 =	vld.idx.msk [tilespmem:v60+s6+$0x0], $0xffff  }
0x143: {  	s20 =	sor.u32 $0x420, s13;
	s18 =	sadd.s32 $0xFFFFFF80, s15;
	[tilespmem:s16+$0xE000] =	vst v46;
	v59 =	vld.idx.msk [tilespmem:v61+s6+$0x0], $0xffff  }
0x144: {  	s21 =	sand.u32 $0x300, s18;
	s0 =	sor.u32 $0x430, s13;
	v60 =	vld.idx.msk [tilespmem:v62+s6+$0x0], $0xffff;
	[tilespmem:s20+$0xE000] =	vst v49  }
0x145: {  	s1 =	sor.u32 s21, s4;
	[tilespmem:s0+$0xE000] =	vst v42;
	v61 =	vld.idx.msk [tilespmem:v63+s6+$0x0], $0xffff  }
0x146: {  	v62 =	vld.idx.msk [tilespmem:v56+s6+$0x0], $0xffff;
	[tilespmem:s1+$0x0] =	vst v9  }
0x147: {  	[tilespmem:s1+$0x10] =	vst v44  }
0x148: {  	[tilespmem:s1+$0x20] =	vst v47  }
0x149: {  	s24 =	simm.s32 $0x3;
	[tilespmem:s1+$0x30] =	vst v48  }
0x14a: {  	s23 =	sshll.u32 s28, $0x8;
	v52 =	vmov s24;
	[tilespmem:s1+$0x40] =	vst v45  }
0x14b: {  	v54 =	vshll.u32 v52, $0x8;
	s0 =	sadd.s32 s11, s23;
	[tilespmem:s1+$0x50] =	vst v43;
	v44 =	vshll.u32 v52, $0x7  }
0x14c: {  	s0 =	sadd.s32 $0x100, s0;
	[tilespmem:s1+$0x60] =	vst v51;
	v47 =	vand.u32 $0x3800, v54;
	v44 =	vand.u32 $0x380, v44  }
0x14d: {  	s25 =	sor.u32 $0x400, s0;
	[tilespmem:s1+$0x70] =	vst v58;
	v44 =	vor.u32 v44, v47  }
0x14e: {  	s26 =	sor.u32 $0x410, s0;
	[tilespmem:s25+$0xE000] =	vst v59;
	v57 =	vadd.s32 v30, v44  }
0x14f: {  	s31 =	smul.u32 $0x700, s5;
	v10 =	vmov v0;
	s4 =	simm.s32 $0x0;
	s28 =	sor.u32 $0x420, s0;
	v0 =	vld [tilespmem:$0x1FF40];
	[tilespmem:s26+$0xE000] =	vst v60;
	v47 =	vadd.s32 v31, v44  }
0x150: {  	s14 =	rddreg [dreg:$0x2];
	s0 =	sor.u32 $0x430, s0;
	v9 =	vmov s4;
	v58 =	vadd.s32 v32, v44;
	[tilespmem:s28+$0xE000] =	vst v61  }
0x151: {  	s2 =	simm.s32 $0xE000;
	s1 =	sadd.s32 s14, s31;
	v63 =	vshll.u32 v9, $0x8;
	v9 =	vshll.u32 v9, $0x7;
	v59 =	vadd.s32 v33, v44;
	v27 =	vld [tilespmem:$0x1FF50];
	[tilespmem:s0+$0xE000] =	vst v62  }
0x152: {  	v48 =	vand.u32 $0x3800, v63;
	v9 =	vand.u32 $0x200, v9;
	v60 =	vadd.s32 v34, v44;
	[hbm4b:s1+s4] =	stream.linear.scatter [tilespmem:s2], [sflag:$0x3], $0x3800, $0x38;
	[tilespmem:$0x1C000] =	vst v63  }
0x153: {  	v9 =	vor.u32 v9, v48;
	v63 =	vadd.s32 v37, v44;
	v52 =	vld.idx.msk [tilespmem:v57+s6+$0x0], $0xffff  }
0x154: {  	v42 =	vadd.s32 v40, v44;
	v43 =	vadd.s32 v1, v9;
	v47 =	vld.idx.msk [tilespmem:v47+s6+$0x0], $0xffff  }
0x155: {  	v55 =	vor.u32 v28, v43;
	v49 =	vld.idx.msk [tilespmem:v58+s6+$0x0], $0xffff  }
0x156: {  	v50 =	vld.idx.msk [tilespmem:v59+s6+$0x0], $0xffff;
	v56 =	vor.u32 v27, v43  }
0x157: {  	v61 =	vadd.s32 v35, v44;
	v51 =	vld.idx.msk [tilespmem:v60+s6+$0x0], $0xffff  }
0x158: {  	v53 =	vor.u32 v0, v43;
	v54 =	vld.idx.msk [tilespmem:v63+s6+$0x0], $0xffff  }
0x159: {  	v62 =	vadd.s32 v36, v44;
	v42 =	vld.idx.msk [tilespmem:v42+s6+$0x0], $0xffff  }
0x15a: {  	v46 =	vld.idx.msk [tilespmem:v55+s6+$0x0], $0xffff;
	v55 =	vadd.s32 v38, v44  }
0x15b: {  	v48 =	vld.idx.msk [tilespmem:v56+s6+$0x0], $0xffff;
	v56 =	vadd.s32 v39, v44  }
0x15c: {  	v11 =	vmov v2;
	v9 =	vadd.s32 v25, v9;
	v58 =	vadd.s32 v41, v44;
	v57 =	vld.idx.msk [tilespmem:v61+s6+$0x0], $0xffff  }
0x15d: {  	v2 =	vmovc v10;
	v59 =	vor.u32 v12, v43;
	v60 =	vor.u32 v10, v9;
	v10 =	vmov v3;
	v45 =	vld.idx.msk [tilespmem:v53+s6+$0x0], $0xffff  }
0x15e: {  	s5 =	simm.s32 $0x180;
	s3 =	sand.u32 $0x3800, s4;
	v53 =	vld.idx.msk [tilespmem:v62+s6+$0x0], $0xffff  }
0x15f: {  	s10 =	sand.u32 $0x380, s5;
	s7 =	sadd.s32 $0x11800, s3;
	v3 =	vmov v11;
	v44 =	vld.idx.msk [tilespmem:v55+s6+$0x0], $0xffff;
	v55 =	vor.u32 v11, v9;
	v11 =	vmov v4  }
0x160: {  	s12 =	sor.u32 s10, s7;
	s11 =	simm.s32 $0x1;
	v4 =	vmov v10;
	v43 =	vld.idx.msk [tilespmem:v56+s6+$0x0], $0xffff;
	v56 =	vor.u32 v10, v9;
	v10 =	vmov v5  }
0x161: {  	v62 =	vmov s11;
	v58 =	vld.idx.msk [tilespmem:v58+s6+$0x0], $0xffff;
	v61 =	vor.u32 v11, v9;
	[tilespmem:s12+$0x0] =	vst v52  }
0x162: {  	v63 =	vshll.u32 v62, $0x8;
	v5 =	vmovc v11;
	v52 =	vld.idx.msk [tilespmem:v59+s6+$0x0], $0xffff;
	v11 =	vmov v6;
	[tilespmem:s12+$0x10] =	vst v47;
	v59 =	vor.u32 v10, v9  }
0x163: {  	v62 =	vshll.u32 v62, $0x7;
	v47 =	vld.idx.msk [tilespmem:v60+s6+$0x0], $0xffff;
	[tilespmem:s12+$0x20] =	vst v49;
	v6 =	vmovc v10;
	v60 =	vor.u32 v11, v9;
	v10 =	vmov v7  }
0x164: {  	v13 =	vmovc v8;
	v63 =	vand.u32 $0x3800, v63;
	v62 =	vand.u32 $0x280, v62;
	v49 =	vld.idx.msk [tilespmem:v55+s6+$0x0], $0xffff;
	[tilespmem:s12+$0x30] =	vst v50;
	v55 =	vor.u32 v10, v9  }
0x165: {  	[tilespmem:s12+$0x40] =	vst v51;
	v9 =	vor.u32 v13, v9;
	v50 =	vld.idx.msk [tilespmem:v56+s6+$0x0], $0xffff;
	v56 =	vor.u32 v62, v63  }
0x166: {  	[tilespmem:s12+$0x50] =	vst v57;
	v51 =	vld.idx.msk [tilespmem:v61+s6+$0x0], $0xffff;
	v61 =	vadd.s32 v30, v56  }
0x167: {  	s13 =	simm.s32 $0x0;
	s15 =	sadd.s32 $0x11C00, s3;
	[tilespmem:s12+$0x60] =	vst v53;
	v57 =	vld.idx.msk [tilespmem:v59+s6+$0x0], $0xffff;
	v59 =	vadd.s32 v31, v56  }
0x168: {  	s18 =	sand.u32 $0x200, s13;
	s8 =	sor.u32 s10, s15;
	[tilespmem:s12+$0x70] =	vst v54;
	v53 =	vld.idx.msk [tilespmem:v60+s6+$0x0], $0xffff;
	v60 =	vadd.s32 v32, v56  }
0x169: {  	s20 =	sor.u32 s18, s7;
	[tilespmem:s8+$0x30] =	vst v58;
	v58 =	vadd.s32 v34, v56;
	v54 =	vld.idx.msk [tilespmem:v55+s6+$0x0], $0xffff  }
0x16a: {  	v55 =	vadd.s32 v33, v56;
	v9 =	vld.idx.msk [tilespmem:v9+s6+$0x0], $0xffff;
	[tilespmem:s20+$0x0] =	vst v45  }
0x16b: {  	[tilespmem:s20+$0x10] =	vst v46;
	v45 =	vld.idx.msk [tilespmem:v61+s6+$0x0], $0xffff;
	v61 =	vadd.s32 v35, v56  }
0x16c: {  	[tilespmem:s20+$0x20] =	vst v48;
	v46 =	vld.idx.msk [tilespmem:v59+s6+$0x0], $0xffff;
	v59 =	vadd.s32 v36, v56  }
0x16d: {  	s21 =	simm.s32 $0x2;
	[tilespmem:s20+$0x30] =	vst v52;
	v48 =	vld.idx.msk [tilespmem:v60+s6+$0x0], $0xffff;
	v60 =	vadd.s32 v37, v56  }
0x16e: {  	v62 =	vmov s21;
	[tilespmem:s20+$0x40] =	vst v47;
	v47 =	vld.idx.msk [tilespmem:v58+s6+$0x0], $0xffff;
	v58 =	vadd.s32 v39, v56  }
0x16f: {  	v63 =	vshll.u32 v62, $0x8;
	v62 =	vshll.u32 v62, $0x7;
	[tilespmem:s20+$0x50] =	vst v49;
	v52 =	vld.idx.msk [tilespmem:v55+s6+$0x0], $0xffff;
	v55 =	vadd.s32 v38, v56  }
0x170: {  	v63 =	vand.u32 $0x3800, v63;
	v62 =	vand.u32 $0x300, v62;
	[tilespmem:s20+$0x70] =	vst v51;
	v49 =	vld.idx.msk [tilespmem:v61+s6+$0x0], $0xffff;
	v61 =	vadd.s32 v40, v56  }
0x171: {  	s0 =	sor.u32 s18, s15;
	[tilespmem:s20+$0x60] =	vst v50;
	v50 =	vld.idx.msk [tilespmem:v59+s6+$0x0], $0xffff;
	v56 =	vadd.s32 v41, v56;
	v59 =	vor.u32 v62, v63  }
0x172: {  	[tilespmem:s0+$0x0] =	vst v57;
	v51 =	vld.idx.msk [tilespmem:v60+s6+$0x0], $0xffff;
	v60 =	vadd.s32 v30, v59  }
0x173: {  	s23 =	simm.s32 $0x80;
	[tilespmem:s0+$0x10] =	vst v53;
	v53 =	vld.idx.msk [tilespmem:v58+s6+$0x0], $0xffff;
	v57 =	vadd.s32 v31, v59  }
0x174: {  	s1 =	sand.u32 $0x280, s23;
	[tilespmem:s0+$0x20] =	vst v54;
	v58 =	vadd.s32 v32, v59;
	v55 =	vld.idx.msk [tilespmem:v55+s6+$0x0], $0xffff  }
0x175: {  	s24 =	sor.u32 s1, s7;
	[tilespmem:s0+$0x30] =	vst v9;
	v54 =	vadd.s32 v33, v59;
	v61 =	vld.idx.msk [tilespmem:v61+s6+$0x0], $0xffff  }
0x176: {  	v8 =	vmov v10;
	v10 =	vld.idx.msk [tilespmem:v56+s6+$0x0], $0xffff;
	v56 =	vadd.s32 v34, v59;
	[tilespmem:s24+$0x0] =	vst v45  }
0x177: {  	[tilespmem:s24+$0x10] =	vst v46;
	v45 =	vld.idx.msk [tilespmem:v60+s6+$0x0], $0xffff;
	v60 =	vadd.s32 v35, v59  }
0x178: {  	s16 =	simm.s32 $0x4;
	[tilespmem:s24+$0x20] =	vst v48;
	v46 =	vld.idx.msk [tilespmem:v57+s6+$0x0], $0xffff;
	v57 =	vadd.s32 v36, v59  }
0x179: {  	v48 =	vmov s16;
	[tilespmem:s24+$0x30] =	vst v52;
	v9 =	vld.idx.msk [tilespmem:v58+s6+$0x0], $0xffff;
	v58 =	vadd.s32 v37, v59  }
0x17a: {  	[tilespmem:s24+$0x40] =	vst v47;
	v52 =	vld.idx.msk [tilespmem:v54+s6+$0x0], $0xffff;
	v54 =	vadd.s32 v38, v59;
	v63 =	vshll.u32 v48, $0x8;
	v48 =	vshll.u32 v48, $0x7  }
0x17b: {  	v7 =	vmovc v11;
	v47 =	vadd.s32 v39, v59;
	[tilespmem:s24+$0x50] =	vst v49;
	v48 =	vand.u32 $0x200, v48;
	v62 =	vld.idx.msk [tilespmem:v56+s6+$0x0], $0xffff;
	v56 =	vand.u32 $0x3800, v63  }
0x17c: {  	s25 =	simm.s32 $0x7;
	v11 =	vmov v1;
	[tilespmem:s24+$0x60] =	vst v50;
	v63 =	vadd.s32 v40, v59;
	v60 =	vld.idx.msk [tilespmem:v60+s6+$0x0], $0xffff;
	v48 =	vor.u32 v48, v56  }
0x17d: {  	s1 =	sor.u32 s1, s15;
	[tilespmem:s24+$0x70] =	vst v51;
	v50 =	vld.idx.msk [tilespmem:v57+s6+$0x0], $0xffff;
	v57 =	vadd.s32 v41, v59;
	v56 =	vmov s25;
	v49 =	vadd.s32 v11, v48  }
0x17e: {  	[tilespmem:s1+$0x10] =	vst v53;
	v59 =	vld.idx.msk [tilespmem:v58+s6+$0x0], $0xffff;
	v58 =	vshll.u32 v56, $0x8;
	v56 =	vshll.u32 v56, $0x7;
	v51 =	vor.u32 v0, v49  }
0x17f: {  	s26 =	simm.s32 $0x100;
	[tilespmem:s1+$0x0] =	vst v55;
	v55 =	vld.idx.msk [tilespmem:v54+s6+$0x0], $0xffff;
	v53 =	vor.u32 v28, v49;
	v54 =	vand.u32 $0x3800, v58;
	v58 =	vand.u32 $0x380, v56  }
0x180: {  	s0 =	sand.u32 $0x300, s26;
	[tilespmem:s1+$0x20] =	vst v61;
	v56 =	vld.idx.msk [tilespmem:v47+s6+$0x0], $0xffff;
	v47 =	vor.u32 v27, v49;
	v54 =	vor.u32 v58, v54  }
0x181: {  	s28 =	sor.u32 s0, s7;
	[tilespmem:s1+$0x30] =	vst v10;
	v58 =	vld.idx.msk [tilespmem:v63+s6+$0x0], $0xffff;
	v61 =	vadd.s32 v30, v54  }
0x182: {  	v63 =	vadd.s32 v31, v54;
	v57 =	vld.idx.msk [tilespmem:v57+s6+$0x0], $0xffff;
	[tilespmem:s28+$0x0] =	vst v45  }
0x183: {  	[tilespmem:s28+$0x20] =	vst v9;
	v9 =	vadd.s32 v33, v54;
	v45 =	vld.idx.msk [tilespmem:v51+s6+$0x0], $0xffff  }
0x184: {  	[tilespmem:s28+$0x10] =	vst v46;
	v51 =	vadd.s32 v32, v54;
	v46 =	vld.idx.msk [tilespmem:v53+s6+$0x0], $0xffff  }
0x185: {  	[tilespmem:s28+$0x30] =	vst v52;
	v47 =	vld.idx.msk [tilespmem:v47+s6+$0x0], $0xffff  }
0x186: {  	[tilespmem:s28+$0x40] =	vst v62;
	v53 =	vld.idx.msk [tilespmem:v61+s6+$0x0], $0xffff  }
0x187: {  	v29 =	vmovc v28;
	v26 =	vmov v25;
	v1 =	vmov v13;
	v62 =	vadd.s32 v34, v54;
	[tilespmem:s28+$0x50] =	vst v60;
	v52 =	vld.idx.msk [tilespmem:v63+s6+$0x0], $0xffff  }
0x188: {  	v13 =	vmov v11;
	[tilespmem:s28+$0x60] =	vst v50;
	v60 =	vadd.s32 v37, v54;
	v63 =	vadd.s32 v35, v54;
	v50 =	vld.idx.msk [tilespmem:v9+s6+$0x0], $0xffff  }
0x189: {  	s9 =	simm.s32 $0x8;
	s10 =	sor.u32 s0, s15;
	v28 =	vmov v12;
	[tilespmem:s28+$0x70] =	vst v59;
	v59 =	vadd.s32 v38, v54;
	v61 =	vadd.s32 v36, v54;
	v51 =	vld.idx.msk [tilespmem:v51+s6+$0x0], $0xffff  }
.LBB2_5:
0x18a: {  	_ = 	snop  }
0x18b: {  	[tilespmem:s10+$0x0] =	vst v55  }
0x18c: {  	v9 =	vld.idx.msk [tilespmem:v62+s6+$0x0], $0xffff;
	v62 =	vadd.s32 v39, v54;
	[tilespmem:s10+$0x10] =	vst v56  }
0x18d: {  	v55 =	vld.idx.msk [tilespmem:v63+s6+$0x0], $0xffff;
	v63 =	vadd.s32 v40, v54;
	[tilespmem:s10+$0x20] =	vst v58  }
0x18e: {  	v56 =	vld.idx.msk [tilespmem:v61+s6+$0x0], $0xffff;
	v54 =	vadd.s32 v41, v54;
	[tilespmem:s10+$0x30] =	vst v57  }
0x18f: {  	v49 =	vor.u32 v28, v49;
	v48 =	vadd.s32 v26, v48;
	s4 =	sadd.s32 $0x400, s4;
	v58 =	vld.idx.msk [tilespmem:v60+s6+$0x0], $0xffff;
	[tilespmem:s8+$0x0] =	vst v44  }
0x190: {  	s5 =	sadd.s32 $0x200, s5;
	s1 =	sand.u32 $0x3800, s4;
	v57 =	vor.u32 v2, v48;
	v44 =	vld.idx.msk [tilespmem:v59+s6+$0x0], $0xffff;
	[tilespmem:s8+$0x10] =	vst v43  }
0x191: {  	s7 =	sand.u32 $0x380, s5;
	s3 =	sadd.s32 $0x11800, s1;
	v59 =	vor.u32 v3, v48;
	v43 =	vld.idx.msk [tilespmem:v62+s6+$0x0], $0xffff;
	[tilespmem:s8+$0x20] =	vst v42  }
0x192: {  	v61 =	vor.u32 v5, v48;
	s12 =	sor.u32 s7, s3;
	v42 =	vld.idx.msk [tilespmem:v63+s6+$0x0], $0xffff  }
0x193: {  	v60 =	vor.u32 v4, v48;
	v54 =	vld.idx.msk [tilespmem:v54+s6+$0x0], $0xffff;
	[tilespmem:s12+$0x0] =	vst v53  }
0x194: {  	v49 =	vld.idx.msk [tilespmem:v49+s6+$0x0], $0xffff;
	v53 =	vor.u32 v6, v48;
	[tilespmem:s12+$0x10] =	vst v52  }
0x195: {  	s2 =	sadd.s32 $0x1, s16;
	[tilespmem:s12+$0x20] =	vst v51;
	v52 =	vld.idx.msk [tilespmem:v57+s6+$0x0], $0xffff;
	v57 =	vor.u32 v7, v48  }
0x196: {  	v62 =	vmov s2;
	[tilespmem:s12+$0x30] =	vst v50;
	v51 =	vld.idx.msk [tilespmem:v59+s6+$0x0], $0xffff;
	v59 =	vor.u32 v8, v48  }
0x197: {  	v63 =	vshll.u32 v62, $0x8;
	v62 =	vshll.u32 v62, $0x7;
	[tilespmem:s12+$0x40] =	vst v9;
	v9 =	vld.idx.msk [tilespmem:v61+s6+$0x0], $0xffff;
	v48 =	vor.u32 v1, v48  }
0x198: {  	[tilespmem:s12+$0x50] =	vst v55;
	v63 =	vand.u32 $0x3800, v63;
	v62 =	vand.u32 $0x280, v62;
	v50 =	vld.idx.msk [tilespmem:v60+s6+$0x0], $0xffff  }
0x199: {  	s0 =	sadd.s32 $0xFFFFFE80, s5;
	s25 =	sadd.s32 $0x11C00, s1;
	[tilespmem:s12+$0x60] =	vst v56;
	v60 =	vor.u32 v62, v63;
	v53 =	vld.idx.msk [tilespmem:v53+s6+$0x0], $0xffff  }
0x19a: {  	s24 =	sand.u32 $0x200, s0;
	s8 =	sor.u32 s7, s25;
	[tilespmem:s12+$0x70] =	vst v58;
	v61 =	vadd.s32 v30, v60;
	v56 =	vld.idx.msk [tilespmem:v57+s6+$0x0], $0xffff  }
0x19b: {  	s0 =	sor.u32 s24, s3;
	v55 =	vadd.s32 v31, v60;
	[tilespmem:s8+$0x30] =	vst v54;
	v58 =	vld.idx.msk [tilespmem:v59+s6+$0x0], $0xffff  }
0x19c: {  	v63 =	vadd.s32 v32, v60;
	v48 =	vld.idx.msk [tilespmem:v48+s6+$0x0], $0xffff;
	[tilespmem:s0+$0x0] =	vst v45  }
0x19d: {  	v62 =	vadd.s32 v33, v60;
	[tilespmem:s0+$0x10] =	vst v46  }
0x19e: {  	v54 =	vadd.s32 v35, v60;
	[tilespmem:s0+$0x20] =	vst v47  }
0x19f: {  	v57 =	vadd.s32 v37, v60;
	v46 =	vld.idx.msk [tilespmem:v61+s6+$0x0], $0xffff;
	[tilespmem:s0+$0x30] =	vst v49  }
0x1a0: {  	v47 =	vld.idx.msk [tilespmem:v55+s6+$0x0], $0xffff;
	v55 =	vadd.s32 v36, v60;
	[tilespmem:s0+$0x40] =	vst v52  }
0x1a1: {  	v45 =	vadd.s32 v34, v60;
	v49 =	vld.idx.msk [tilespmem:v63+s6+$0x0], $0xffff;
	[tilespmem:s0+$0x50] =	vst v51  }
0x1a2: {  	s26 =	sadd.s32 $0x2, s16;
	v52 =	vld.idx.msk [tilespmem:v62+s6+$0x0], $0xffff;
	v59 =	vadd.s32 v38, v60;
	[tilespmem:s0+$0x60] =	vst v50  }
0x1a3: {  	s1 =	sor.u32 s24, s25;
	v61 =	vmov s26;
	v51 =	vadd.s32 v39, v60;
	[tilespmem:s0+$0x70] =	vst v9;
	v50 =	vld.idx.msk [tilespmem:v54+s6+$0x0], $0xffff  }
0x1a4: {  	v62 =	vshll.u32 v61, $0x8;
	v61 =	vshll.u32 v61, $0x7;
	v54 =	vadd.s32 v40, v60;
	[tilespmem:s1+$0x0] =	vst v53;
	v53 =	vld.idx.msk [tilespmem:v57+s6+$0x0], $0xffff  }
0x1a5: {  	v62 =	vand.u32 $0x3800, v62;
	v61 =	vand.u32 $0x300, v61;
	v9 =	vld.idx.msk [tilespmem:v55+s6+$0x0], $0xffff;
	v55 =	vadd.s32 v41, v60  }
0x1a6: {  	v45 =	vld.idx.msk [tilespmem:v45+s6+$0x0], $0xffff;
	v60 =	vor.u32 v61, v62  }
0x1a7: {  	s23 =	sadd.s32 $0xFFFFFF00, s5;
	[tilespmem:s1+$0x10] =	vst v56;
	v56 =	vld.idx.msk [tilespmem:v59+s6+$0x0], $0xffff;
	v57 =	vadd.s32 v30, v60  }
0x1a8: {  	s10 =	sand.u32 $0x280, s23;
	[tilespmem:s1+$0x20] =	vst v58;
	v51 =	vld.idx.msk [tilespmem:v51+s6+$0x0], $0xffff;
	v59 =	vadd.s32 v31, v60  }
0x1a9: {  	s15 =	sor.u32 s10, s3;
	[tilespmem:s1+$0x30] =	vst v48;
	v58 =	vadd.s32 v32, v60;
	v61 =	vld.idx.msk [tilespmem:v54+s6+$0x0], $0xffff  }
0x1aa: {  	v48 =	vadd.s32 v33, v60;
	v62 =	vld.idx.msk [tilespmem:v55+s6+$0x0], $0xffff;
	[tilespmem:s15+$0x0] =	vst v46  }
0x1ab: {  	v54 =	vadd.s32 v35, v60;
	[tilespmem:s15+$0x10] =	vst v47  }
0x1ac: {  	v46 =	vadd.s32 v34, v60;
	[tilespmem:s15+$0x20] =	vst v49;
	v47 =	vld.idx.msk [tilespmem:v57+s6+$0x0], $0xffff  }
0x1ad: {  	v55 =	vadd.s32 v36, v60;
	[tilespmem:s15+$0x30] =	vst v52;
	v59 =	vld.idx.msk [tilespmem:v59+s6+$0x0], $0xffff  }
0x1ae: {  	v63 =	vmov s9;
	[tilespmem:s15+$0x40] =	vst v45;
	v52 =	vld.idx.msk [tilespmem:v58+s6+$0x0], $0xffff  }
0x1af: {  	v49 =	vshll.u32 v63, $0x7;
	[tilespmem:s15+$0x50] =	vst v50;
	v57 =	vadd.s32 v37, v60;
	v58 =	vshll.u32 v63, $0x8;
	v63 =	vld.idx.msk [tilespmem:v48+s6+$0x0], $0xffff  }
0x1b0: {  	v45 =	vadd.s32 v38, v60;
	[tilespmem:s15+$0x60] =	vst v9;
	v49 =	vand.u32 $0x200, v49;
	v58 =	vand.u32 $0x3800, v58;
	v9 =	vld.idx.msk [tilespmem:v54+s6+$0x0], $0xffff  }
0x1b1: {  	[tilespmem:s15+$0x70] =	vst v53;
	v53 =	vadd.s32 v41, v60;
	v48 =	vor.u32 v49, v58;
	v50 =	vld.idx.msk [tilespmem:v46+s6+$0x0], $0xffff  }
0x1b2: {  	s28 =	sadd.s32 $0x3, s9;
	v58 =	vadd.s32 v40, v60;
	v49 =	vadd.s32 v13, v48;
	v10 =	vld.idx.msk [tilespmem:v55+s6+$0x0], $0xffff  }
0x1b3: {  	s18 =	sor.u32 s10, s25;
	v54 =	vmov s28;
	v46 =	vadd.s32 v39, v60;
	v60 =	vor.u32 v0, v49;
	v0 =	vld [tilespmem:$0x1FF40]  }
0x1b4: {  	[tilespmem:s18+$0x0] =	vst v56;
	v55 =	vshll.u32 v54, $0x8;
	v54 =	vshll.u32 v54, $0x7;
	v11 =	vld.idx.msk [tilespmem:v57+s6+$0x0], $0xffff  }
0x1b5: {  	s11 =	sadd.s32 $0xFFFFFF80, s5;
	[tilespmem:s18+$0x10] =	vst v51;
	v12 =	vor.u32 v29, v49;
	v56 =	vand.u32 $0x3800, v55;
	v54 =	vand.u32 $0x380, v54;
	v55 =	vld.idx.msk [tilespmem:v45+s6+$0x0], $0xffff  }
0x1b6: {  	s13 =	sand.u32 $0x300, s11;
	[tilespmem:s18+$0x20] =	vst v61;
	v51 =	vor.u32 v27, v49;
	v57 =	vld.idx.msk [tilespmem:v53+s6+$0x0], $0xffff;
	v54 =	vor.u32 v54, v56  }
0x1b7: {  	s11 =	sor.u32 s13, s3;
	[tilespmem:s18+$0x30] =	vst v62;
	v61 =	vadd.s32 v30, v54;
	v58 =	vld.idx.msk [tilespmem:v58+s6+$0x0], $0xffff  }
0x1b8: {  	v25 =	vadd.s32 v31, v54;
	v56 =	vld.idx.msk [tilespmem:v46+s6+$0x0], $0xffff;
	[tilespmem:s11+$0x0] =	vst v47  }
0x1b9: {  	v45 =	vld.idx.msk [tilespmem:v60+s6+$0x0], $0xffff;
	v60 =	vadd.s32 v32, v54;
	[tilespmem:s11+$0x10] =	vst v59  }
0x1ba: {  	p1 =	slt.u32 s9, $0x34;
	v46 =	vld.idx.msk [tilespmem:v12+s6+$0x0], $0xffff;
	v12 =	vadd.s32 v33, v54;
	[tilespmem:s11+$0x20] =	vst v52  }
.Ltmp3:
0x1bb: {  	v47 =	vld.idx.msk [tilespmem:v51+s6+$0x0], $0xffff;
	[tilespmem:s11+$0x30] =	vst v63;
	(pc) =	sbr.rel @p1 .LBB2_5-.Ltmp3, $4  }
0x1bc: {  	[tilespmem:s11+$0x40] =	vst v50;
	v53 =	vld.idx.msk [tilespmem:v61+s6+$0x0], $0xffff  }
0x1bd: {  	v62 =	vadd.s32 v34, v54;
	[tilespmem:s11+$0x50] =	vst v9;
	v52 =	vld.idx.msk [tilespmem:v25+s6+$0x0], $0xffff  }
0x1be: {  	v63 =	vadd.s32 v35, v54;
	[tilespmem:s11+$0x60] =	vst v10;
	v59 =	vadd.s32 v38, v54;
	v51 =	vld.idx.msk [tilespmem:v60+s6+$0x0], $0xffff  }
0x1bf: {  	s16 =	smov.u32 s9;
	s10 =	sor.u32 s13, s25;
	s9 =	sadd.s32 $0x4, s9;
	[tilespmem:s11+$0x70] =	vst v11;
	v61 =	vadd.s32 v36, v54;
	v60 =	vadd.s32 v37, v54;
	v50 =	vld.idx.msk [tilespmem:v12+s6+$0x0], $0xffff  }
0x1c0: {  	_ =	sdelay $0x3  }
0x1c1: {  	v9 =	vld.idx.msk [tilespmem:v62+s6+$0x0], $0xffff;
	v10 =	vadd.s32 v39, v54;
	[tilespmem:s10+$0x0] =	vst v55  }
0x1c2: {  	v11 =	vld.idx.msk [tilespmem:v63+s6+$0x0], $0xffff;
	v12 =	vadd.s32 v40, v54;
	[tilespmem:s10+$0x10] =	vst v56  }
0x1c3: {  	v25 =	vld.idx.msk [tilespmem:v61+s6+$0x0], $0xffff;
	v62 =	vadd.s32 v41, v54;
	[tilespmem:s10+$0x20] =	vst v58  }
0x1c4: {  	v56 =	vld.idx.msk [tilespmem:v60+s6+$0x0], $0xffff;
	[tilespmem:s10+$0x30] =	vst v57;
	s0 =	sadd.s32 $0x400, s4  }
0x1c5: {  	v55 =	vadd.s32 v26, v48;
	v48 =	vld.idx.msk [tilespmem:v59+s6+$0x0], $0xffff;
	[tilespmem:s8+$0x0] =	vst v44;
	s5 =	sadd.s32 $0x200, s5;
	s0 =	sand.u32 $0x3800, s0  }
0x1c6: {  	v49 =	vor.u32 v28, v49;
	[tilespmem:s8+$0x10] =	vst v43;
	s1 =	sand.u32 $0x380, s5;
	s10 =	sadd.s32 $0x11800, s0;
	v44 =	vld.idx.msk [tilespmem:v10+s6+$0x0], $0xffff  }
0x1c7: {  	[tilespmem:s8+$0x20] =	vst v42;
	v63 =	vor.u32 v2, v55;
	s3 =	sor.u32 s1, s10;
	v43 =	vld.idx.msk [tilespmem:v12+s6+$0x0], $0xffff  }
0x1c8: {  	v60 =	vor.u32 v3, v55;
	v42 =	vld.idx.msk [tilespmem:v62+s6+$0x0], $0xffff;
	[tilespmem:s3+$0x0] =	vst v53  }
0x1c9: {  	v57 =	vor.u32 v7, v55;
	[tilespmem:s3+$0x10] =	vst v52  }
0x1ca: {  	s2 =	sadd.s32 $0x1, s16;
	v10 =	vor.u32 v4, v55;
	[tilespmem:s3+$0x20] =	vst v51  }
0x1cb: {  	v61 =	vmov s2;
	v12 =	vor.u32 v5, v55;
	v49 =	vld.idx.msk [tilespmem:v49+s6+$0x0], $0xffff;
	[tilespmem:s3+$0x30] =	vst v50  }
0x1cc: {  	v54 =	vshll.u32 v61, $0x7;
	v53 =	vor.u32 v6, v55;
	v62 =	vshll.u32 v61, $0x8;
	[tilespmem:s3+$0x40] =	vst v9;
	v52 =	vld.idx.msk [tilespmem:v63+s6+$0x0], $0xffff  }
0x1cd: {  	v54 =	vand.u32 $0x280, v54;
	[tilespmem:s3+$0x50] =	vst v11;
	v51 =	vld.idx.msk [tilespmem:v60+s6+$0x0], $0xffff;
	v63 =	vor.u32 v8, v55;
	v59 =	vand.u32 $0x3800, v62  }
0x1ce: {  	s9 =	sadd.s32 $0x11C00, s0;
	[tilespmem:s3+$0x60] =	vst v25;
	v60 =	vor.u32 v1, v55;
	v25 =	vld.idx.msk [tilespmem:v57+s6+$0x0], $0xffff;
	v54 =	vor.u32 v54, v59  }
0x1cf: {  	s13 =	sor.u32 s1, s9;
	[tilespmem:s3+$0x70] =	vst v56;
	v61 =	vadd.s32 v31, v54;
	v10 =	vld.idx.msk [tilespmem:v10+s6+$0x0], $0xffff  }
0x1d0: {  	s11 =	sadd.s32 $0xFFFFFE80, s5;
	[tilespmem:s13+$0x0] =	vst v48;
	v55 =	vadd.s32 v32, v54;
	v9 =	vld.idx.msk [tilespmem:v12+s6+$0x0], $0xffff  }
0x1d1: {  	s12 =	sand.u32 $0x200, s11;
	v62 =	vadd.s32 v33, v54;
	v11 =	vld.idx.msk [tilespmem:v53+s6+$0x0], $0xffff;
	[tilespmem:s13+$0x30] =	vst v42  }
0x1d2: {  	s15 =	sor.u32 s12, s10;
	v12 =	vadd.s32 v30, v54;
	[tilespmem:s13+$0x10] =	vst v44;
	v56 =	vld.idx.msk [tilespmem:v63+s6+$0x0], $0xffff  }
0x1d3: {  	v42 =	vld.idx.msk [tilespmem:v60+s6+$0x0], $0xffff;
	v63 =	vadd.s32 v34, v54;
	[tilespmem:s15+$0x0] =	vst v45  }
0x1d4: {  	v60 =	vadd.s32 v35, v54;
	[tilespmem:s15+$0x10] =	vst v46;
	v46 =	vld.idx.msk [tilespmem:v61+s6+$0x0], $0xffff  }
0x1d5: {  	[tilespmem:s15+$0x20] =	vst v47;
	v61 =	vadd.s32 v36, v54;
	v47 =	vld.idx.msk [tilespmem:v55+s6+$0x0], $0xffff  }
0x1d6: {  	s16 =	sadd.s32 $0x2, s16;
	v57 =	vadd.s32 v38, v54;
	[tilespmem:s15+$0x30] =	vst v49;
	v49 =	vld.idx.msk [tilespmem:v62+s6+$0x0], $0xffff  }
0x1d7: {  	[tilespmem:s15+$0x40] =	vst v52;
	v52 =	vadd.s32 v39, v54;
	v62 =	vmov s16;
	v12 =	vld.idx.msk [tilespmem:v12+s6+$0x0], $0xffff  }
0x1d8: {  	[tilespmem:s15+$0x50] =	vst v51;
	v55 =	vadd.s32 v37, v54;
	v58 =	vshll.u32 v62, $0x7;
	v50 =	vld.idx.msk [tilespmem:v63+s6+$0x0], $0xffff;
	v63 =	vshll.u32 v62, $0x8  }
0x1d9: {  	v58 =	vand.u32 $0x300, v58;
	[tilespmem:s15+$0x60] =	vst v10;
	v45 =	vld.idx.msk [tilespmem:v60+s6+$0x0], $0xffff;
	v60 =	vadd.s32 v40, v54;
	v59 =	vand.u32 $0x3800, v63  }
0x1da: {  	s0 =	sor.u32 s12, s9;
	[tilespmem:s15+$0x70] =	vst v9;
	v10 =	vld.idx.msk [tilespmem:v61+s6+$0x0], $0xffff;
	v61 =	vadd.s32 v41, v54;
	v54 =	vor.u32 v58, v59  }
0x1db: {  	[tilespmem:s0+$0x0] =	vst v11;
	v11 =	vld.idx.msk [tilespmem:v57+s6+$0x0], $0xffff;
	v62 =	vadd.s32 v30, v54  }
0x1dc: {  	s18 =	sadd.s32 $0xFFFFFF00, s5;
	[tilespmem:s0+$0x10] =	vst v25;
	v25 =	vld.idx.msk [tilespmem:v52+s6+$0x0], $0xffff;
	v57 =	vadd.s32 v31, v54  }
0x1dd: {  	s1 =	sand.u32 $0x280, s18;
	[tilespmem:s0+$0x20] =	vst v56;
	v9 =	vld.idx.msk [tilespmem:v55+s6+$0x0], $0xffff;
	v63 =	vadd.s32 v32, v54  }
0x1de: {  	s20 =	sor.u32 s1, s10;
	[tilespmem:s0+$0x30] =	vst v42;
	v51 =	vld.idx.msk [tilespmem:v60+s6+$0x0], $0xffff;
	v60 =	vadd.s32 v33, v54  }
0x1df: {  	v42 =	vld.idx.msk [tilespmem:v61+s6+$0x0], $0xffff;
	v61 =	vadd.s32 v34, v54;
	[tilespmem:s20+$0x0] =	vst v12  }
0x1e0: {  	[tilespmem:s20+$0x10] =	vst v46;
	v12 =	vld.idx.msk [tilespmem:v62+s6+$0x0], $0xffff;
	v62 =	vadd.s32 v35, v54  }
0x1e1: {  	v52 =	vadd.s32 v37, v54;
	[tilespmem:s20+$0x20] =	vst v47;
	v46 =	vld.idx.msk [tilespmem:v57+s6+$0x0], $0xffff  }
0x1e2: {  	[tilespmem:s20+$0x30] =	vst v49;
	v57 =	vadd.s32 v36, v54;
	v47 =	vld.idx.msk [tilespmem:v63+s6+$0x0], $0xffff  }
0x1e3: {  	[tilespmem:s20+$0x40] =	vst v50;
	v63 =	vadd.s32 v38, v54;
	v49 =	vld.idx.msk [tilespmem:v60+s6+$0x0], $0xffff  }
0x1e4: {  	[tilespmem:s20+$0x50] =	vst v45;
	v60 =	vadd.s32 v39, v54;
	v59 =	vld.idx.msk [tilespmem:v61+s6+$0x0], $0xffff  }
0x1e5: {  	[tilespmem:s20+$0x60] =	vst v10;
	v61 =	vld.idx.msk [tilespmem:v62+s6+$0x0], $0xffff;
	v62 =	vadd.s32 v40, v54  }
0x1e6: {  	s21 =	sor.u32 s1, s9;
	[tilespmem:s20+$0x70] =	vst v9;
	v9 =	vld.idx.msk [tilespmem:v52+s6+$0x0], $0xffff;
	v54 =	vadd.s32 v41, v54  }
0x1e7: {  	[tilespmem:s21+$0x0] =	vst v11;
	v10 =	vld.idx.msk [tilespmem:v57+s6+$0x0], $0xffff  }
0x1e8: {  	s23 =	sadd.s32 $0xFFFFFF80, s5;
	[tilespmem:s21+$0x10] =	vst v25;
	v11 =	vld.idx.msk [tilespmem:v63+s6+$0x0], $0xffff  }
0x1e9: {  	s1 =	sand.u32 $0x300, s23;
	[tilespmem:s21+$0x20] =	vst v51;
	v25 =	vld.idx.msk [tilespmem:v60+s6+$0x0], $0xffff  }
0x1ea: {  	s24 =	sor.u32 s1, s10;
	[tilespmem:s21+$0x30] =	vst v42;
	v63 =	vld.idx.msk [tilespmem:v62+s6+$0x0], $0xffff  }
0x1eb: {  	v54 =	vld.idx.msk [tilespmem:v54+s6+$0x0], $0xffff;
	[tilespmem:s24+$0x0] =	vst v12  }
0x1ec: {  	[tilespmem:s24+$0x10] =	vst v46  }
0x1ed: {  	[tilespmem:s24+$0x20] =	vst v47  }
0x1ee: {  	[tilespmem:s24+$0x30] =	vst v49  }
0x1ef: {  	[tilespmem:s24+$0x40] =	vst v59  }
0x1f0: {  	[tilespmem:s24+$0x50] =	vst v61  }
0x1f1: {  	[tilespmem:s24+$0x60] =	vst v10  }
0x1f2: {  	s25 =	sor.u32 s1, s9;
	[tilespmem:s24+$0x70] =	vst v9  }
0x1f3: {  	[tilespmem:s25+$0x0] =	vst v11  }
0x1f4: {  	[tilespmem:s25+$0x10] =	vst v25  }
0x1f5: {  	[tilespmem:s25+$0x20] =	vst v63  }
0x1f6: {  	[tilespmem:s25+$0x30] =	vst v54  }
0x1f7: {  	p1 =	seq.s32 s29, $0x1B;
	s0 =	rddreg [dreg:$0xa]  }
0x1f8: {  	s28 =	simm.s32 $0x11800;
	s20 =	rddreg [dreg:$0x3];
	s0 =	sadd.s32 @!p1 s30, s0  }
0x1f9: {  	s1 =	rddreg [dreg:$0x0];
	s26 =	sadd.s32 s20, s31;
	[tilespmem:s13+$0x20] =	vst v43;
	s0 =	smul.u32 @!p1 $0x700, s0  }
0x1fa: {  	[hbm4b:s26+s6] =	stream.linear.scatter [tilespmem:s28], [sflag:$0x3], $0x3800, $0x38;
	[tilespmem:$0x1C000] =	vst v63  }
0x1fb: {  	s2 =	simm.s32 @!p1 $0x0;
	s1 =	sadd.s32 @!p1 s1, s0  }
0x1fc: {  	[tilespmem:s2], [sflag:$0x1] =	stream.linear.gather @!p1 [hbm4b:s1+s2], $0x3800, $0x38;
	[tilespmem:$0x1C000] =	vst v63  }
0x1fd: {  	s1 =	rddreg [dreg:$0x1]  }
0x1fe: {  	s0 =	sadd.s32 @!p1 s1, s0;
	s1 =	simm.s32 @!p1 $0x3800  }
0x1ff: {  	[tilespmem:s1], [sflag:$0x1] =	stream.linear.gather @!p1 [hbm4b:s0+s2], $0x3800, $0x38;
	[tilespmem:$0x1C000] =	vst v63  }
0x200: {  	_ =	swait.ge [sflag:s22], $0x3800  }
0x201: {  	s4 =	simm.s32 $0x0;
	[sflag:s22] =	ssyncset.done $0x0  }
0x202: {  	v9 =	vmov s4;
	[sflag:s22] =	ssyncadd.s32 $0xFFFFC800  }
0x203: {  	v10 =	vshll.u32 v9, $0x8;
	v9 =	vshll.u32 v9, $0x7;
	_ =	swait.ge [sflag:s22], $0x3800  }
0x204: {  	v10 =	vand.u32 $0x3800, v10;
	v9 =	vand.u32 $0x200, v9;
	s2 =	simm.s32 $0x3;
	[sflag:s22] =	ssyncset.done $0x0  }
0x205: {  	v9 =	vor.u32 v9, v10;
	s0 =	simm.s32 @!p0 $0x4;
	v10 =	vmov s2;
	[sflag:s22] =	ssyncadd.s32 $0xFFFFC800  }
0x206: {  	v28 =	vmovc v2;
	v9 =	vadd.s32 v13, v9;
	v12 =	vshll.u32 v10, $0x8;
	v10 =	vshll.u32 v10, $0x7;
	_ =	swait.ge @!p0 [sflag:s0], $0x3800  }
0x207: {  	v2 =	vmovc v3;
	v3 =	vmovc v4;
	v11 =	vor.u32 v28, v9;
	v12 =	vand.u32 $0x3800, v12;
	v10 =	vand.u32 $0x380, v10;
	[sflag:s0] =	ssyncset.done @!p0 $0x0  }
0x208: {  	v55 =	vor.u32 v3, v9;
	v10 =	vor.u32 v10, v12;
	[sflag:s0] =	ssyncadd.s32 @!p0 $0xFFFFC800  }
0x209: {  	v4 =	vmov v5;
	v5 =	vmov v6;
	v56 =	vadd.s32 v14, v10;
	_ =	swait.ge @!p0 [sflag:s0], $0x3800  }
0x20a: {  	v6 =	vmovc v7;
	v7 =	vmovc v8;
	v8 =	vmov v1;
	v1 =	vmov v13;
	v57 =	vadd.s32 v15, v10;
	[sflag:s0] =	ssyncset.done @!p0 $0x0;
	v13 =	vld [tilespmem:$0x1FFD0]  }
0x20b: {  	v58 =	vadd.s32 v16, v10;
	[sflag:s0] =	ssyncadd.s32 @!p0 $0xFFFFC800  }
0x20c: {  	v59 =	vadd.s32 v17, v10;
	v11 =	vld.idx.msk [tilespmem:v11+s17+$0x0], $0xffff  }
0x20d: {  	v60 =	vadd.s32 v18, v10;
	v46 =	vld.idx.msk [tilespmem:v55+s17+$0x0], $0xffff  }
0x20e: {  	v61 =	vadd.s32 v19, v10;
	v48 =	vld.idx.msk [tilespmem:v56+s17+$0x0], $0xffff  }
0x20f: {  	v49 =	vld.idx.msk [tilespmem:v57+s17+$0x0], $0xffff;
	v12 =	vadd.s32 v13, v10  }
0x210: {  	v62 =	vadd.s32 v20, v10;
	v45 =	vld.idx.msk [tilespmem:v58+s17+$0x0], $0xffff  }
0x211: {  	v63 =	vadd.s32 v21, v10;
	v51 =	vld.idx.msk [tilespmem:v59+s17+$0x0], $0xffff  }
0x212: {  	v42 =	vadd.s32 v22, v10;
	v47 =	vld.idx.msk [tilespmem:v60+s17+$0x0], $0xffff  }
0x213: {  	v60 =	vadd.s32 v23, v10;
	v53 =	vld.idx.msk [tilespmem:v61+s17+$0x0], $0xffff  }
0x214: {  	v10 =	vadd.s32 v24, v10;
	v12 =	vld.idx.msk [tilespmem:v12+s17+$0x0], $0xffff  }
0x215: {  	v55 =	vld.idx.msk [tilespmem:v62+s17+$0x0], $0xffff  }
0x216: {  	s5 =	simm.s32 $0x180;
	s3 =	sand.u32 $0x3800, s4;
	v44 =	vld.idx.msk [tilespmem:v63+s17+$0x0], $0xffff  }
0x217: {  	s10 =	sand.u32 $0x380, s5;
	s7 =	sadd.s32 $0x15000, s3;
	v43 =	vld.idx.msk [tilespmem:v42+s17+$0x0], $0xffff  }
0x218: {  	s12 =	sor.u32 s10, s7;
	v42 =	vld.idx.msk [tilespmem:v60+s17+$0x0], $0xffff  }
0x219: {  	v25 =	vor.u32 v2, v9;
	v10 =	vld.idx.msk [tilespmem:v10+s17+$0x0], $0xffff;
	[tilespmem:s12+$0x0] =	vst v12  }
0x21a: {  	v61 =	vor.u32 v4, v9;
	v0 =	vld [tilespmem:$0x1FF60];
	[tilespmem:s12+$0x10] =	vst v48  }
0x21b: {  	v62 =	vor.u32 v5, v9;
	v27 =	vld [tilespmem:$0x1FF70];
	[tilespmem:s12+$0x20] =	vst v49  }
0x21c: {  	v63 =	vor.u32 v6, v9;
	v26 =	vld [tilespmem:$0x1FF80];
	[tilespmem:s12+$0x30] =	vst v45  }
0x21d: {  	v57 =	vor.u32 v7, v9;
	v29 =	vld [tilespmem:$0x1FF90]  }
0x21e: {  	s11 =	simm.s32 $0x1;
	v25 =	vld.idx.msk [tilespmem:v25+s17+$0x0], $0xffff;
	v60 =	vor.u32 v8, v9  }
0x21f: {  	v12 =	vld.idx.msk [tilespmem:v61+s17+$0x0], $0xffff;
	v61 =	vmov s11;
	v54 =	vor.u32 v0, v9  }
0x220: {  	v48 =	vld.idx.msk [tilespmem:v62+s17+$0x0], $0xffff;
	v62 =	vshll.u32 v61, $0x8;
	v58 =	vshll.u32 v61, $0x7;
	v56 =	vor.u32 v27, v9  }
0x221: {  	v49 =	vld.idx.msk [tilespmem:v63+s17+$0x0], $0xffff;
	v59 =	vand.u32 $0x3800, v62;
	v58 =	vand.u32 $0x280, v58;
	[tilespmem:s12+$0x40] =	vst v51;
	v63 =	vor.u32 v26, v9  }
0x222: {  	v45 =	vld.idx.msk [tilespmem:v57+s17+$0x0], $0xffff;
	v57 =	vor.u32 v58, v59;
	[tilespmem:s12+$0x50] =	vst v47;
	v9 =	vor.u32 v29, v9  }
0x223: {  	s15 =	sadd.s32 $0x15400, s3;
	v51 =	vld.idx.msk [tilespmem:v60+s17+$0x0], $0xffff;
	v60 =	vadd.s32 v13, v57;
	[tilespmem:s12+$0x60] =	vst v53  }
0x224: {  	s8 =	sor.u32 s10, s15;
	s13 =	simm.s32 $0x0;
	v61 =	vadd.s32 v14, v57;
	[tilespmem:s12+$0x70] =	vst v55;
	v47 =	vld.idx.msk [tilespmem:v54+s17+$0x0], $0xffff  }
0x225: {  	s16 =	sand.u32 $0x200, s13;
	[tilespmem:s8+$0x30] =	vst v10;
	v10 =	vadd.s32 v17, v57;
	v53 =	vld.idx.msk [tilespmem:v56+s17+$0x0], $0xffff  }
0x226: {  	s18 =	sor.u32 s16, s7;
	v62 =	vadd.s32 v15, v57;
	v50 =	vld.idx.msk [tilespmem:v63+s17+$0x0], $0xffff  }
0x227: {  	v63 =	vadd.s32 v16, v57;
	v9 =	vld.idx.msk [tilespmem:v9+s17+$0x0], $0xffff;
	[tilespmem:s18+$0x0] =	vst v11  }
0x228: {  	v11 =	vld.idx.msk [tilespmem:v60+s17+$0x0], $0xffff;
	v60 =	vadd.s32 v18, v57;
	[tilespmem:s18+$0x10] =	vst v25  }
0x229: {  	v25 =	vld.idx.msk [tilespmem:v61+s17+$0x0], $0xffff;
	v61 =	vadd.s32 v19, v57;
	[tilespmem:s18+$0x20] =	vst v46  }
0x22a: {  	s21 =	simm.s32 $0x2;
	v10 =	vld.idx.msk [tilespmem:v10+s17+$0x0], $0xffff;
	v56 =	vadd.s32 v20, v57;
	[tilespmem:s18+$0x30] =	vst v12  }
0x22b: {  	v55 =	vadd.s32 v21, v57;
	v46 =	vld.idx.msk [tilespmem:v62+s17+$0x0], $0xffff;
	v62 =	vmov s21;
	[tilespmem:s18+$0x40] =	vst v48  }
0x22c: {  	v48 =	vadd.s32 v22, v57;
	[tilespmem:s18+$0x50] =	vst v49;
	v58 =	vshll.u32 v62, $0x7;
	v12 =	vld.idx.msk [tilespmem:v63+s17+$0x0], $0xffff;
	v63 =	vshll.u32 v62, $0x8  }
0x22d: {  	[tilespmem:s18+$0x60] =	vst v45;
	v58 =	vand.u32 $0x300, v58;
	v49 =	vld.idx.msk [tilespmem:v60+s17+$0x0], $0xffff;
	v60 =	vadd.s32 v23, v57;
	v59 =	vand.u32 $0x3800, v63  }
0x22e: {  	s0 =	sor.u32 s16, s15;
	[tilespmem:s18+$0x70] =	vst v51;
	v45 =	vld.idx.msk [tilespmem:v61+s17+$0x0], $0xffff;
	v61 =	vadd.s32 v24, v57;
	v57 =	vor.u32 v58, v59  }
0x22f: {  	[tilespmem:s0+$0x0] =	vst v47;
	v51 =	vld.idx.msk [tilespmem:v56+s17+$0x0], $0xffff;
	v56 =	vadd.s32 v13, v57  }
0x230: {  	s23 =	simm.s32 $0x80;
	v47 =	vld.idx.msk [tilespmem:v55+s17+$0x0], $0xffff;
	[tilespmem:s0+$0x10] =	vst v53;
	v62 =	vadd.s32 v14, v57  }
0x231: {  	s1 =	sand.u32 $0x280, s23;
	[tilespmem:s0+$0x20] =	vst v50;
	v48 =	vld.idx.msk [tilespmem:v48+s17+$0x0], $0xffff;
	v63 =	vadd.s32 v15, v57  }
0x232: {  	s24 =	sor.u32 s1, s7;
	[tilespmem:s0+$0x30] =	vst v9;
	v50 =	vld.idx.msk [tilespmem:v60+s17+$0x0], $0xffff;
	v60 =	vadd.s32 v16, v57  }
0x233: {  	v9 =	vld.idx.msk [tilespmem:v61+s17+$0x0], $0xffff;
	v61 =	vadd.s32 v17, v57;
	[tilespmem:s24+$0x0] =	vst v11  }
0x234: {  	[tilespmem:s24+$0x10] =	vst v25;
	v11 =	vld.idx.msk [tilespmem:v56+s17+$0x0], $0xffff;
	v56 =	vadd.s32 v18, v57  }
0x235: {  	v55 =	vadd.s32 v19, v57;
	[tilespmem:s24+$0x20] =	vst v46;
	v25 =	vld.idx.msk [tilespmem:v62+s17+$0x0], $0xffff  }
0x236: {  	s16 =	simm.s32 $0x4;
	v46 =	vadd.s32 v20, v57;
	[tilespmem:s24+$0x30] =	vst v12;
	v53 =	vld.idx.msk [tilespmem:v63+s17+$0x0], $0xffff  }
0x237: {  	v52 =	vadd.s32 v21, v57;
	[tilespmem:s24+$0x40] =	vst v10;
	v62 =	vmov s16;
	v12 =	vld.idx.msk [tilespmem:v60+s17+$0x0], $0xffff  }
0x238: {  	[tilespmem:s24+$0x50] =	vst v49;
	v59 =	vshll.u32 v62, $0x8;
	v58 =	vshll.u32 v62, $0x7;
	v10 =	vld.idx.msk [tilespmem:v61+s17+$0x0], $0xffff;
	v60 =	vadd.s32 v22, v57  }
0x239: {  	[tilespmem:s24+$0x60] =	vst v45;
	v63 =	vand.u32 $0x3800, v59;
	v58 =	vand.u32 $0x200, v58;
	v59 =	vld.idx.msk [tilespmem:v56+s17+$0x0], $0xffff;
	v56 =	vadd.s32 v23, v57  }
0x23a: {  	s25 =	simm.s32 $0x7;
	s1 =	sor.u32 s1, s15;
	[tilespmem:s24+$0x70] =	vst v51;
	v54 =	vor.u32 v58, v63;
	v58 =	vld.idx.msk [tilespmem:v55+s17+$0x0], $0xffff;
	v57 =	vadd.s32 v24, v57  }
0x23b: {  	[tilespmem:s1+$0x0] =	vst v47;
	v55 =	vmov s25;
	v63 =	vld.idx.msk [tilespmem:v46+s17+$0x0], $0xffff;
	v45 =	vadd.s32 v1, v54  }
0x23c: {  	s26 =	simm.s32 $0x100;
	[tilespmem:s1+$0x10] =	vst v48;
	v62 =	vshll.u32 v55, $0x8;
	v49 =	vshll.u32 v55, $0x7;
	v54 =	vld.idx.msk [tilespmem:v52+s17+$0x0], $0xffff;
	v46 =	vor.u32 v28, v45  }
0x23d: {  	s0 =	sand.u32 $0x300, s26;
	[tilespmem:s1+$0x20] =	vst v50;
	v47 =	vor.u32 v2, v45;
	v51 =	vand.u32 $0x3800, v62;
	v49 =	vand.u32 $0x380, v49;
	v55 =	vld.idx.msk [tilespmem:v60+s17+$0x0], $0xffff  }
0x23e: {  	s28 =	sor.u32 s0, s7;
	[tilespmem:s1+$0x30] =	vst v9;
	v61 =	vor.u32 v3, v45;
	v49 =	vor.u32 v49, v51;
	v56 =	vld.idx.msk [tilespmem:v56+s17+$0x0], $0xffff  }
0x23f: {  	v62 =	vadd.s32 v13, v49;
	v57 =	vld.idx.msk [tilespmem:v57+s17+$0x0], $0xffff;
	[tilespmem:s28+$0x0] =	vst v11  }
0x240: {  	v9 =	vadd.s32 v14, v49;
	[tilespmem:s28+$0x10] =	vst v25  }
0x241: {  	v46 =	vld.idx.msk [tilespmem:v46+s17+$0x0], $0xffff;
	v11 =	vadd.s32 v15, v49;
	[tilespmem:s28+$0x20] =	vst v53  }
0x242: {  	v47 =	vld.idx.msk [tilespmem:v47+s17+$0x0], $0xffff;
	v25 =	vadd.s32 v16, v49;
	[tilespmem:s28+$0x30] =	vst v12  }
0x243: {  	v48 =	vld.idx.msk [tilespmem:v61+s17+$0x0], $0xffff;
	[tilespmem:s28+$0x40] =	vst v10;
	v61 =	vadd.s32 v17, v49  }
0x244: {  	[tilespmem:s28+$0x50] =	vst v59;
	v53 =	vld.idx.msk [tilespmem:v62+s17+$0x0], $0xffff;
	v62 =	vadd.s32 v18, v49  }
0x245: {  	v59 =	vadd.s32 v19, v49;
	[tilespmem:s28+$0x60] =	vst v58;
	v52 =	vld.idx.msk [tilespmem:v9+s17+$0x0], $0xffff  }
0x246: {  	v60 =	vadd.s32 v20, v49;
	s1 =	rddreg [dreg:$0xb];
	v51 =	vld.idx.msk [tilespmem:v11+s17+$0x0], $0xffff  }
0x247: {  	s9 =	simm.s32 $0x8;
	s11 =	sor.u32 s0, s15;
	v58 =	vadd.s32 v21, v49;
	[tilespmem:s28+$0x70] =	vst v63;
	s31 =	sadd.s32 s30, s1;
	v50 =	vld.idx.msk [tilespmem:v25+s17+$0x0], $0xffff  }
.LBB2_7:
0x248: {  	p0 =	slt.u32 s9, $0x34;
	v9 =	vld.idx.msk [tilespmem:v61+s17+$0x0], $0xffff;
	v10 =	vadd.s32 v22, v49;
	[tilespmem:s11+$0x0] =	vst v54  }
0x249: {  	v12 =	vadd.s32 v23, v49;
	v11 =	vld.idx.msk [tilespmem:v62+s17+$0x0], $0xffff;
	[tilespmem:s11+$0x10] =	vst v55  }
0x24a: {  	v49 =	vadd.s32 v24, v49;
	v25 =	vld.idx.msk [tilespmem:v59+s17+$0x0], $0xffff;
	[tilespmem:s11+$0x20] =	vst v56  }
0x24b: {  	v54 =	vor.u32 v4, v45;
	s4 =	sadd.s32 $0x400, s4;
	v55 =	vld.idx.msk [tilespmem:v60+s17+$0x0], $0xffff;
	[tilespmem:s11+$0x30] =	vst v57  }
0x24c: {  	s2 =	sadd.s32 $0x1, s16;
	s5 =	sadd.s32 $0x200, s5;
	s1 =	sand.u32 $0x3800, s4;
	v56 =	vor.u32 v5, v45;
	[tilespmem:s8+$0x0] =	vst v44;
	v44 =	vld.idx.msk [tilespmem:v58+s17+$0x0], $0xffff  }
0x24d: {  	s0 =	sadd.s32 $0xFFFFFE80, s5;
	s7 =	sand.u32 $0x380, s5;
	s3 =	sadd.s32 $0x15000, s1;
	v57 =	vor.u32 v6, v45;
	[tilespmem:s8+$0x10] =	vst v43;
	v43 =	vld.idx.msk [tilespmem:v10+s17+$0x0], $0xffff  }
0x24e: {  	s10 =	sadd.s32 $0xFFFFFF00, s5;
	s11 =	sadd.s32 $0xFFFFFF80, s5;
	s12 =	sor.u32 s7, s3;
	v10 =	vor.u32 v7, v45;
	[tilespmem:s8+$0x20] =	vst v42;
	v42 =	vld.idx.msk [tilespmem:v12+s17+$0x0], $0xffff  }
0x24f: {  	s13 =	sand.u32 $0x280, s10;
	s11 =	sand.u32 $0x300, s11;
	v12 =	vor.u32 v8, v45;
	s8 =	sand.u32 $0x200, s0;
	v49 =	vld.idx.msk [tilespmem:v49+s17+$0x0], $0xffff;
	[tilespmem:s12+$0x0] =	vst v53  }
0x250: {  	s15 =	sor.u32 s13, s3;
	v58 =	vmov s2;
	s10 =	sor.u32 s11, s3;
	s0 =	sor.u32 s8, s3;
	v53 =	vld.idx.msk [tilespmem:v54+s17+$0x0], $0xffff;
	v54 =	vor.u32 v0, v45;
	[tilespmem:s12+$0x10] =	vst v52  }
0x251: {  	v59 =	vshll.u32 v58, $0x8;
	v58 =	vshll.u32 v58, $0x7;
	v52 =	vld.idx.msk [tilespmem:v56+s17+$0x0], $0xffff;
	v56 =	vor.u32 v27, v45;
	[tilespmem:s12+$0x20] =	vst v51  }
0x252: {  	v59 =	vand.u32 $0x3800, v59;
	v58 =	vand.u32 $0x280, v58;
	v51 =	vld.idx.msk [tilespmem:v57+s17+$0x0], $0xffff;
	v57 =	vor.u32 v26, v45;
	[tilespmem:s12+$0x30] =	vst v50  }
0x253: {  	v45 =	vor.u32 v29, v45;
	v50 =	vor.u32 v58, v59;
	v10 =	vld.idx.msk [tilespmem:v10+s17+$0x0], $0xffff;
	[tilespmem:s12+$0x40] =	vst v9  }
0x254: {  	v9 =	vld.idx.msk [tilespmem:v12+s17+$0x0], $0xffff;
	v12 =	vadd.s32 v13, v50;
	[tilespmem:s12+$0x50] =	vst v11  }
0x255: {  	s2 =	sadd.s32 $0x15400, s1;
	v11 =	vld.idx.msk [tilespmem:v54+s17+$0x0], $0xffff;
	v54 =	vadd.s32 v14, v50;
	[tilespmem:s12+$0x60] =	vst v25  }
0x256: {  	s18 =	sor.u32 s13, s2;
	s1 =	sor.u32 s8, s2;
	s8 =	sor.u32 s7, s2;
	v25 =	vld.idx.msk [tilespmem:v56+s17+$0x0], $0xffff;
	v56 =	vadd.s32 v15, v50;
	[tilespmem:s12+$0x70] =	vst v55  }
0x257: {  	s11 =	sor.u32 s11, s2;
	v55 =	vld.idx.msk [tilespmem:v57+s17+$0x0], $0xffff;
	v57 =	vadd.s32 v16, v50;
	[tilespmem:s8+$0x30] =	vst v49  }
0x258: {  	v45 =	vld.idx.msk [tilespmem:v45+s17+$0x0], $0xffff;
	[tilespmem:s0+$0x0] =	vst v46;
	v46 =	vadd.s32 v17, v50  }
0x259: {  	[tilespmem:s0+$0x10] =	vst v47;
	v12 =	vld.idx.msk [tilespmem:v12+s17+$0x0], $0xffff;
	v47 =	vadd.s32 v18, v50  }
0x25a: {  	v49 =	vadd.s32 v19, v50;
	[tilespmem:s0+$0x20] =	vst v48;
	v48 =	vld.idx.msk [tilespmem:v54+s17+$0x0], $0xffff  }
0x25b: {  	s2 =	sadd.s32 $0x2, s16;
	s16 =	smov.u32 s9;
	v54 =	vadd.s32 v20, v50;
	[tilespmem:s0+$0x30] =	vst v53;
	v53 =	vld.idx.msk [tilespmem:v56+s17+$0x0], $0xffff  }
0x25c: {  	v56 =	vadd.s32 v21, v50;
	[tilespmem:s0+$0x40] =	vst v52;
	v52 =	vld.idx.msk [tilespmem:v57+s17+$0x0], $0xffff;
	v57 =	vmov s2  }
0x25d: {  	[tilespmem:s0+$0x50] =	vst v51;
	v46 =	vld.idx.msk [tilespmem:v46+s17+$0x0], $0xffff;
	v51 =	vadd.s32 v22, v50;
	v58 =	vshll.u32 v57, $0x8;
	v57 =	vshll.u32 v57, $0x7  }
0x25e: {  	[tilespmem:s0+$0x60] =	vst v10;
	v10 =	vld.idx.msk [tilespmem:v47+s17+$0x0], $0xffff;
	v47 =	vadd.s32 v23, v50;
	v58 =	vand.u32 $0x3800, v58;
	v57 =	vand.u32 $0x300, v57  }
0x25f: {  	[tilespmem:s0+$0x70] =	vst v9;
	v9 =	vld.idx.msk [tilespmem:v49+s17+$0x0], $0xffff;
	v49 =	vadd.s32 v24, v50;
	v50 =	vor.u32 v57, v58  }
0x260: {  	[tilespmem:s1+$0x0] =	vst v11;
	v11 =	vld.idx.msk [tilespmem:v54+s17+$0x0], $0xffff;
	v54 =	vadd.s32 v13, v50  }
0x261: {  	[tilespmem:s1+$0x10] =	vst v25;
	v25 =	vld.idx.msk [tilespmem:v56+s17+$0x0], $0xffff;
	v56 =	vadd.s32 v14, v50  }
0x262: {  	[tilespmem:s1+$0x20] =	vst v55;
	v51 =	vld.idx.msk [tilespmem:v51+s17+$0x0], $0xffff;
	v55 =	vadd.s32 v15, v50  }
0x263: {  	[tilespmem:s1+$0x30] =	vst v45;
	v47 =	vld.idx.msk [tilespmem:v47+s17+$0x0], $0xffff;
	v45 =	vadd.s32 v16, v50  }
0x264: {  	v57 =	vld.idx.msk [tilespmem:v49+s17+$0x0], $0xffff;
	[tilespmem:s15+$0x0] =	vst v12;
	v12 =	vadd.s32 v17, v50  }
0x265: {  	v49 =	vadd.s32 v18, v50;
	[tilespmem:s15+$0x10] =	vst v48;
	v48 =	vld.idx.msk [tilespmem:v54+s17+$0x0], $0xffff  }
0x266: {  	v54 =	vadd.s32 v19, v50;
	[tilespmem:s15+$0x20] =	vst v53;
	v53 =	vld.idx.msk [tilespmem:v56+s17+$0x0], $0xffff  }
0x267: {  	v56 =	vmov s9;
	[tilespmem:s15+$0x30] =	vst v52;
	v52 =	vld.idx.msk [tilespmem:v55+s17+$0x0], $0xffff;
	v55 =	vadd.s32 v20, v50  }
0x268: {  	v58 =	vshll.u32 v56, $0x8;
	v56 =	vshll.u32 v56, $0x7;
	[tilespmem:s15+$0x40] =	vst v46;
	v59 =	vld.idx.msk [tilespmem:v45+s17+$0x0], $0xffff;
	v46 =	vadd.s32 v21, v50  }
0x269: {  	v45 =	vand.u32 $0x3800, v58;
	v56 =	vand.u32 $0x200, v56;
	[tilespmem:s15+$0x50] =	vst v10;
	v10 =	vld.idx.msk [tilespmem:v12+s17+$0x0], $0xffff;
	v12 =	vadd.s32 v22, v50  }
0x26a: {  	s0 =	sadd.s32 $0x3, s9;
	v45 =	vor.u32 v56, v45;
	v56 =	vadd.s32 v23, v50;
	[tilespmem:s15+$0x60] =	vst v9;
	v9 =	vld.idx.msk [tilespmem:v49+s17+$0x0], $0xffff  }
0x26b: {  	v50 =	vadd.s32 v24, v50;
	v45 =	vadd.s32 v1, v45;
	v49 =	vmov s0;
	[tilespmem:s15+$0x70] =	vst v11;
	v11 =	vld.idx.msk [tilespmem:v54+s17+$0x0], $0xffff  }
0x26c: {  	v58 =	vor.u32 v28, v45;
	v54 =	vshll.u32 v49, $0x8;
	v49 =	vshll.u32 v49, $0x7;
	[tilespmem:s18+$0x0] =	vst v25;
	v25 =	vld.idx.msk [tilespmem:v55+s17+$0x0], $0xffff  }
0x26d: {  	v60 =	vor.u32 v2, v45;
	v55 =	vand.u32 $0x3800, v54;
	v49 =	vand.u32 $0x380, v49;
	[tilespmem:s18+$0x10] =	vst v51;
	v54 =	vld.idx.msk [tilespmem:v46+s17+$0x0], $0xffff  }
0x26e: {  	v51 =	vor.u32 v3, v45;
	v49 =	vor.u32 v49, v55;
	[tilespmem:s18+$0x20] =	vst v47;
	v55 =	vld.idx.msk [tilespmem:v12+s17+$0x0], $0xffff  }
0x26f: {  	v12 =	vadd.s32 v13, v49;
	[tilespmem:s18+$0x30] =	vst v57;
	v56 =	vld.idx.msk [tilespmem:v56+s17+$0x0], $0xffff  }
0x270: {  	v63 =	vadd.s32 v14, v49;
	v57 =	vld.idx.msk [tilespmem:v50+s17+$0x0], $0xffff;
	[tilespmem:s10+$0x0] =	vst v48  }
0x271: {  	v50 =	vadd.s32 v15, v49;
	v46 =	vld.idx.msk [tilespmem:v58+s17+$0x0], $0xffff;
	[tilespmem:s10+$0x10] =	vst v53  }
0x272: {  	v58 =	vadd.s32 v16, v49;
	v47 =	vld.idx.msk [tilespmem:v60+s17+$0x0], $0xffff;
	[tilespmem:s10+$0x20] =	vst v52  }
.Ltmp4:
0x273: {  	v61 =	vadd.s32 v17, v49;
	v48 =	vld.idx.msk [tilespmem:v51+s17+$0x0], $0xffff;
	[tilespmem:s10+$0x30] =	vst v59;
	(pc) =	sbr.rel @p0 .LBB2_7-.Ltmp4, $4  }
0x274: {  	v62 =	vadd.s32 v18, v49;
	v53 =	vld.idx.msk [tilespmem:v12+s17+$0x0], $0xffff;
	[tilespmem:s10+$0x40] =	vst v10  }
0x275: {  	v59 =	vadd.s32 v19, v49;
	v52 =	vld.idx.msk [tilespmem:v63+s17+$0x0], $0xffff;
	[tilespmem:s10+$0x50] =	vst v9  }
0x276: {  	v60 =	vadd.s32 v20, v49;
	v51 =	vld.idx.msk [tilespmem:v50+s17+$0x0], $0xffff;
	[tilespmem:s10+$0x60] =	vst v11  }
0x277: {  	s9 =	sadd.s32 $0x4, s9;
	v50 =	vld.idx.msk [tilespmem:v58+s17+$0x0], $0xffff;
	v58 =	vadd.s32 v21, v49;
	[tilespmem:s10+$0x70] =	vst v25  }
0x278: {  	_ =	sdelay $0x3  }
0x279: {  	v9 =	vld.idx.msk [tilespmem:v61+s17+$0x0], $0xffff;
	v10 =	vadd.s32 v22, v49;
	[tilespmem:s11+$0x0] =	vst v54  }
0x27a: {  	v11 =	vld.idx.msk [tilespmem:v62+s17+$0x0], $0xffff;
	v12 =	vadd.s32 v23, v49;
	[tilespmem:s11+$0x10] =	vst v55  }
0x27b: {  	v25 =	vld.idx.msk [tilespmem:v59+s17+$0x0], $0xffff;
	v62 =	vadd.s32 v24, v49;
	[tilespmem:s11+$0x20] =	vst v56  }
0x27c: {  	v63 =	vor.u32 v4, v45;
	v56 =	vld.idx.msk [tilespmem:v60+s17+$0x0], $0xffff;
	[tilespmem:s11+$0x30] =	vst v57;
	s0 =	sadd.s32 $0x400, s4  }
0x27d: {  	v60 =	vor.u32 v5, v45;
	v49 =	vld.idx.msk [tilespmem:v58+s17+$0x0], $0xffff;
	[tilespmem:s8+$0x0] =	vst v44;
	s5 =	sadd.s32 $0x200, s5;
	s0 =	sand.u32 $0x3800, s0  }
0x27e: {  	v61 =	vor.u32 v6, v45;
	[tilespmem:s8+$0x10] =	vst v43;
	s1 =	sand.u32 $0x380, s5;
	s13 =	sadd.s32 $0x15000, s0;
	v44 =	vld.idx.msk [tilespmem:v10+s17+$0x0], $0xffff  }
0x27f: {  	[tilespmem:s8+$0x20] =	vst v42;
	v54 =	vor.u32 v0, v45;
	s3 =	sor.u32 s1, s13;
	v43 =	vld.idx.msk [tilespmem:v12+s17+$0x0], $0xffff  }
0x280: {  	s2 =	sadd.s32 $0x1, s16;
	v57 =	vor.u32 v27, v45;
	v42 =	vld.idx.msk [tilespmem:v62+s17+$0x0], $0xffff;
	[tilespmem:s3+$0x0] =	vst v53  }
0x281: {  	v10 =	vor.u32 v7, v45;
	v53 =	vld.idx.msk [tilespmem:v63+s17+$0x0], $0xffff;
	v62 =	vmov s2;
	[tilespmem:s3+$0x10] =	vst v52  }
0x282: {  	v12 =	vor.u32 v8, v45;
	v52 =	vld.idx.msk [tilespmem:v60+s17+$0x0], $0xffff;
	[tilespmem:s3+$0x20] =	vst v51;
	v63 =	vshll.u32 v62, $0x8;
	v55 =	vshll.u32 v62, $0x7  }
0x283: {  	v51 =	vld.idx.msk [tilespmem:v61+s17+$0x0], $0xffff;
	v60 =	vor.u32 v26, v45;
	[tilespmem:s3+$0x30] =	vst v50;
	v59 =	vand.u32 $0x3800, v63;
	v55 =	vand.u32 $0x280, v55  }
0x284: {  	v61 =	vor.u32 v29, v45;
	[tilespmem:s3+$0x50] =	vst v11;
	v11 =	vld.idx.msk [tilespmem:v54+s17+$0x0], $0xffff;
	v50 =	vor.u32 v55, v59  }
0x285: {  	[tilespmem:s3+$0x60] =	vst v25;
	v25 =	vld.idx.msk [tilespmem:v57+s17+$0x0], $0xffff;
	v62 =	vadd.s32 v14, v50  }
0x286: {  	s15 =	sadd.s32 $0xFFFFFE80, s5;
	s9 =	sadd.s32 $0x15400, s0;
	[tilespmem:s3+$0x40] =	vst v9;
	v55 =	vadd.s32 v15, v50;
	v10 =	vld.idx.msk [tilespmem:v10+s17+$0x0], $0xffff  }
0x287: {  	s18 =	sand.u32 $0x200, s15;
	s21 =	sor.u32 s1, s9;
	[tilespmem:s3+$0x70] =	vst v56;
	v63 =	vadd.s32 v16, v50;
	v9 =	vld.idx.msk [tilespmem:v12+s17+$0x0], $0xffff  }
0x288: {  	s23 =	sor.u32 s18, s13;
	v12 =	vadd.s32 v13, v50;
	v56 =	vld.idx.msk [tilespmem:v60+s17+$0x0], $0xffff;
	[tilespmem:s21+$0x30] =	vst v42  }
0x289: {  	v42 =	vld.idx.msk [tilespmem:v61+s17+$0x0], $0xffff;
	v60 =	vadd.s32 v17, v50;
	[tilespmem:s23+$0x0] =	vst v46  }
0x28a: {  	v61 =	vadd.s32 v18, v50;
	[tilespmem:s23+$0x10] =	vst v47;
	v47 =	vld.idx.msk [tilespmem:v62+s17+$0x0], $0xffff  }
0x28b: {  	v54 =	vadd.s32 v19, v50;
	[tilespmem:s23+$0x20] =	vst v48;
	v48 =	vld.idx.msk [tilespmem:v55+s17+$0x0], $0xffff  }
0x28c: {  	s24 =	sadd.s32 $0x2, s16;
	v57 =	vadd.s32 v21, v50;
	[tilespmem:s23+$0x30] =	vst v53;
	v53 =	vld.idx.msk [tilespmem:v63+s17+$0x0], $0xffff  }
0x28d: {  	[tilespmem:s23+$0x40] =	vst v52;
	v55 =	vadd.s32 v20, v50;
	v62 =	vmov s24;
	v12 =	vld.idx.msk [tilespmem:v12+s17+$0x0], $0xffff  }
0x28e: {  	[tilespmem:s23+$0x50] =	vst v51;
	v63 =	vadd.s32 v22, v50;
	v45 =	vld.idx.msk [tilespmem:v60+s17+$0x0], $0xffff;
	v60 =	vshll.u32 v62, $0x8;
	v58 =	vshll.u32 v62, $0x7  }
0x28f: {  	v46 =	vld.idx.msk [tilespmem:v61+s17+$0x0], $0xffff;
	v61 =	vadd.s32 v23, v50;
	[tilespmem:s23+$0x60] =	vst v10;
	v59 =	vand.u32 $0x3800, v60;
	v58 =	vand.u32 $0x300, v58  }
0x290: {  	s0 =	sor.u32 s18, s9;
	v10 =	vld.idx.msk [tilespmem:v54+s17+$0x0], $0xffff;
	v50 =	vadd.s32 v24, v50;
	[tilespmem:s23+$0x70] =	vst v9;
	v54 =	vor.u32 v58, v59  }
0x291: {  	[tilespmem:s0+$0x0] =	vst v11;
	v11 =	vld.idx.msk [tilespmem:v57+s17+$0x0], $0xffff;
	v62 =	vadd.s32 v13, v54  }
0x292: {  	s25 =	sadd.s32 $0xFFFFFF00, s5;
	[tilespmem:s0+$0x10] =	vst v25;
	v57 =	vadd.s32 v14, v54;
	v9 =	vld.idx.msk [tilespmem:v55+s17+$0x0], $0xffff  }
0x293: {  	s1 =	sand.u32 $0x280, s25;
	[tilespmem:s0+$0x20] =	vst v56;
	v60 =	vadd.s32 v16, v54;
	v25 =	vld.idx.msk [tilespmem:v63+s17+$0x0], $0xffff  }
0x294: {  	s26 =	sor.u32 s1, s13;
	[tilespmem:s0+$0x30] =	vst v42;
	v63 =	vadd.s32 v15, v54;
	v51 =	vld.idx.msk [tilespmem:v61+s17+$0x0], $0xffff  }
0x295: {  	v42 =	vld.idx.msk [tilespmem:v50+s17+$0x0], $0xffff;
	v61 =	vadd.s32 v17, v54;
	[tilespmem:s26+$0x0] =	vst v12  }
0x296: {  	[tilespmem:s26+$0x10] =	vst v47;
	v12 =	vld.idx.msk [tilespmem:v62+s17+$0x0], $0xffff;
	v62 =	vadd.s32 v18, v54  }
0x297: {  	v52 =	vadd.s32 v20, v54;
	[tilespmem:s26+$0x20] =	vst v48;
	v47 =	vld.idx.msk [tilespmem:v57+s17+$0x0], $0xffff  }
0x298: {  	[tilespmem:s26+$0x30] =	vst v53;
	v57 =	vadd.s32 v19, v54;
	v53 =	vld.idx.msk [tilespmem:v60+s17+$0x0], $0xffff  }
0x299: {  	[tilespmem:s26+$0x40] =	vst v45;
	v60 =	vadd.s32 v22, v54;
	v48 =	vld.idx.msk [tilespmem:v63+s17+$0x0], $0xffff  }
0x29a: {  	[tilespmem:s26+$0x50] =	vst v46;
	v63 =	vadd.s32 v21, v54;
	v59 =	vld.idx.msk [tilespmem:v61+s17+$0x0], $0xffff  }
0x29b: {  	[tilespmem:s26+$0x60] =	vst v10;
	v61 =	vld.idx.msk [tilespmem:v62+s17+$0x0], $0xffff;
	v62 =	vadd.s32 v23, v54  }
0x29c: {  	s28 =	sor.u32 s1, s9;
	[tilespmem:s26+$0x70] =	vst v9;
	v9 =	vld.idx.msk [tilespmem:v52+s17+$0x0], $0xffff;
	v54 =	vadd.s32 v24, v54  }
0x29d: {  	[tilespmem:s28+$0x0] =	vst v11;
	v10 =	vld.idx.msk [tilespmem:v57+s17+$0x0], $0xffff  }
0x29e: {  	s2 =	sadd.s32 $0xFFFFFF80, s5;
	[tilespmem:s28+$0x10] =	vst v25;
	v25 =	vld.idx.msk [tilespmem:v60+s17+$0x0], $0xffff  }
0x29f: {  	s1 =	sand.u32 $0x300, s2;
	[tilespmem:s28+$0x20] =	vst v51;
	v11 =	vld.idx.msk [tilespmem:v63+s17+$0x0], $0xffff  }
0x2a0: {  	s3 =	sor.u32 s1, s13;
	[tilespmem:s28+$0x30] =	vst v42;
	v63 =	vld.idx.msk [tilespmem:v62+s17+$0x0], $0xffff  }
0x2a1: {  	v51 =	vld.idx.msk [tilespmem:v54+s17+$0x0], $0xffff;
	[tilespmem:s3+$0x0] =	vst v12  }
0x2a2: {  	[tilespmem:s3+$0x10] =	vst v47  }
0x2a3: {  	[tilespmem:s3+$0x20] =	vst v48  }
0x2a4: {  	[tilespmem:s3+$0x30] =	vst v53  }
0x2a5: {  	[tilespmem:s3+$0x40] =	vst v59  }
0x2a6: {  	[tilespmem:s3+$0x50] =	vst v61  }
0x2a7: {  	[tilespmem:s3+$0x60] =	vst v10  }
0x2a8: {  	s7 =	simm.s32 $0x3;
	s5 =	sor.u32 s1, s9;
	[tilespmem:s3+$0x70] =	vst v9  }
0x2a9: {  	[tilespmem:s5+$0x0] =	vst v11;
	v11 =	vmov s7  }
0x2aa: {  	[tilespmem:s5+$0x10] =	vst v25;
	v25 =	vshll.u32 v11, $0x8;
	v11 =	vshll.u32 v11, $0x7  }
0x2ab: {  	v25 =	vand.u32 $0x3800, v25;
	v11 =	vand.u32 $0x380, v11;
	[tilespmem:s5+$0x20] =	vst v63  }
0x2ac: {  	v11 =	vor.u32 v11, v25;
	[tilespmem:s5+$0x30] =	vst v51  }
0x2ad: {  	v14 =	vmov v2;
	v2 =	vmov v7;
	v25 =	vadd.s32 v30, v11;
	v7 =	vld [tilespmem:$0x1FF40];
	[tilespmem:s21+$0x0] =	vst v49  }
0x2ae: {  	s31 =	smul.u32 $0x700, s31;
	v54 =	vadd.s32 v31, v11;
	v63 =	vld [tilespmem:$0x1FFA0];
	[tilespmem:s21+$0x10] =	vst v44  }
0x2af: {  	s4 =	simm.s32 $0x0;
	v55 =	vadd.s32 v32, v11;
	v27 =	vld [tilespmem:$0x1FF50];
	[tilespmem:s21+$0x20] =	vst v43  }
0x2b0: {  	s8 =	sadd.s32 s14, s31;
	s9 =	simm.s32 $0x15000;
	v10 =	vmov s4;
	v56 =	vadd.s32 v33, v11;
	v29 =	vld [tilespmem:$0x1FFB0]  }
0x2b1: {  	v9 =	vshll.u32 v10, $0x8;
	v10 =	vshll.u32 v10, $0x7;
	v58 =	vadd.s32 v35, v11;
	[hbm4b:s8+s4] =	stream.linear.scatter [tilespmem:s9], [sflag:$0x4], $0x3800, $0x38;
	v0 =	vld [tilespmem:$0x1FFC0]  }
0x2b2: {  	v9 =	vand.u32 $0x3800, v9;
	v10 =	vand.u32 $0x200, v10;
	v59 =	vadd.s32 v36, v11;
	v25 =	vld.idx.msk [tilespmem:v25+s17+$0x0], $0xffff  }
0x2b3: {  	v9 =	vor.u32 v10, v9;
	v61 =	vadd.s32 v37, v11;
	v49 =	vld.idx.msk [tilespmem:v54+s17+$0x0], $0xffff  }
0x2b4: {  	v10 =	vadd.s32 v1, v9;
	v42 =	vadd.s32 v38, v11;
	v45 =	vld.idx.msk [tilespmem:v55+s17+$0x0], $0xffff  }
0x2b5: {  	v51 =	vld.idx.msk [tilespmem:v56+s17+$0x0], $0xffff;
	v53 =	vor.u32 v27, v10  }
0x2b6: {  	v62 =	vadd.s32 v40, v11;
	v48 =	vld.idx.msk [tilespmem:v58+s17+$0x0], $0xffff  }
0x2b7: {  	v55 =	vld.idx.msk [tilespmem:v59+s17+$0x0], $0xffff;
	v12 =	vor.u32 v7, v10  }
0x2b8: {  	v50 =	vld.idx.msk [tilespmem:v61+s17+$0x0], $0xffff;
	v52 =	vor.u32 v63, v10  }
0x2b9: {  	v57 =	vadd.s32 v34, v11;
	v44 =	vld.idx.msk [tilespmem:v42+s17+$0x0], $0xffff  }
0x2ba: {  	v47 =	vld.idx.msk [tilespmem:v53+s17+$0x0], $0xffff;
	v53 =	vadd.s32 v39, v11  }
0x2bb: {  	v42 =	vld.idx.msk [tilespmem:v62+s17+$0x0], $0xffff;
	v11 =	vadd.s32 v41, v11  }
0x2bc: {  	v10 =	vor.u32 v29, v10;
	v9 =	vadd.s32 v0, v9;
	v12 =	vld.idx.msk [tilespmem:v12+s17+$0x0], $0xffff  }
0x2bd: {  	s10 =	sand.u32 $0x3800, s4;
	s5 =	simm.s32 $0x180;
	v61 =	vor.u32 v28, v9;
	v46 =	vld.idx.msk [tilespmem:v52+s17+$0x0], $0xffff  }
0x2be: {  	s11 =	sadd.s32 $0x18800, s10;
	s12 =	sand.u32 $0x380, s5;
	v52 =	vld.idx.msk [tilespmem:v57+s17+$0x0], $0xffff;
	v57 =	vor.u32 v14, v9  }
0x2bf: {  	s14 =	sor.u32 s12, s11;
	v43 =	vld.idx.msk [tilespmem:v53+s17+$0x0], $0xffff;
	v53 =	vor.u32 v3, v9  }
0x2c0: {  	s13 =	simm.s32 $0x1;
	v54 =	vor.u32 v4, v9;
	v11 =	vld.idx.msk [tilespmem:v11+s17+$0x0], $0xffff;
	[tilespmem:s14+$0x0] =	vst v25  }
0x2c1: {  	v62 =	vmov s13;
	v56 =	vor.u32 v6, v9;
	v10 =	vld.idx.msk [tilespmem:v10+s17+$0x0], $0xffff;
	[tilespmem:s14+$0x10] =	vst v49  }
0x2c2: {  	v58 =	vshll.u32 v62, $0x7;
	v25 =	vor.u32 v5, v9;
	v49 =	vld.idx.msk [tilespmem:v61+s17+$0x0], $0xffff;
	v61 =	vshll.u32 v62, $0x8;
	[tilespmem:s14+$0x20] =	vst v45  }
0x2c3: {  	v60 =	vmovc v8;
	v58 =	vand.u32 $0x280, v58;
	v45 =	vld.idx.msk [tilespmem:v57+s17+$0x0], $0xffff;
	v62 =	vor.u32 v2, v9;
	[tilespmem:s14+$0x30] =	vst v51;
	v59 =	vand.u32 $0x3800, v61  }
0x2c4: {  	v9 =	vor.u32 v60, v9;
	[tilespmem:s14+$0x40] =	vst v52;
	v51 =	vld.idx.msk [tilespmem:v53+s17+$0x0], $0xffff;
	v53 =	vor.u32 v58, v59  }
0x2c5: {  	v15 =	vmovc v3;
	v3 =	vmov v2;
	v2 =	vmov v60;
	v52 =	vld.idx.msk [tilespmem:v54+s17+$0x0], $0xffff;
	[tilespmem:s14+$0x50] =	vst v48;
	v60 =	vadd.s32 v30, v53  }
0x2c6: {  	s15 =	simm.s32 $0x0;
	s10 =	sadd.s32 $0x18C00, s10;
	[tilespmem:s14+$0x60] =	vst v55;
	v55 =	vld.idx.msk [tilespmem:v56+s17+$0x0], $0xffff;
	v48 =	vadd.s32 v31, v53  }
0x2c7: {  	s16 =	sand.u32 $0x200, s15;
	s8 =	sor.u32 s12, s10;
	[tilespmem:s14+$0x70] =	vst v50;
	v25 =	vld.idx.msk [tilespmem:v25+s17+$0x0], $0xffff;
	v61 =	vadd.s32 v32, v53  }
0x2c8: {  	s18 =	sor.u32 s16, s11;
	v50 =	vld.idx.msk [tilespmem:v62+s17+$0x0], $0xffff;
	[tilespmem:s8+$0x30] =	vst v11;
	v62 =	vadd.s32 v33, v53  }
0x2c9: {  	v9 =	vld.idx.msk [tilespmem:v9+s17+$0x0], $0xffff;
	[tilespmem:s18+$0x0] =	vst v12;
	v11 =	vadd.s32 v34, v53  }
0x2ca: {  	[tilespmem:s18+$0x10] =	vst v46;
	v56 =	vadd.s32 v37, v53;
	v12 =	vld.idx.msk [tilespmem:v60+s17+$0x0], $0xffff  }
0x2cb: {  	[tilespmem:s18+$0x20] =	vst v47;
	v60 =	vadd.s32 v35, v53;
	v46 =	vld.idx.msk [tilespmem:v48+s17+$0x0], $0xffff  }
0x2cc: {  	s21 =	simm.s32 $0x2;
	[tilespmem:s18+$0x30] =	vst v10;
	v57 =	vadd.s32 v38, v53;
	v47 =	vld.idx.msk [tilespmem:v61+s17+$0x0], $0xffff  }
0x2cd: {  	[tilespmem:s18+$0x40] =	vst v49;
	v48 =	vadd.s32 v36, v53;
	v10 =	vld.idx.msk [tilespmem:v62+s17+$0x0], $0xffff;
	v61 =	vmov s21  }
0x2ce: {  	[tilespmem:s18+$0x50] =	vst v45;
	v49 =	vadd.s32 v39, v53;
	v11 =	vld.idx.msk [tilespmem:v11+s17+$0x0], $0xffff;
	v62 =	vshll.u32 v61, $0x8;
	v58 =	vshll.u32 v61, $0x7  }
0x2cf: {  	[tilespmem:s18+$0x70] =	vst v52;
	v52 =	vld.idx.msk [tilespmem:v56+s17+$0x0], $0xffff;
	v61 =	vadd.s32 v41, v53;
	v59 =	vand.u32 $0x3800, v62;
	v58 =	vand.u32 $0x300, v58  }
0x2d0: {  	s0 =	sor.u32 s16, s10;
	[tilespmem:s18+$0x60] =	vst v51;
	v45 =	vld.idx.msk [tilespmem:v60+s17+$0x0], $0xffff;
	v60 =	vadd.s32 v40, v53;
	v53 =	vor.u32 v58, v59  }
0x2d1: {  	[tilespmem:s0+$0x0] =	vst v25;
	v25 =	vld.idx.msk [tilespmem:v57+s17+$0x0], $0xffff;
	v62 =	vadd.s32 v30, v53  }
0x2d2: {  	s23 =	simm.s32 $0x80;
	[tilespmem:s0+$0x10] =	vst v55;
	v51 =	vld.idx.msk [tilespmem:v48+s17+$0x0], $0xffff;
	v57 =	vadd.s32 v31, v53  }
0x2d3: {  	s1 =	sand.u32 $0x280, s23;
	[tilespmem:s0+$0x20] =	vst v50;
	v58 =	vld.idx.msk [tilespmem:v49+s17+$0x0], $0xffff;
	v49 =	vadd.s32 v32, v53  }
0x2d4: {  	s24 =	sor.u32 s1, s11;
	[tilespmem:s0+$0x30] =	vst v9;
	v54 =	vadd.s32 v33, v53;
	v9 =	vld.idx.msk [tilespmem:v61+s17+$0x0], $0xffff  }
0x2d5: {  	v48 =	vadd.s32 v34, v53;
	v50 =	vld.idx.msk [tilespmem:v60+s17+$0x0], $0xffff;
	[tilespmem:s24+$0x0] =	vst v12  }
0x2d6: {  	v56 =	vadd.s32 v36, v53;
	[tilespmem:s24+$0x10] =	vst v46;
	v62 =	vld.idx.msk [tilespmem:v62+s17+$0x0], $0xffff  }
0x2d7: {  	s16 =	simm.s32 $0x4;
	v55 =	vadd.s32 v35, v53;
	[tilespmem:s24+$0x20] =	vst v47;
	v46 =	vld.idx.msk [tilespmem:v57+s17+$0x0], $0xffff  }
0x2d8: {  	[tilespmem:s24+$0x30] =	vst v10;
	v60 =	vadd.s32 v39, v53;
	v47 =	vld.idx.msk [tilespmem:v49+s17+$0x0], $0xffff;
	v49 =	vmov s16  }
0x2d9: {  	[tilespmem:s24+$0x50] =	vst v45;
	v45 =	vadd.s32 v40, v53;
	v61 =	vld.idx.msk [tilespmem:v54+s17+$0x0], $0xffff;
	v59 =	vshll.u32 v49, $0x8;
	v49 =	vshll.u32 v49, $0x7  }
0x2da: {  	[tilespmem:s24+$0x40] =	vst v11;
	v54 =	vadd.s32 v38, v53;
	v11 =	vld.idx.msk [tilespmem:v48+s17+$0x0], $0xffff;
	v48 =	vand.u32 $0x3800, v59;
	v49 =	vand.u32 $0x200, v49  }
0x2db: {  	s25 =	simm.s32 $0x7;
	[tilespmem:s24+$0x60] =	vst v51;
	v57 =	vadd.s32 v37, v53;
	v10 =	vld.idx.msk [tilespmem:v56+s17+$0x0], $0xffff;
	v48 =	vor.u32 v49, v48  }
0x2dc: {  	s1 =	sor.u32 s1, s10;
	v8 =	vmovc v0;
	v51 =	vadd.s32 v41, v53;
	[tilespmem:s24+$0x70] =	vst v52;
	v56 =	vmov s25;
	v59 =	vld.idx.msk [tilespmem:v55+s17+$0x0], $0xffff;
	v49 =	vadd.s32 v1, v48  }
0x2dd: {  	v0 =	vmovc v28;
	[tilespmem:s1+$0x0] =	vst v25;
	v25 =	vshll.u32 v56, $0x8;
	v53 =	vshll.u32 v56, $0x7;
	v56 =	vld.idx.msk [tilespmem:v60+s17+$0x0], $0xffff;
	v52 =	vor.u32 v7, v49  }
0x2de: {  	s26 =	simm.s32 $0x100;
	v28 =	vmovc v63;
	[tilespmem:s1+$0x10] =	vst v58;
	v25 =	vand.u32 $0x3800, v25;
	v53 =	vand.u32 $0x380, v53;
	v58 =	vld.idx.msk [tilespmem:v45+s17+$0x0], $0xffff;
	v63 =	vor.u32 v63, v49  }
0x2df: {  	s0 =	sand.u32 $0x300, s26;
	[tilespmem:s1+$0x30] =	vst v9;
	v55 =	vld.idx.msk [tilespmem:v54+s17+$0x0], $0xffff;
	v54 =	vor.u32 v53, v25;
	v25 =	vor.u32 v27, v49  }
0x2e0: {  	s28 =	sor.u32 s0, s11;
	[tilespmem:s1+$0x20] =	vst v50;
	v12 =	vld.idx.msk [tilespmem:v57+s17+$0x0], $0xffff;
	v50 =	vadd.s32 v30, v54  }
0x2e1: {  	v57 =	vld.idx.msk [tilespmem:v51+s17+$0x0], $0xffff;
	[tilespmem:s28+$0x0] =	vst v62;
	v51 =	vadd.s32 v31, v54  }
0x2e2: {  	[tilespmem:s28+$0x10] =	vst v46;
	v60 =	vadd.s32 v32, v54;
	v45 =	vld.idx.msk [tilespmem:v52+s17+$0x0], $0xffff  }
0x2e3: {  	[tilespmem:s28+$0x20] =	vst v47;
	v9 =	vadd.s32 v33, v54;
	v46 =	vld.idx.msk [tilespmem:v63+s17+$0x0], $0xffff  }
0x2e4: {  	[tilespmem:s28+$0x30] =	vst v61;
	v62 =	vadd.s32 v34, v54;
	v47 =	vld.idx.msk [tilespmem:v25+s17+$0x0], $0xffff  }
0x2e5: {  	[tilespmem:s28+$0x40] =	vst v11;
	v63 =	vadd.s32 v35, v54;
	v53 =	vld.idx.msk [tilespmem:v50+s17+$0x0], $0xffff  }
0x2e6: {  	[tilespmem:s28+$0x60] =	vst v10;
	v61 =	vadd.s32 v36, v54;
	v52 =	vld.idx.msk [tilespmem:v51+s17+$0x0], $0xffff  }
0x2e7: {  	[tilespmem:s28+$0x50] =	vst v59;
	v51 =	vld.idx.msk [tilespmem:v60+s17+$0x0], $0xffff;
	v60 =	vadd.s32 v37, v54  }
0x2e8: {  	s9 =	simm.s32 $0x8;
	s10 =	sor.u32 s0, s10;
	v59 =	vadd.s32 v38, v54;
	[tilespmem:s28+$0x70] =	vst v12;
	v50 =	vld.idx.msk [tilespmem:v9+s17+$0x0], $0xffff  }
.LBB2_9:
0x2e9: {  	p0 =	slt.u32 s9, $0x34;
	v9 =	vld.idx.msk [tilespmem:v62+s17+$0x0], $0xffff;
	v10 =	vadd.s32 v39, v54;
	[tilespmem:s10+$0x0] =	vst v55  }
0x2ea: {  	v12 =	vadd.s32 v40, v54;
	v11 =	vld.idx.msk [tilespmem:v63+s17+$0x0], $0xffff;
	[tilespmem:s10+$0x10] =	vst v56  }
0x2eb: {  	v54 =	vadd.s32 v41, v54;
	v25 =	vld.idx.msk [tilespmem:v61+s17+$0x0], $0xffff;
	[tilespmem:s10+$0x20] =	vst v58  }
0x2ec: {  	v49 =	vor.u32 v29, v49;
	v48 =	vadd.s32 v8, v48;
	s4 =	sadd.s32 $0x400, s4;
	v55 =	vld.idx.msk [tilespmem:v60+s17+$0x0], $0xffff;
	[tilespmem:s10+$0x30] =	vst v57  }
0x2ed: {  	s2 =	sadd.s32 $0x1, s16;
	s5 =	sadd.s32 $0x200, s5;
	v56 =	vor.u32 v0, v48;
	s1 =	sand.u32 $0x3800, s4;
	[tilespmem:s8+$0x0] =	vst v44;
	v44 =	vld.idx.msk [tilespmem:v59+s17+$0x0], $0xffff  }
0x2ee: {  	s0 =	sadd.s32 $0xFFFFFE80, s5;
	s7 =	sand.u32 $0x380, s5;
	s3 =	sadd.s32 $0x18800, s1;
	v57 =	vor.u32 v14, v48;
	[tilespmem:s8+$0x10] =	vst v43;
	v43 =	vld.idx.msk [tilespmem:v10+s17+$0x0], $0xffff  }
0x2ef: {  	s11 =	sadd.s32 $0xFFFFFF80, s5;
	s10 =	sadd.s32 $0xFFFFFF00, s5;
	s12 =	sor.u32 s7, s3;
	v10 =	vor.u32 v15, v48;
	[tilespmem:s8+$0x20] =	vst v42;
	v42 =	vld.idx.msk [tilespmem:v12+s17+$0x0], $0xffff  }
0x2f0: {  	s13 =	sand.u32 $0x300, s11;
	s10 =	sand.u32 $0x280, s10;
	v12 =	vor.u32 v4, v48;
	s8 =	sand.u32 $0x200, s0;
	v54 =	vld.idx.msk [tilespmem:v54+s17+$0x0], $0xffff;
	[tilespmem:s12+$0x0] =	vst v53  }
0x2f1: {  	v58 =	vmov s2;
	s11 =	sor.u32 s13, s3;
	s15 =	sor.u32 s10, s3;
	v53 =	vor.u32 v5, v48;
	s0 =	sor.u32 s8, s3;
	v49 =	vld.idx.msk [tilespmem:v49+s17+$0x0], $0xffff;
	[tilespmem:s12+$0x10] =	vst v52  }
0x2f2: {  	v59 =	vshll.u32 v58, $0x8;
	v58 =	vshll.u32 v58, $0x7;
	v52 =	vld.idx.msk [tilespmem:v56+s17+$0x0], $0xffff;
	v56 =	vor.u32 v6, v48;
	[tilespmem:s12+$0x20] =	vst v51  }
0x2f3: {  	v59 =	vand.u32 $0x3800, v59;
	v58 =	vand.u32 $0x280, v58;
	v51 =	vld.idx.msk [tilespmem:v57+s17+$0x0], $0xffff;
	v57 =	vor.u32 v3, v48;
	[tilespmem:s12+$0x30] =	vst v50  }
0x2f4: {  	v48 =	vor.u32 v2, v48;
	v50 =	vor.u32 v58, v59;
	v10 =	vld.idx.msk [tilespmem:v10+s17+$0x0], $0xffff;
	[tilespmem:s12+$0x40] =	vst v9  }
0x2f5: {  	v9 =	vld.idx.msk [tilespmem:v12+s17+$0x0], $0xffff;
	v12 =	vadd.s32 v30, v50;
	[tilespmem:s12+$0x50] =	vst v11  }
0x2f6: {  	s2 =	sadd.s32 $0x18C00, s1;
	v11 =	vld.idx.msk [tilespmem:v53+s17+$0x0], $0xffff;
	v53 =	vadd.s32 v31, v50;
	[tilespmem:s12+$0x60] =	vst v25  }
0x2f7: {  	s18 =	sor.u32 s10, s2;
	s1 =	sor.u32 s8, s2;
	s8 =	sor.u32 s7, s2;
	v25 =	vld.idx.msk [tilespmem:v56+s17+$0x0], $0xffff;
	v56 =	vadd.s32 v32, v50;
	[tilespmem:s12+$0x70] =	vst v55  }
0x2f8: {  	s10 =	sor.u32 s13, s2;
	v55 =	vld.idx.msk [tilespmem:v57+s17+$0x0], $0xffff;
	v57 =	vadd.s32 v33, v50;
	[tilespmem:s8+$0x30] =	vst v54  }
0x2f9: {  	v48 =	vld.idx.msk [tilespmem:v48+s17+$0x0], $0xffff;
	[tilespmem:s0+$0x0] =	vst v45;
	v45 =	vadd.s32 v34, v50  }
0x2fa: {  	[tilespmem:s0+$0x10] =	vst v46;
	v12 =	vld.idx.msk [tilespmem:v12+s17+$0x0], $0xffff;
	v46 =	vadd.s32 v35, v50  }
0x2fb: {  	[tilespmem:s0+$0x20] =	vst v47;
	v47 =	vld.idx.msk [tilespmem:v53+s17+$0x0], $0xffff;
	v53 =	vadd.s32 v36, v50  }
0x2fc: {  	s2 =	sadd.s32 $0x2, s16;
	s16 =	smov.u32 s9;
	v54 =	vadd.s32 v37, v50;
	[tilespmem:s0+$0x30] =	vst v49;
	v49 =	vld.idx.msk [tilespmem:v56+s17+$0x0], $0xffff  }
0x2fd: {  	v56 =	vadd.s32 v38, v50;
	[tilespmem:s0+$0x40] =	vst v52;
	v52 =	vld.idx.msk [tilespmem:v57+s17+$0x0], $0xffff;
	v57 =	vmov s2  }
0x2fe: {  	[tilespmem:s0+$0x50] =	vst v51;
	v45 =	vld.idx.msk [tilespmem:v45+s17+$0x0], $0xffff;
	v51 =	vadd.s32 v39, v50;
	v58 =	vshll.u32 v57, $0x8;
	v57 =	vshll.u32 v57, $0x7  }
0x2ff: {  	[tilespmem:s0+$0x60] =	vst v10;
	v10 =	vld.idx.msk [tilespmem:v46+s17+$0x0], $0xffff;
	v46 =	vadd.s32 v40, v50;
	v58 =	vand.u32 $0x3800, v58;
	v57 =	vand.u32 $0x300, v57  }
0x300: {  	v50 =	vadd.s32 v41, v50;
	[tilespmem:s0+$0x70] =	vst v9;
	v9 =	vld.idx.msk [tilespmem:v53+s17+$0x0], $0xffff;
	v53 =	vor.u32 v57, v58  }
0x301: {  	[tilespmem:s1+$0x0] =	vst v11;
	v11 =	vld.idx.msk [tilespmem:v54+s17+$0x0], $0xffff;
	v54 =	vadd.s32 v30, v53  }
0x302: {  	[tilespmem:s1+$0x10] =	vst v25;
	v25 =	vld.idx.msk [tilespmem:v56+s17+$0x0], $0xffff;
	v56 =	vadd.s32 v31, v53  }
0x303: {  	[tilespmem:s1+$0x20] =	vst v55;
	v51 =	vld.idx.msk [tilespmem:v51+s17+$0x0], $0xffff;
	v55 =	vadd.s32 v32, v53  }
0x304: {  	[tilespmem:s1+$0x30] =	vst v48;
	v46 =	vld.idx.msk [tilespmem:v46+s17+$0x0], $0xffff;
	v48 =	vadd.s32 v33, v53  }
0x305: {  	v50 =	vld.idx.msk [tilespmem:v50+s17+$0x0], $0xffff;
	[tilespmem:s15+$0x0] =	vst v12;
	v12 =	vadd.s32 v34, v53  }
0x306: {  	[tilespmem:s15+$0x10] =	vst v47;
	v47 =	vld.idx.msk [tilespmem:v54+s17+$0x0], $0xffff;
	v54 =	vadd.s32 v35, v53  }
0x307: {  	[tilespmem:s15+$0x20] =	vst v49;
	v59 =	vld.idx.msk [tilespmem:v56+s17+$0x0], $0xffff;
	v56 =	vadd.s32 v36, v53  }
0x308: {  	v49 =	vmov s9;
	[tilespmem:s15+$0x30] =	vst v52;
	v52 =	vld.idx.msk [tilespmem:v55+s17+$0x0], $0xffff;
	v55 =	vadd.s32 v37, v53  }
0x309: {  	v57 =	vshll.u32 v49, $0x8;
	v49 =	vshll.u32 v49, $0x7;
	[tilespmem:s15+$0x40] =	vst v45;
	v60 =	vld.idx.msk [tilespmem:v48+s17+$0x0], $0xffff;
	v45 =	vadd.s32 v38, v53  }
0x30a: {  	v48 =	vand.u32 $0x3800, v57;
	v49 =	vand.u32 $0x200, v49;
	[tilespmem:s15+$0x50] =	vst v10;
	v10 =	vld.idx.msk [tilespmem:v12+s17+$0x0], $0xffff;
	v12 =	vadd.s32 v39, v53  }
0x30b: {  	s0 =	sadd.s32 $0x3, s9;
	v57 =	vadd.s32 v40, v53;
	v48 =	vor.u32 v49, v48;
	[tilespmem:s15+$0x60] =	vst v9;
	v9 =	vld.idx.msk [tilespmem:v54+s17+$0x0], $0xffff  }
0x30c: {  	v53 =	vadd.s32 v41, v53;
	v49 =	vadd.s32 v1, v48;
	v54 =	vmov s0;
	[tilespmem:s15+$0x70] =	vst v11;
	v11 =	vld.idx.msk [tilespmem:v56+s17+$0x0], $0xffff  }
0x30d: {  	v61 =	vor.u32 v7, v49;
	v56 =	vshll.u32 v54, $0x8;
	v54 =	vshll.u32 v54, $0x7;
	[tilespmem:s18+$0x0] =	vst v25;
	v25 =	vld.idx.msk [tilespmem:v55+s17+$0x0], $0xffff  }
0x30e: {  	v62 =	vor.u32 v28, v49;
	v56 =	vand.u32 $0x3800, v56;
	v54 =	vand.u32 $0x380, v54;
	[tilespmem:s18+$0x10] =	vst v51;
	v55 =	vld.idx.msk [tilespmem:v45+s17+$0x0], $0xffff  }
0x30f: {  	v51 =	vor.u32 v27, v49;
	v54 =	vor.u32 v54, v56;
	[tilespmem:s18+$0x20] =	vst v46;
	v56 =	vld.idx.msk [tilespmem:v12+s17+$0x0], $0xffff  }
0x310: {  	v12 =	vadd.s32 v30, v54;
	[tilespmem:s18+$0x30] =	vst v50;
	v58 =	vld.idx.msk [tilespmem:v57+s17+$0x0], $0xffff  }
0x311: {  	v50 =	vadd.s32 v31, v54;
	v57 =	vld.idx.msk [tilespmem:v53+s17+$0x0], $0xffff;
	[tilespmem:s11+$0x0] =	vst v47  }
0x312: {  	v26 =	vadd.s32 v32, v54;
	v45 =	vld.idx.msk [tilespmem:v61+s17+$0x0], $0xffff;
	[tilespmem:s11+$0x10] =	vst v59  }
0x313: {  	v59 =	vadd.s32 v33, v54;
	v46 =	vld.idx.msk [tilespmem:v62+s17+$0x0], $0xffff;
	[tilespmem:s11+$0x20] =	vst v52  }
.Ltmp5:
0x314: {  	v62 =	vadd.s32 v34, v54;
	v47 =	vld.idx.msk [tilespmem:v51+s17+$0x0], $0xffff;
	[tilespmem:s11+$0x30] =	vst v60;
	(pc) =	sbr.rel @p0 .LBB2_9-.Ltmp5, $4  }
0x315: {  	v63 =	vadd.s32 v35, v54;
	v53 =	vld.idx.msk [tilespmem:v12+s17+$0x0], $0xffff;
	[tilespmem:s11+$0x40] =	vst v10  }
0x316: {  	v61 =	vadd.s32 v36, v54;
	v52 =	vld.idx.msk [tilespmem:v50+s17+$0x0], $0xffff;
	[tilespmem:s11+$0x50] =	vst v9  }
0x317: {  	v60 =	vadd.s32 v37, v54;
	v51 =	vld.idx.msk [tilespmem:v26+s17+$0x0], $0xffff;
	[tilespmem:s11+$0x60] =	vst v11  }
0x318: {  	s9 =	sadd.s32 $0x4, s9;
	v50 =	vld.idx.msk [tilespmem:v59+s17+$0x0], $0xffff;
	v59 =	vadd.s32 v38, v54;
	[tilespmem:s11+$0x70] =	vst v25  }
0x319: {  	_ =	sdelay $0x3  }
0x31a: {  	v9 =	vld.idx.msk [tilespmem:v62+s17+$0x0], $0xffff;
	v10 =	vadd.s32 v39, v54;
	[tilespmem:s10+$0x0] =	vst v55  }
0x31b: {  	v11 =	vld.idx.msk [tilespmem:v63+s17+$0x0], $0xffff;
	v12 =	vadd.s32 v40, v54;
	[tilespmem:s10+$0x10] =	vst v56  }
0x31c: {  	v25 =	vld.idx.msk [tilespmem:v61+s17+$0x0], $0xffff;
	v26 =	vadd.s32 v41, v54;
	[tilespmem:s10+$0x20] =	vst v58  }
0x31d: {  	v55 =	vld.idx.msk [tilespmem:v60+s17+$0x0], $0xffff;
	[tilespmem:s10+$0x30] =	vst v57;
	s0 =	sadd.s32 $0x400, s4  }
0x31e: {  	v54 =	vadd.s32 v8, v48;
	v48 =	vld.idx.msk [tilespmem:v59+s17+$0x0], $0xffff;
	[tilespmem:s8+$0x0] =	vst v44;
	s5 =	sadd.s32 $0x200, s5;
	s0 =	sand.u32 $0x3800, s0  }
0x31f: {  	[tilespmem:s8+$0x10] =	vst v43;
	s1 =	sand.u32 $0x380, s5;
	s11 =	sadd.s32 $0x18800, s0;
	v44 =	vld.idx.msk [tilespmem:v10+s17+$0x0], $0xffff  }
0x320: {  	v49 =	vor.u32 v29, v49;
	[tilespmem:s8+$0x20] =	vst v42;
	s3 =	sor.u32 s1, s11;
	v43 =	vld.idx.msk [tilespmem:v12+s17+$0x0], $0xffff  }
0x321: {  	v56 =	vor.u32 v0, v54;
	v26 =	vld.idx.msk [tilespmem:v26+s17+$0x0], $0xffff;
	[tilespmem:s3+$0x0] =	vst v53  }
0x322: {  	v7 =	vor.u32 v14, v54;
	[tilespmem:s3+$0x10] =	vst v52  }
0x323: {  	v10 =	vor.u32 v15, v54;
	[tilespmem:s3+$0x20] =	vst v51  }
0x324: {  	s2 =	sadd.s32 $0x1, s16;
	v59 =	vmov v4;
	v12 =	vor.u32 v4, v54;
	[tilespmem:s3+$0x30] =	vst v50  }
0x325: {  	v60 =	vmovc v5;
	v42 =	vld.idx.msk [tilespmem:v49+s17+$0x0], $0xffff;
	v49 =	vor.u32 v5, v54;
	v5 =	vmov s2;
	v4 =	vor.u32 v2, v54;
	[tilespmem:s3+$0x40] =	vst v9  }
0x326: {  	v61 =	vmovc v6;
	[tilespmem:s3+$0x50] =	vst v11;
	v52 =	vld.idx.msk [tilespmem:v56+s17+$0x0], $0xffff;
	v56 =	vor.u32 v6, v54;
	v6 =	vshll.u32 v5, $0x8;
	v53 =	vshll.u32 v5, $0x7  }
0x327: {  	s9 =	sadd.s32 $0x18C00, s0;
	[tilespmem:s3+$0x60] =	vst v25;
	v51 =	vld.idx.msk [tilespmem:v7+s17+$0x0], $0xffff;
	v58 =	vand.u32 $0x3800, v6;
	v53 =	vand.u32 $0x280, v53  }
0x328: {  	s14 =	sor.u32 s1, s9;
	[tilespmem:s3+$0x70] =	vst v55;
	v7 =	vor.u32 v3, v54;
	v53 =	vor.u32 v53, v58;
	v10 =	vld.idx.msk [tilespmem:v10+s17+$0x0], $0xffff  }
0x329: {  	[tilespmem:s14+$0x0] =	vst v48;
	v5 =	vadd.s32 v31, v53;
	v9 =	vld.idx.msk [tilespmem:v12+s17+$0x0], $0xffff  }
0x32a: {  	s12 =	sadd.s32 $0xFFFFFE80, s5;
	v54 =	vadd.s32 v32, v53;
	v11 =	vld.idx.msk [tilespmem:v49+s17+$0x0], $0xffff;
	[tilespmem:s14+$0x30] =	vst v26  }
0x32b: {  	s13 =	sand.u32 $0x200, s12;
	v6 =	vadd.s32 v33, v53;
	v26 =	vld.idx.msk [tilespmem:v4+s17+$0x0], $0xffff;
	[tilespmem:s14+$0x10] =	vst v44  }
0x32c: {  	s15 =	sor.u32 s13, s11;
	v12 =	vadd.s32 v30, v53;
	[tilespmem:s14+$0x20] =	vst v43;
	v25 =	vld.idx.msk [tilespmem:v56+s17+$0x0], $0xffff  }
0x32d: {  	v55 =	vld.idx.msk [tilespmem:v7+s17+$0x0], $0xffff;
	v7 =	vadd.s32 v34, v53;
	[tilespmem:s15+$0x0] =	vst v45  }
0x32e: {  	v4 =	vadd.s32 v35, v53;
	[tilespmem:s15+$0x10] =	vst v46;
	v46 =	vld.idx.msk [tilespmem:v5+s17+$0x0], $0xffff  }
0x32f: {  	[tilespmem:s15+$0x20] =	vst v47;
	v5 =	vadd.s32 v36, v53;
	v47 =	vld.idx.msk [tilespmem:v54+s17+$0x0], $0xffff  }
0x330: {  	s16 =	sadd.s32 $0x2, s16;
	[tilespmem:s15+$0x30] =	vst v42;
	v56 =	vadd.s32 v38, v53;
	v42 =	vld.idx.msk [tilespmem:v6+s17+$0x0], $0xffff  }
0x331: {  	[tilespmem:s15+$0x40] =	vst v52;
	v52 =	vadd.s32 v39, v53;
	v6 =	vmov s16;
	v12 =	vld.idx.msk [tilespmem:v12+s17+$0x0], $0xffff  }
0x332: {  	[tilespmem:s15+$0x50] =	vst v51;
	v54 =	vadd.s32 v37, v53;
	v57 =	vshll.u32 v6, $0x7;
	v50 =	vld.idx.msk [tilespmem:v7+s17+$0x0], $0xffff;
	v7 =	vshll.u32 v6, $0x8  }
0x333: {  	v45 =	vld.idx.msk [tilespmem:v4+s17+$0x0], $0xffff;
	v4 =	vadd.s32 v40, v53;
	[tilespmem:s15+$0x60] =	vst v10;
	v57 =	vand.u32 $0x300, v57;
	v58 =	vand.u32 $0x3800, v7  }
0x334: {  	s0 =	sor.u32 s13, s9;
	[tilespmem:s15+$0x70] =	vst v9;
	v10 =	vld.idx.msk [tilespmem:v5+s17+$0x0], $0xffff;
	v5 =	vadd.s32 v41, v53;
	v53 =	vor.u32 v57, v58  }
0x335: {  	[tilespmem:s0+$0x0] =	vst v11;
	v11 =	vld.idx.msk [tilespmem:v56+s17+$0x0], $0xffff;
	v6 =	vadd.s32 v30, v53  }
0x336: {  	s18 =	sadd.s32 $0xFFFFFF00, s5;
	[tilespmem:s0+$0x10] =	vst v25;
	v25 =	vld.idx.msk [tilespmem:v52+s17+$0x0], $0xffff;
	v7 =	vadd.s32 v31, v53  }
0x337: {  	s1 =	sand.u32 $0x280, s18;
	[tilespmem:s0+$0x20] =	vst v55;
	v9 =	vld.idx.msk [tilespmem:v54+s17+$0x0], $0xffff;
	v52 =	vadd.s32 v32, v53  }
0x338: {  	s21 =	sor.u32 s1, s11;
	[tilespmem:s0+$0x30] =	vst v26;
	v51 =	vld.idx.msk [tilespmem:v4+s17+$0x0], $0xffff;
	v4 =	vadd.s32 v33, v53  }
0x339: {  	v26 =	vld.idx.msk [tilespmem:v5+s17+$0x0], $0xffff;
	v5 =	vadd.s32 v34, v53;
	[tilespmem:s21+$0x0] =	vst v12  }
0x33a: {  	[tilespmem:s21+$0x10] =	vst v46;
	v12 =	vld.idx.msk [tilespmem:v6+s17+$0x0], $0xffff;
	v6 =	vadd.s32 v35, v53  }
0x33b: {  	v57 =	vadd.s32 v37, v53;
	[tilespmem:s21+$0x20] =	vst v47;
	v46 =	vld.idx.msk [tilespmem:v7+s17+$0x0], $0xffff  }
0x33c: {  	v58 =	vadd.s32 v38, v53;
	[tilespmem:s21+$0x30] =	vst v42;
	v47 =	vld.idx.msk [tilespmem:v52+s17+$0x0], $0xffff  }
0x33d: {  	[tilespmem:s21+$0x40] =	vst v50;
	v7 =	vadd.s32 v36, v53;
	v42 =	vld.idx.msk [tilespmem:v4+s17+$0x0], $0xffff  }
0x33e: {  	[tilespmem:s21+$0x50] =	vst v45;
	v4 =	vadd.s32 v39, v53;
	v49 =	vld.idx.msk [tilespmem:v5+s17+$0x0], $0xffff  }
0x33f: {  	[tilespmem:s21+$0x60] =	vst v10;
	v5 =	vld.idx.msk [tilespmem:v6+s17+$0x0], $0xffff;
	v6 =	vadd.s32 v40, v53  }
0x340: {  	s23 =	sor.u32 s1, s9;
	[tilespmem:s21+$0x70] =	vst v9;
	v56 =	vld.idx.msk [tilespmem:v57+s17+$0x0], $0xffff;
	v53 =	vadd.s32 v41, v53  }
0x341: {  	[tilespmem:s23+$0x0] =	vst v11;
	v57 =	vld.idx.msk [tilespmem:v58+s17+$0x0], $0xffff  }
0x342: {  	s24 =	sadd.s32 $0xFFFFFF80, s5;
	[tilespmem:s23+$0x10] =	vst v25;
	v7 =	vld.idx.msk [tilespmem:v7+s17+$0x0], $0xffff  }
0x343: {  	s1 =	sand.u32 $0x300, s24;
	[tilespmem:s23+$0x20] =	vst v51;
	v25 =	vld.idx.msk [tilespmem:v4+s17+$0x0], $0xffff  }
0x344: {  	s25 =	sor.u32 s1, s11;
	[tilespmem:s23+$0x30] =	vst v26;
	v58 =	vld.idx.msk [tilespmem:v6+s17+$0x0], $0xffff  }
0x345: {  	v26 =	vld.idx.msk [tilespmem:v53+s17+$0x0], $0xffff;
	[tilespmem:s25+$0x0] =	vst v12  }
0x346: {  	[tilespmem:s25+$0x10] =	vst v46  }
0x347: {  	[tilespmem:s25+$0x20] =	vst v47  }
0x348: {  	[tilespmem:s25+$0x30] =	vst v42  }
0x349: {  	[tilespmem:s25+$0x40] =	vst v49  }
0x34a: {  	[tilespmem:s25+$0x50] =	vst v5  }
0x34b: {  	[tilespmem:s25+$0x60] =	vst v7  }
0x34c: {  	s26 =	sor.u32 s1, s9;
	[tilespmem:s25+$0x70] =	vst v56  }
.Ltmp6:
0x34d: {  	[tilespmem:s26+$0x0] =	vst v57;
	(pc) =	sbr.rel @p1 .LBB2_12-.Ltmp6, $4  }
0x34e: {  	[tilespmem:s26+$0x10] =	vst v25  }
0x34f: {  	[tilespmem:s26+$0x20] =	vst v58  }
0x350: {  	s28 =	sadd.s32 s20, s31;
	s31 =	simm.s32 $0x18800;
	[tilespmem:s26+$0x30] =	vst v26  }
0x351: {  	v27 =	vmovc v14;
	v29 =	vmovc v15;
	v62 =	vmov v3;
	v63 =	vmov v2;
	v25 =	vmov v8;
	[hbm4b:s28+s6] =	stream.linear.scatter [tilespmem:s31], [sflag:$0x4], $0x3800, $0x38;
	[tilespmem:$0x1C000] =	vst v63  }
0x352: {  	s0 =	rddreg [dreg:$0xc]  }
0x353: {  	v26 =	vld [tilespmem:$0x1FF60];
	s0 =	sadd.s32 s30, s0  }
0x354: {  	v10 =	vld [tilespmem:$0x1FF70];
	s0 =	smul.u32 $0x700, s0  }
.Ltmp7:
0x355: {  	s1 =	rddreg [dreg:$0x0];
	v11 =	vld [tilespmem:$0x1FF90];
	(pc) =	sbr.rel .LBB2_2-.Ltmp7, $4  }
0x356: {  	v12 =	vld [tilespmem:$0x1FFB0];
	s30 =	rddreg [dreg:$0x1];
	s1 =	sadd.s32 s1, s0  }
0x357: {  	v2 =	vmov v27;
	v27 =	vld [tilespmem:$0x1FF80];
	[tilespmem:s17], [sflag:$0x2] =	stream.linear.gather [hbm4b:s1+s6], $0x3800, $0x38  }
0x358: {  	s31 =	simm.s32 $0xA800;
	s29 =	sadd.s32 $0x1, s29;
	v3 =	vmov v29;
	v14 =	vld [tilespmem:$0x1FFE0];
	s0 =	sadd.s32 s30, s0  }
0x359: {  	v4 =	vmovc v59;
	v5 =	vmovc v60;
	v6 =	vmov v61;
	v7 =	vmov v62;
	v8 =	vmov v63;
	v15 =	vld [tilespmem:$0x1FFF0];
	[tilespmem:s31], [sflag:$0x2] =	stream.linear.gather [hbm4b:s0+s6], $0x3800, $0x38  }
.LBB2_13:
0x35a: {  	_ =	sfence.sel $0x180000  }
0x35b: {  	[bflag:$0x0] =	sbarrier.arrive $0xFFFF  }
0x35c: {  	_ =	strace $0x90000047  }
0x35d: {  	s0 =	stileid.u32;
	[bflag:$0x2] =	sbarrier.arrive $0xFFFF  }
0x35e: {  	p0 =	sne.s32 s0, $0x0;
	s0 =	rddreg [dreg:$0x4]  }
0x35f: {  	s0 =	sadd.s32 @!p0 $0x100000, s0  }
0x360: {  	[sflag:s0] =	ssyncadd.tile.s32 @!p0 $0x1;
	_ =	shalt  }
.Lfunc_end2:
_tile_overlayer_lowered:
.L_overlay_start_2:
0x361: {  	(tag) =	ssettag $0x2  }
0x362: {  	s0 =	rddreg [dreg:$0x0];
	s2 =	stileid.u32  }
0x363: {  	s1 =	rddreg [dreg:$0x1];
	p0 =	sne.s32 s2, $0x0  }
0x364: {  	s3 =	rddreg [dreg:$0x2];
	[bflag:$0x3] =	sbarrier.arrive $0xFFFF;
	s2 =	simm.s32 @!p0 $0x1C05  }
0x365: {  	[timem:s3], [sflag:s2] =	dma.local @!p0 [hbm:s0], s1  }
0x366: {  	s0 =	simm.s32 @!p0 $0x5  }
0x367: {  	_ =	swait.ge @!p0 [sflag:s0], s1  }
0x368: {  	s1 =	ssub.s32 @!p0 $0x0, s1;
	[sflag:s0] =	ssyncset.done @!p0 $0x0  }
0x369: {  	[sflag:s0] =	ssyncadd.s32 @!p0 s1  }
0x36a: {  	[bflag:$0x3] =	sbarrier.arrive $0xFFFF  }
0x36b: {  	_ =	shalt  }

</sc_bundles>
